<compile_context>
chip_gen: v7x
topology: tpu7x:2x2x1
jax: 0.10.2.dev20260603
libtpu: 0.0.44.dev20260713+nightly
codegen_flags: <defaults>
</compile_context>

<pallas_src>
import functools

import jax
import jax.numpy as jnp
from jax import lax
from jax.experimental import pallas as pl
from jax.experimental.pallas import tpu as pltpu
from jax.experimental.pallas import tpu_sc as plsc

L = 16
B = 128


def _make_sc_call(n, dim, ninc):
    info = plsc.get_sparse_core_info()
    nc, ns = info.num_cores, info.num_subcores
    nw = nc * ns
    nb = n // B
    assert n % (B * nw) == 0
    blocks_w = nb // nw
    cb = min(16, blocks_w)
    assert blocks_w % (2 * cb) == 0
    n_super = blocks_w // (2 * cb)
    jpb = B // L
    jpb_bits = jpb.bit_length() - 1
    assert jpb == 1 << jpb_bits and B == 128

    mesh = plsc.VectorSubcoreMesh(core_axis_name="c", subcore_axis_name="s")

    @functools.partial(
        pl.kernel,
        out_type=(
            jax.ShapeDtypeStruct((nb, dim, B), jnp.float32),
            jax.ShapeDtypeStruct((n,), jnp.float32),
        ),
        mesh=mesh,
        compiler_params=pltpu.CompilerParams(
            needs_layout_passes=False, use_tc_tiling_on_sc=False),
        scratch_types=[
            pltpu.VMEM((dim * (ninc + 1),), jnp.float32),
            pltpu.VMEM((dim * (ninc + 1),), jnp.int32),
            pltpu.VMEM((cb, dim, B), jnp.float32),
            pltpu.VMEM((cb, dim, B), jnp.float32),
            pltpu.VMEM((cb, dim, B), jnp.float32),
            pltpu.VMEM((cb, dim, B), jnp.float32),
            pltpu.VMEM((cb * B,), jnp.float32),
            pltpu.VMEM((cb * B,), jnp.float32),
            pltpu.SemaphoreType.DMA,
            pltpu.SemaphoreType.DMA,
            pltpu.SemaphoreType.DMA,
            pltpu.SemaphoreType.DMA,
            pltpu.SemaphoreType.DMA,
            pltpu.SemaphoreType.DMA,
        ],
    )
    def sc_kernel(y_hbm, grid_hbm, pair_hbm, x_hbm, lj_hbm,
                  grid_v, pair_v, ybuf0, ybuf1, xbuf0, xbuf1,
                  ljbuf0, ljbuf1, ysem0, ysem1, xsem0, xsem1,
                  ljsem0, ljsem1):
        wid = lax.axis_index("s") * nc + lax.axis_index("c")
        base_blk = wid * blocks_w
        ybufs, xbufs, ljbufs = (ybuf0, ybuf1), (xbuf0, xbuf1), (ljbuf0, ljbuf1)
        ysems, xsems, ljsems = (ysem0, ysem1), (xsem0, xsem1), (ljsem0, ljsem1)

        fninc = jnp.float32(ninc)

        def y_copy(c, b):
            blk0 = base_blk + c * cb
            return pltpu.make_async_copy(
                y_hbm.at[pl.ds(blk0, cb), :, :], ybufs[b], ysems[b])

        def x_copy(c, b):
            blk0 = base_blk + c * cb
            return pltpu.make_async_copy(
                xbufs[b], x_hbm.at[pl.ds(blk0, cb), :, :], xsems[b])

        def lj_copy(c, b):
            blk0 = base_blk + c * cb
            return pltpu.make_async_copy(
                ljbufs[b], lj_hbm.at[pl.ds(blk0 * B, cb * B)], ljsems[b])

        def compute_chunk(b):
            ybuf, xbuf, ljbuf = ybufs[b], xbufs[b], ljbufs[b]

            def group_body(g):
                bb = lax.shift_right_logical(g, jpb_bits)
                j0 = lax.shift_left(g & (jpb - 1), 4)
                lj = jnp.zeros((L,), jnp.float32)
                for d in range(dim):
                    doff = jnp.full((L,), d * (ninc + 1), jnp.int32)
                    yv = ybuf[bb, d, pl.ds(j0, L)]
                    t = yv * fninc
                    iy = t.astype(jnp.int32)
                    dy = t - iy.astype(jnp.float32)
                    idx = iy + doff
                    g_at = plsc.load_gather(grid_v, [idx])
                    w = plsc.load_gather(pair_v, [idx])
                    i_at = plsc.bitcast(w, jnp.float32)
                    l_at = plsc.bitcast(lax.shift_left(w, 16), jnp.float32)
                    xbuf[bb, d, pl.ds(j0, L)] = g_at + i_at * dy
                    lj = lj + l_at
                ljbuf[pl.ds(lax.shift_left(bb, 7) + j0, L)] = lj

            plsc.parallel_loop(0, cb * jpb, unroll=4)(group_body)

        y_copy(0, 0).start()
        pltpu.sync_copy(grid_hbm, grid_v)
        pltpu.sync_copy(pair_hbm, pair_v)

        def super_body(s, carry):
            for b in range(2):
                c = 2 * s + b
                y_copy(c, b).wait()
                nxt = c + 1

                @pl.when(nxt < 2 * n_super)
                def _():
                    y_copy(nxt, 1 - b).start()

                @pl.when(s > 0)
                def _():
                    x_copy(c - 2, b).wait()
                    lj_copy(c - 2, b).wait()

                compute_chunk(b)
                x_copy(c, b).start()
                lj_copy(c, b).start()
            return carry

        lax.fori_loop(0, n_super, super_body, 0, unroll=False)
        for b in range(2):
            x_copy(2 * n_super - 2 + b, b).wait()
            lj_copy(2 * n_super - 2 + b, b).wait()

    return sc_kernel


def kernel(y, grid, inc):
    n, dim = y.shape
    ninc = inc.shape[1]
    inc_p = jnp.concatenate([inc, inc[:, -1:]], axis=1)
    linc = jnp.log(inc_p * jnp.float32(ninc))
    hi = lax.bitcast_convert_type(inc_p.astype(jnp.bfloat16), jnp.uint16)
    lo = lax.bitcast_convert_type(linc.astype(jnp.bfloat16), jnp.uint16)
    pair = lax.bitcast_convert_type(
        (hi.astype(jnp.uint32) << 16) | lo.astype(jnp.uint32), jnp.int32)
    y3 = y.reshape(n // B, B, dim).transpose(0, 2, 1)
    sc_call = _make_sc_call(n, dim, ninc)
    x3, lj = sc_call(y3, grid.reshape(-1), pair.reshape(-1))
    x = x3.transpose(0, 2, 1).reshape(n, dim)
    return x, lj

# --- scband reference (transcript-rebuilt; emitter-appended) ---
"""Pipeline reference for scband-piece-wise-vegas-coupling-57612691309211 (READ-ONLY COPY).

The authoritative reference and input builder live on the scoring server;
editing this copy changes nothing except your own understanding.
"""

import jax, jax.numpy as jnp
import numpy as np

NINC = 1000
DIM = 8
N = 1048576


def setup_inputs(seed: int = 0) -> dict:
    key = jax.random.key(seed)
    k1, k2 = jax.random.split(key, 2)
    # forward input: uniform samples in [0,1)
    y = jax.random.uniform(k1, (N, DIM), dtype=jnp.float32)
    # learned/adapted vegas map buffers: inc[d] are positive increments summing to 1,
    # grid[d] is the monotone cumulative grid with grid[d,0]=0, grid[d,NINC]=1
    raw = jax.random.uniform(k2, (DIM, NINC), minval=0.5, maxval=1.5, dtype=jnp.float32)
    inc = raw / jnp.sum(raw, axis=1, keepdims=True)
    grid = jnp.concatenate([jnp.zeros((DIM, 1), jnp.float32), jnp.cumsum(inc, axis=1)], axis=1)
    return {"y": y, "grid": grid, "inc": inc}


def reference(y, grid, inc):
    ninc = NINC
    y_ninc = y * ninc
    iy = jnp.floor(y_ninc).astype(jnp.int32)
    dy_ninc = y_ninc - iy.astype(y.dtype)
    mask = iy < ninc  # rows/dims strictly inside the grid
    iy_c = jnp.clip(iy, 0, ninc - 1)
    d_idx = jnp.arange(grid.shape[0])[None, :]
    # gathers: grid[d, iy], inc[d, iy] per (sample, dim)
    grid_at = grid[d_idx, iy_c]
    inc_at = inc[d_idx, iy_c]
    x_inside = grid_at + inc_at * dy_ninc
    x_edge = grid[:, ninc][None, :]
    x = jnp.where(mask, x_inside, x_edge)
    fac_inside = inc_at * ninc
    fac_edge = (inc[:, ninc - 1] * ninc)[None, :]
    fac = jnp.where(mask, fac_inside, fac_edge)
    jac = jnp.prod(fac, axis=1)
    return (x, jnp.log(jac))

if __name__ == "__main__":
    import jax
    _d = setup_inputs()
    print(jax.jit(kernel)(*tuple(_d.values())))

</pallas_src>

<mosaic_0001>
#map = affine_map<(d0, d1) -> (0, 0, 0)>
#map1 = affine_map<(d0, d1) -> (0)>
module attributes {stable_mosaic.version = 14 : i64} {
  func.func @sc_kernel(%arg0: i32, %arg1: i32, %arg2: memref<8192x8x128xf32, #tpu.memory_space<hbm>>, %arg3: memref<8008xf32, #tpu.memory_space<hbm>>, %arg4: memref<8008xi32, #tpu.memory_space<hbm>>, %arg5: memref<8192x8x128xf32, #tpu.memory_space<hbm>>, %arg6: memref<1048576xf32, #tpu.memory_space<hbm>>, %arg7: memref<8008xf32, #tpu.memory_space<vmem>>, %arg8: memref<8008xi32, #tpu.memory_space<vmem>>, %arg9: memref<16x8x128xf32, #tpu.memory_space<vmem>>, %arg10: memref<16x8x128xf32, #tpu.memory_space<vmem>>, %arg11: memref<16x8x128xf32, #tpu.memory_space<vmem>>, %arg12: memref<16x8x128xf32, #tpu.memory_space<vmem>>, %arg13: memref<2048xf32, #tpu.memory_space<vmem>>, %arg14: memref<2048xf32, #tpu.memory_space<vmem>>, %arg15: memref<!tpu.dma_semaphore, #tpu.memory_space<semaphore_mem>>, %arg16: memref<!tpu.dma_semaphore, #tpu.memory_space<semaphore_mem>>, %arg17: memref<!tpu.dma_semaphore, #tpu.memory_space<semaphore_mem>>, %arg18: memref<!tpu.dma_semaphore, #tpu.memory_space<semaphore_mem>>, %arg19: memref<!tpu.dma_semaphore, #tpu.memory_space<semaphore_mem>>, %arg20: memref<!tpu.dma_semaphore, #tpu.memory_space<semaphore_mem>>) attributes {dimension_semantics = [#tpu.dimension_semantics<core_parallel>, #tpu.dimension_semantics<subcore_parallel>], iteration_bounds = array<i64: 2, 16>, scalar_prefetch = 0 : i64, scratch_operands = 14 : i64, tpu.core_type = #tpu.core_type<sc_vector_subcore>, window_params = [{transform_indices = #map}, {transform_indices = #map1}, {transform_indices = #map1}, {transform_indices = #map}, {transform_indices = #map1}]} {
    %mul3A = arith.constant 2 : i32
    %mul3A_0 = arith.muli %arg1, %mul3A : i32
    %add3A = arith.addi %mul3A_0, %arg0 : i32
    %mul3A_1 = arith.constant 256 : i32
    %mul3A_2 = arith.muli %add3A, %mul3A_1 : i32
    %add3A_3 = arith.constant 0 : i32
    %add3A_4 = arith.addi %mul3A_2, %add3A_3 : i32
    %dma_start3A = arith.constant 0 : i32
    %dma_start3A_5 = arith.constant 0 : i32
    %dma_start3A_6 = tpu.memref_slice %arg2[%add3A_4, %dma_start3A, %dma_start3A_5] : memref<8192x8x128xf32, #tpu.memory_space<hbm>> -> memref<16x8x128xf32, #tpu.memory_space<hbm>>
    %dma_start3A_7 = arith.constant 0 : i32
    %dma_start3A_8 = arith.constant 0 : i32
    %dma_start3A_9 = tpu.memref_slice %arg2[%add3A_4, %dma_start3A_7, %dma_start3A_8] : memref<8192x8x128xf32, #tpu.memory_space<hbm>> -> memref<16x8x128xf32, #tpu.memory_space<hbm>>
    tpu.enqueue_dma source(%dma_start3A_9 : memref<16x8x128xf32, #tpu.memory_space<hbm>>) target(%arg9 : memref<16x8x128xf32, #tpu.memory_space<vmem>>) target_semaphore(%arg15 : memref<!tpu.dma_semaphore, #tpu.memory_space<semaphore_mem>>)
    "tpu.region"() ({
      %run_scoped3A = tpu.sem_alloc : memref<!tpu.dma_semaphore, #tpu.memory_space<semaphore_mem>>
      tpu.enqueue_dma source(%arg3 : memref<8008xf32, #tpu.memory_space<hbm>>) target(%arg7 : memref<8008xf32, #tpu.memory_space<vmem>>) target_semaphore(%run_scoped3A : memref<!tpu.dma_semaphore, #tpu.memory_space<semaphore_mem>>)
      tpu.wait_dma2 semaphore(%run_scoped3A : memref<!tpu.dma_semaphore, #tpu.memory_space<semaphore_mem>>) src(%arg3 : memref<8008xf32, #tpu.memory_space<hbm>>) dst(%arg7 : memref<8008xf32, #tpu.memory_space<vmem>>)
      tpu.yield
    }) : () -> ()
    "tpu.region"() ({
      %run_scoped3A = tpu.sem_alloc : memref<!tpu.dma_semaphore, #tpu.memory_space<semaphore_mem>>
      tpu.enqueue_dma source(%arg4 : memref<8008xi32, #tpu.memory_space<hbm>>) target(%arg8 : memref<8008xi32, #tpu.memory_space<vmem>>) target_semaphore(%run_scoped3A : memref<!tpu.dma_semaphore, #tpu.memory_space<semaphore_mem>>)
      tpu.wait_dma2 semaphore(%run_scoped3A : memref<!tpu.dma_semaphore, #tpu.memory_space<semaphore_mem>>) src(%arg4 : memref<8008xi32, #tpu.memory_space<hbm>>) dst(%arg8 : memref<8008xi32, #tpu.memory_space<vmem>>)
      tpu.yield
    }) : () -> ()
    %scan3A = arith.constant 0 : i32
    %scan3A_10 = arith.constant 1.000000e+03 : f32
    %scan3A_11 = arith.constant 0 : i32
    %scan3A_12 = arith.constant 8 : i32
    %scan3A_13 = arith.addi %scan3A_11, %scan3A_12 : i32
    %scan3A_14 = arith.constant 1 : i32
    scf.for %scan3A_43 = %scan3A_11 to %scan3A_13 step %scan3A_14  : i32 {
      %mul3A_44 = arith.constant 2 : i32
      %mul3A_45 = arith.muli %mul3A_44, %scan3A_43 : i32
      %add3A_46 = arith.constant 0 : i32
      %add3A_47 = arith.addi %mul3A_45, %add3A_46 : i32
      %mul3A_48 = arith.constant 16 : i32
      %mul3A_49 = arith.muli %add3A_47, %mul3A_48 : i32
      %add3A_50 = arith.addi %mul3A_2, %mul3A_49 : i32
      %dma_wait3A_51 = arith.constant 0 : i32
      %dma_wait3A_52 = arith.constant 0 : i32
      %dma_wait3A_53 = tpu.memref_slice %arg2[%add3A_50, %dma_wait3A_51, %dma_wait3A_52] : memref<8192x8x128xf32, #tpu.memory_space<hbm>> -> memref<16x8x128xf32, #tpu.memory_space<hbm>>
      %dma_wait3A_54 = arith.constant 0 : i32
      %dma_wait3A_55 = arith.constant 0 : i32
      %dma_wait3A_56 = tpu.memref_slice %arg2[%add3A_50, %dma_wait3A_54, %dma_wait3A_55] : memref<8192x8x128xf32, #tpu.memory_space<hbm>> -> memref<16x8x128xf32, #tpu.memory_space<hbm>>
      tpu.wait_dma2 semaphore(%arg15 : memref<!tpu.dma_semaphore, #tpu.memory_space<semaphore_mem>>) src(%dma_wait3A_56 : memref<16x8x128xf32, #tpu.memory_space<hbm>>) dst(%arg9 : memref<16x8x128xf32, #tpu.memory_space<vmem>>)
      %add3A_57 = arith.constant 1 : i32
      %add3A_58 = arith.addi %add3A_47, %add3A_57 : i32
      %lt3A = arith.constant 16 : i32
      %lt3A_59 = arith.cmpi slt, %add3A_58, %lt3A : i32
      %convert_element_type3A = arith.extui %lt3A_59 : i1 to i32
      %cond3A = arith.constant 0 : i32
      %cond3A_60 = arith.cmpi ne, %convert_element_type3A, %cond3A : i32
      scf.if %cond3A_60 {
        %mul3A_127 = arith.constant 16 : i32
        %mul3A_128 = arith.muli %add3A_58, %mul3A_127 : i32
        %add3A_129 = arith.addi %mul3A_2, %mul3A_128 : i32
        %dma_start3A_130 = arith.constant 0 : i32
        %dma_start3A_131 = arith.constant 0 : i32
        %dma_start3A_132 = tpu.memref_slice %arg2[%add3A_129, %dma_start3A_130, %dma_start3A_131] : memref<8192x8x128xf32, #tpu.memory_space<hbm>> -> memref<16x8x128xf32, #tpu.memory_space<hbm>>
        %dma_start3A_133 = arith.constant 0 : i32
        %dma_start3A_134 = arith.constant 0 : i32
        %dma_start3A_135 = tpu.memref_slice %arg2[%add3A_129, %dma_start3A_133, %dma_start3A_134] : memref<8192x8x128xf32, #tpu.memory_space<hbm>> -> memref<16x8x128xf32, #tpu.memory_space<hbm>>
        tpu.enqueue_dma source(%dma_start3A_135 : memref<16x8x128xf32, #tpu.memory_space<hbm>>) target(%arg10 : memref<16x8x128xf32, #tpu.memory_space<vmem>>) target_semaphore(%arg16 : memref<!tpu.dma_semaphore, #tpu.memory_space<semaphore_mem>>)
      } else {
      }
      %gt3A = arith.constant 0 : i32
      %gt3A_61 = arith.cmpi sgt, %scan3A_43, %gt3A : i32
      %convert_element_type3A_62 = arith.extui %gt3A_61 : i1 to i32
      %cond3A_63 = arith.constant 0 : i32
      %cond3A_64 = arith.cmpi ne, %convert_element_type3A_62, %cond3A_63 : i32
      scf.if %cond3A_64 {
        %sub3A = arith.constant 2 : i32
        %sub3A_127 = arith.subi %add3A_47, %sub3A : i32
        %mul3A_128 = arith.constant 16 : i32
        %mul3A_129 = arith.muli %sub3A_127, %mul3A_128 : i32
        %add3A_130 = arith.addi %mul3A_2, %mul3A_129 : i32
        %dma_wait3A_131 = arith.constant 0 : i32
        %dma_wait3A_132 = arith.constant 0 : i32
        %dma_wait3A_133 = tpu.memref_slice %arg5[%add3A_130, %dma_wait3A_131, %dma_wait3A_132] : memref<8192x8x128xf32, #tpu.memory_space<hbm>> -> memref<16x8x128xf32, #tpu.memory_space<hbm>>
        %dma_wait3A_134 = arith.constant 0 : i32
        %dma_wait3A_135 = arith.constant 0 : i32
        %dma_wait3A_136 = tpu.memref_slice %arg5[%add3A_130, %dma_wait3A_134, %dma_wait3A_135] : memref<8192x8x128xf32, #tpu.memory_space<hbm>> -> memref<16x8x128xf32, #tpu.memory_space<hbm>>
        tpu.wait_dma2 semaphore(%arg17 : memref<!tpu.dma_semaphore, #tpu.memory_space<semaphore_mem>>) src(%arg11 : memref<16x8x128xf32, #tpu.memory_space<vmem>>) dst(%dma_wait3A_136 : memref<16x8x128xf32, #tpu.memory_space<hbm>>)
        %sub3A_137 = arith.constant 2 : i32
        %sub3A_138 = arith.subi %add3A_47, %sub3A_137 : i32
        %mul3A_139 = arith.constant 16 : i32
        %mul3A_140 = arith.muli %sub3A_138, %mul3A_139 : i32
        %add3A_141 = arith.addi %mul3A_2, %mul3A_140 : i32
        %mul3A_142 = arith.constant 128 : i32
        %mul3A_143 = arith.muli %add3A_141, %mul3A_142 : i32
        %dma_wait3A_144 = tpu.memref_slice %arg6[%mul3A_143] : memref<1048576xf32, #tpu.memory_space<hbm>> -> memref<2048xf32, #tpu.memory_space<hbm>>
        %dma_wait3A_145 = tpu.memref_slice %arg6[%mul3A_143] : memref<1048576xf32, #tpu.memory_space<hbm>> -> memref<2048xf32, #tpu.memory_space<hbm>>
        tpu.wait_dma2 semaphore(%arg19 : memref<!tpu.dma_semaphore, #tpu.memory_space<semaphore_mem>>) src(%arg13 : memref<2048xf32, #tpu.memory_space<vmem>>) dst(%dma_wait3A_145 : memref<2048xf32, #tpu.memory_space<hbm>>)
      } else {
      }
      %parallel_loop3A = arith.constant 0 : i32
      %parallel_loop3A_65 = arith.constant 128 : i32
      %parallel_loop3A_66 = arith.constant 1 : i32
      scf.for %parallel_loop3A_127 = %parallel_loop3A to %parallel_loop3A_65 step %parallel_loop3A_66  : i32 {
        %parallel_loop3A_128 = arith.constant 3 : i32
        %parallel_loop3A_129 = arith.shrui %parallel_loop3A_127, %parallel_loop3A_128 : i32
        %parallel_loop3A_130 = arith.constant 7 : i32
        %parallel_loop3A_131 = arith.andi %parallel_loop3A_127, %parallel_loop3A_130 : i32
        %parallel_loop3A_132 = arith.constant 4 : i32
        %parallel_loop3A_133 = arith.shli %parallel_loop3A_131, %parallel_loop3A_132 : i32
        %parallel_loop3A_134 = arith.constant 0.000000e+00 : f32
        %parallel_loop3A_135 = vector.broadcast %parallel_loop3A_134 : f32 to vector<16xf32>
        %parallel_loop3A_136 = arith.constant 0 : i32
        %parallel_loop3A_137 = vector.broadcast %parallel_loop3A_136 : i32 to vector<16xi32>
        %parallel_loop3A_138 = arith.constant 0 : i32
        %parallel_loop3A_139 = arith.index_cast %parallel_loop3A_129 : i32 to index
        %parallel_loop3A_140 = arith.index_cast %parallel_loop3A_138 : i32 to index
        %parallel_loop3A_141 = arith.index_cast %parallel_loop3A_133 : i32 to index
        %parallel_loop3A_142 = tpu.vector_load %arg9[%parallel_loop3A_139, %parallel_loop3A_140, %parallel_loop3A_141] {strides = array<i32>} : memref<16x8x128xf32, #tpu.memory_space<vmem>>, vector<16xf32>,
        %parallel_loop3A_143 = vector.broadcast %scan3A_10 : f32 to vector<16xf32>
        %parallel_loop3A_144 = arith.mulf %parallel_loop3A_142, %parallel_loop3A_143 : vector<16xf32>
        %parallel_loop3A_145 = arith.fptosi %parallel_loop3A_144 : vector<16xf32> to vector<16xi32>
        %parallel_loop3A_146 = arith.sitofp %parallel_loop3A_145 : vector<16xi32> to vector<16xf32>
        %parallel_loop3A_147 = arith.subf %parallel_loop3A_144, %parallel_loop3A_146 : vector<16xf32>
        %parallel_loop3A_148 = arith.addi %parallel_loop3A_145, %parallel_loop3A_137 : vector<16xi32>
        %parallel_loop3A_149 = tpu.vector_load_idx %arg7[%parallel_loop3A_148] : memref<8008xf32, #tpu.memory_space<vmem>>[vector<16xi32>], vector<16xf32>,
        %parallel_loop3A_150 = tpu.vector_load_idx %arg8[%parallel_loop3A_148] : memref<8008xi32, #tpu.memory_space<vmem>>[vector<16xi32>], vector<16xi32>,
        %parallel_loop3A_151 = vector.bitcast %parallel_loop3A_150 : vector<16xi32> to vector<16xf32>
        %parallel_loop3A_152 = arith.constant 16 : i32
        %parallel_loop3A_153 = vector.broadcast %parallel_loop3A_152 : i32 to vector<16xi32>
        %parallel_loop3A_154 = arith.shli %parallel_loop3A_150, %parallel_loop3A_153 : vector<16xi32>
        %parallel_loop3A_155 = vector.bitcast %parallel_loop3A_154 : vector<16xi32> to vector<16xf32>
        %parallel_loop3A_156 = arith.mulf %parallel_loop3A_151, %parallel_loop3A_147 : vector<16xf32>
        %parallel_loop3A_157 = arith.addf %parallel_loop3A_149, %parallel_loop3A_156 : vector<16xf32>
        %parallel_loop3A_158 = arith.constant 0 : i32
        %parallel_loop3A_159 = arith.index_cast %parallel_loop3A_129 : i32 to index
        %parallel_loop3A_160 = arith.index_cast %parallel_loop3A_158 : i32 to index
        %parallel_loop3A_161 = arith.index_cast %parallel_loop3A_133 : i32 to index
        %parallel_loop3A_162 = tpu.vector_load %arg11[%parallel_loop3A_159, %parallel_loop3A_160, %parallel_loop3A_161] {strides = array<i32>} : memref<16x8x128xf32, #tpu.memory_space<vmem>>, vector<16xf32>,
        tpu.vector_store %arg11[%parallel_loop3A_159, %parallel_loop3A_160, %parallel_loop3A_161], %parallel_loop3A_157 {strides = array<i32>} : memref<16x8x128xf32, #tpu.memory_space<vmem>>, vector<16xf32>,
        %parallel_loop3A_163 = arith.addf %parallel_loop3A_135, %parallel_loop3A_155 : vector<16xf32>
        %parallel_loop3A_164 = arith.constant 1001 : i32
        %parallel_loop3A_165 = vector.broadcast %parallel_loop3A_164 : i32 to vector<16xi32>
        %parallel_loop3A_166 = arith.constant 1 : i32
        %parallel_loop3A_167 = arith.index_cast %parallel_loop3A_129 : i32 to index
        %parallel_loop3A_168 = arith.index_cast %parallel_loop3A_166 : i32 to index
        %parallel_loop3A_169 = arith.index_cast %parallel_loop3A_133 : i32 to index
        %parallel_loop3A_170 = tpu.vector_load %arg9[%parallel_loop3A_167, %parallel_loop3A_168, %parallel_loop3A_169] {strides = array<i32>} : memref<16x8x128xf32, #tpu.memory_space<vmem>>, vector<16xf32>,
        %parallel_loop3A_171 = vector.broadcast %scan3A_10 : f32 to vector<16xf32>
        %parallel_loop3A_172 = arith.mulf %parallel_loop3A_170, %parallel_loop3A_171 : vector<16xf32>
        %parallel_loop3A_173 = arith.fptosi %parallel_loop3A_172 : vector<16xf32> to vector<16xi32>
        %parallel_loop3A_174 = arith.sitofp %parallel_loop3A_173 : vector<16xi32> to vector<16xf32>
        %parallel_loop3A_175 = arith.subf %parallel_loop3A_172, %parallel_loop3A_174 : vector<16xf32>
        %parallel_loop3A_176 = arith.addi %parallel_loop3A_173, %parallel_loop3A_165 : vector<16xi32>
        %parallel_loop3A_177 = tpu.vector_load_idx %arg7[%parallel_loop3A_176] : memref<8008xf32, #tpu.memory_space<vmem>>[vector<16xi32>], vector<16xf32>,
        %parallel_loop3A_178 = tpu.vector_load_idx %arg8[%parallel_loop3A_176] : memref<8008xi32, #tpu.memory_space<vmem>>[vector<16xi32>], vector<16xi32>,
        %parallel_loop3A_179 = vector.bitcast %parallel_loop3A_178 : vector<16xi32> to vector<16xf32>
        %parallel_loop3A_180 = arith.constant 16 : i32
        %parallel_loop3A_181 = vector.broadcast %parallel_loop3A_180 : i32 to vector<16xi32>
        %parallel_loop3A_182 = arith.shli %parallel_loop3A_178, %parallel_loop3A_181 : vector<16xi32>
        %parallel_loop3A_183 = vector.bitcast %parallel_loop3A_182 : vector<16xi32> to vector<16xf32>
        %parallel_loop3A_184 = arith.mulf %parallel_loop3A_179, %parallel_loop3A_175 : vector<16xf32>
        %parallel_loop3A_185 = arith.addf %parallel_loop3A_177, %parallel_loop3A_184 : vector<16xf32>
        %parallel_loop3A_186 = arith.constant 1 : i32
        %parallel_loop3A_187 = arith.index_cast %parallel_loop3A_129 : i32 to index
        %parallel_loop3A_188 = arith.index_cast %parallel_loop3A_186 : i32 to index
        %parallel_loop3A_189 = arith.index_cast %parallel_loop3A_133 : i32 to index
        %parallel_loop3A_190 = tpu.vector_load %arg11[%parallel_loop3A_187, %parallel_loop3A_188, %parallel_loop3A_189] {strides = array<i32>} : memref<16x8x128xf32, #tpu.memory_space<vmem>>, vector<16xf32>,
        tpu.vector_store %arg11[%parallel_loop3A_187, %parallel_loop3A_188, %parallel_loop3A_189], %parallel_loop3A_185 {strides = array<i32>} : memref<16x8x128xf32, #tpu.memory_space<vmem>>, vector<16xf32>,
        %parallel_loop3A_191 = arith.addf %parallel_loop3A_163, %parallel_loop3A_183 : vector<16xf32>
        %parallel_loop3A_192 = arith.constant 2002 : i32
        %parallel_loop3A_193 = vector.broadcast %parallel_loop3A_192 : i32 to vector<16xi32>
        %parallel_loop3A_194 = arith.constant 2 : i32
        %parallel_loop3A_195 = arith.index_cast %parallel_loop3A_129 : i32 to index
        %parallel_loop3A_196 = arith.index_cast %parallel_loop3A_194 : i32 to index
        %parallel_loop3A_197 = arith.index_cast %parallel_loop3A_133 : i32 to index
        %parallel_loop3A_198 = tpu.vector_load %arg9[%parallel_loop3A_195, %parallel_loop3A_196, %parallel_loop3A_197] {strides = array<i32>} : memref<16x8x128xf32, #tpu.memory_space<vmem>>, vector<16xf32>,
        %parallel_loop3A_199 = vector.broadcast %scan3A_10 : f32 to vector<16xf32>
        %parallel_loop3A_200 = arith.mulf %parallel_loop3A_198, %parallel_loop3A_199 : vector<16xf32>
        %parallel_loop3A_201 = arith.fptosi %parallel_loop3A_200 : vector<16xf32> to vector<16xi32>
        %parallel_loop3A_202 = arith.sitofp %parallel_loop3A_201 : vector<16xi32> to vector<16xf32>
        %parallel_loop3A_203 = arith.subf %parallel_loop3A_200, %parallel_loop3A_202 : vector<16xf32>
        %parallel_loop3A_204 = arith.addi %parallel_loop3A_201, %parallel_loop3A_193 : vector<16xi32>
        %parallel_loop3A_205 = tpu.vector_load_idx %arg7[%parallel_loop3A_204] : memref<8008xf32, #tpu.memory_space<vmem>>[vector<16xi32>], vector<16xf32>,
        %parallel_loop3A_206 = tpu.vector_load_idx %arg8[%parallel_loop3A_204] : memref<8008xi32, #tpu.memory_space<vmem>>[vector<16xi32>], vector<16xi32>,
        %parallel_loop3A_207 = vector.bitcast %parallel_loop3A_206 : vector<16xi32> to vector<16xf32>
        %parallel_loop3A_208 = arith.constant 16 : i32
        %parallel_loop3A_209 = vector.broadcast %parallel_loop3A_208 : i32 to vector<16xi32>
        %parallel_loop3A_210 = arith.shli %parallel_loop3A_206, %parallel_loop3A_209 : vector<16xi32>
        %parallel_loop3A_211 = vector.bitcast %parallel_loop3A_210 : vector<16xi32> to vector<16xf32>
        %parallel_loop3A_212 = arith.mulf %parallel_loop3A_207, %parallel_loop3A_203 : vector<16xf32>
        %parallel_loop3A_213 = arith.addf %parallel_loop3A_205, %parallel_loop3A_212 : vector<16xf32>
        %parallel_loop3A_214 = arith.constant 2 : i32
        %parallel_loop3A_215 = arith.index_cast %parallel_loop3A_129 : i32 to index
        %parallel_loop3A_216 = arith.index_cast %parallel_loop3A_214 : i32 to index
        %parallel_loop3A_217 = arith.index_cast %parallel_loop3A_133 : i32 to index
        %parallel_loop3A_218 = tpu.vector_load %arg11[%parallel_loop3A_215, %parallel_loop3A_216, %parallel_loop3A_217] {strides = array<i32>} : memref<16x8x128xf32, #tpu.memory_space<vmem>>, vector<16xf32>,
        tpu.vector_store %arg11[%parallel_loop3A_215, %parallel_loop3A_216, %parallel_loop3A_217], %parallel_loop3A_213 {strides = array<i32>} : memref<16x8x128xf32, #tpu.memory_space<vmem>>, vector<16xf32>,
        %parallel_loop3A_219 = arith.addf %parallel_loop3A_191, %parallel_loop3A_211 : vector<16xf32>
        %parallel_loop3A_220 = arith.constant 3003 : i32
        %parallel_loop3A_221 = vector.broadcast %parallel_loop3A_220 : i32 to vector<16xi32>
        %parallel_loop3A_222 = arith.constant 3 : i32
        %parallel_loop3A_223 = arith.index_cast %parallel_loop3A_129 : i32 to index
        %parallel_loop3A_224 = arith.index_cast %parallel_loop3A_222 : i32 to index
        %parallel_loop3A_225 = arith.index_cast %parallel_loop3A_133 : i32 to index
        %parallel_loop3A_226 = tpu.vector_load %arg9[%parallel_loop3A_223, %parallel_loop3A_224, %parallel_loop3A_225] {strides = array<i32>} : memref<16x8x128xf32, #tpu.memory_space<vmem>>, vector<16xf32>,
        %parallel_loop3A_227 = vector.broadcast %scan3A_10 : f32 to vector<16xf32>
        %parallel_loop3A_228 = arith.mulf %parallel_loop3A_226, %parallel_loop3A_227 : vector<16xf32>
        %parallel_loop3A_229 = arith.fptosi %parallel_loop3A_228 : vector<16xf32> to vector<16xi32>
        %parallel_loop3A_230 = arith.sitofp %parallel_loop3A_229 : vector<16xi32> to vector<16xf32>
        %parallel_loop3A_231 = arith.subf %parallel_loop3A_228, %parallel_loop3A_230 : vector<16xf32>
        %parallel_loop3A_232 = arith.addi %parallel_loop3A_229, %parallel_loop3A_221 : vector<16xi32>
        %parallel_loop3A_233 = tpu.vector_load_idx %arg7[%parallel_loop3A_232] : memref<8008xf32, #tpu.memory_space<vmem>>[vector<16xi32>], vector<16xf32>,
        %parallel_loop3A_234 = tpu.vector_load_idx %arg8[%parallel_loop3A_232] : memref<8008xi32, #tpu.memory_space<vmem>>[vector<16xi32>], vector<16xi32>,
        %parallel_loop3A_235 = vector.bitcast %parallel_loop3A_234 : vector<16xi32> to vector<16xf32>
        %parallel_loop3A_236 = arith.constant 16 : i32
        %parallel_loop3A_237 = vector.broadcast %parallel_loop3A_236 : i32 to vector<16xi32>
        %parallel_loop3A_238 = arith.shli %parallel_loop3A_234, %parallel_loop3A_237 : vector<16xi32>
        %parallel_loop3A_239 = vector.bitcast %parallel_loop3A_238 : vector<16xi32> to vector<16xf32>
        %parallel_loop3A_240 = arith.mulf %parallel_loop3A_235, %parallel_loop3A_231 : vector<16xf32>
        %parallel_loop3A_241 = arith.addf %parallel_loop3A_233, %parallel_loop3A_240 : vector<16xf32>
        %parallel_loop3A_242 = arith.constant 3 : i32
        %parallel_loop3A_243 = arith.index_cast %parallel_loop3A_129 : i32 to index
        %parallel_loop3A_244 = arith.index_cast %parallel_loop3A_242 : i32 to index
        %parallel_loop3A_245 = arith.index_cast %parallel_loop3A_133 : i32 to index
        %parallel_loop3A_246 = tpu.vector_load %arg11[%parallel_loop3A_243, %parallel_loop3A_244, %parallel_loop3A_245] {strides = array<i32>} : memref<16x8x128xf32, #tpu.memory_space<vmem>>, vector<16xf32>,
        tpu.vector_store %arg11[%parallel_loop3A_243, %parallel_loop3A_244, %parallel_loop3A_245], %parallel_loop3A_241 {strides = array<i32>} : memref<16x8x128xf32, #tpu.memory_space<vmem>>, vector<16xf32>,
        %parallel_loop3A_247 = arith.addf %parallel_loop3A_219, %parallel_loop3A_239 : vector<16xf32>
        %parallel_loop3A_248 = arith.constant 4004 : i32
        %parallel_loop3A_249 = vector.broadcast %parallel_loop3A_248 : i32 to vector<16xi32>
        %parallel_loop3A_250 = arith.constant 4 : i32
        %parallel_loop3A_251 = arith.index_cast %parallel_loop3A_129 : i32 to index
        %parallel_loop3A_252 = arith.index_cast %parallel_loop3A_250 : i32 to index
        %parallel_loop3A_253 = arith.index_cast %parallel_loop3A_133 : i32 to index
        %parallel_loop3A_254 = tpu.vector_load %arg9[%parallel_loop3A_251, %parallel_loop3A_252, %parallel_loop3A_253] {strides = array<i32>} : memref<16x8x128xf32, #tpu.memory_space<vmem>>, vector<16xf32>,
        %parallel_loop3A_255 = vector.broadcast %scan3A_10 : f32 to vector<16xf32>
        %parallel_loop3A_256 = arith.mulf %parallel_loop3A_254, %parallel_loop3A_255 : vector<16xf32>
        %parallel_loop3A_257 = arith.fptosi %parallel_loop3A_256 : vector<16xf32> to vector<16xi32>
        %parallel_loop3A_258 = arith.sitofp %parallel_loop3A_257 : vector<16xi32> to vector<16xf32>
        %parallel_loop3A_259 = arith.subf %parallel_loop3A_256, %parallel_loop3A_258 : vector<16xf32>
        %parallel_loop3A_260 = arith.addi %parallel_loop3A_257, %parallel_loop3A_249 : vector<16xi32>
        %parallel_loop3A_261 = tpu.vector_load_idx %arg7[%parallel_loop3A_260] : memref<8008xf32, #tpu.memory_space<vmem>>[vector<16xi32>], vector<16xf32>,
        %parallel_loop3A_262 = tpu.vector_load_idx %arg8[%parallel_loop3A_260] : memref<8008xi32, #tpu.memory_space<vmem>>[vector<16xi32>], vector<16xi32>,
        %parallel_loop3A_263 = vector.bitcast %parallel_loop3A_262 : vector<16xi32> to vector<16xf32>
        %parallel_loop3A_264 = arith.constant 16 : i32
        %parallel_loop3A_265 = vector.broadcast %parallel_loop3A_264 : i32 to vector<16xi32>
        %parallel_loop3A_266 = arith.shli %parallel_loop3A_262, %parallel_loop3A_265 : vector<16xi32>
        %parallel_loop3A_267 = vector.bitcast %parallel_loop3A_266 : vector<16xi32> to vector<16xf32>
        %parallel_loop3A_268 = arith.mulf %parallel_loop3A_263, %parallel_loop3A_259 : vector<16xf32>
        %parallel_loop3A_269 = arith.addf %parallel_loop3A_261, %parallel_loop3A_268 : vector<16xf32>
        %parallel_loop3A_270 = arith.constant 4 : i32
        %parallel_loop3A_271 = arith.index_cast %parallel_loop3A_129 : i32 to index
        %parallel_loop3A_272 = arith.index_cast %parallel_loop3A_270 : i32 to index
        %parallel_loop3A_273 = arith.index_cast %parallel_loop3A_133 : i32 to index
        %parallel_loop3A_274 = tpu.vector_load %arg11[%parallel_loop3A_271, %parallel_loop3A_272, %parallel_loop3A_273] {strides = array<i32>} : memref<16x8x128xf32, #tpu.memory_space<vmem>>, vector<16xf32>,
        tpu.vector_store %arg11[%parallel_loop3A_271, %parallel_loop3A_272, %parallel_loop3A_273], %parallel_loop3A_269 {strides = array<i32>} : memref<16x8x128xf32, #tpu.memory_space<vmem>>, vector<16xf32>,
        %parallel_loop3A_275 = arith.addf %parallel_loop3A_247, %parallel_loop3A_267 : vector<16xf32>
        %parallel_loop3A_276 = arith.constant 5005 : i32
        %parallel_loop3A_277 = vector.broadcast %parallel_loop3A_276 : i32 to vector<16xi32>
        %parallel_loop3A_278 = arith.constant 5 : i32
        %parallel_loop3A_279 = arith.index_cast %parallel_loop3A_129 : i32 to index
        %parallel_loop3A_280 = arith.index_cast %parallel_loop3A_278 : i32 to index
        %parallel_loop3A_281 = arith.index_cast %parallel_loop3A_133 : i32 to index
        %parallel_loop3A_282 = tpu.vector_load %arg9[%parallel_loop3A_279, %parallel_loop3A_280, %parallel_loop3A_281] {strides = array<i32>} : memref<16x8x128xf32, #tpu.memory_space<vmem>>, vector<16xf32>,
        %parallel_loop3A_283 = vector.broadcast %scan3A_10 : f32 to vector<16xf32>
        %parallel_loop3A_284 = arith.mulf %parallel_loop3A_282, %parallel_loop3A_283 : vector<16xf32>
        %parallel_loop3A_285 = arith.fptosi %parallel_loop3A_284 : vector<16xf32> to vector<16xi32>
        %parallel_loop3A_286 = arith.sitofp %parallel_loop3A_285 : vector<16xi32> to vector<16xf32>
        %parallel_loop3A_287 = arith.subf %parallel_loop3A_284, %parallel_loop3A_286 : vector<16xf32>
        %parallel_loop3A_288 = arith.addi %parallel_loop3A_285, %parallel_loop3A_277 : vector<16xi32>
        %parallel_loop3A_289 = tpu.vector_load_idx %arg7[%parallel_loop3A_288] : memref<8008xf32, #tpu.memory_space<vmem>>[vector<16xi32>], vector<16xf32>,
        %parallel_loop3A_290 = tpu.vector_load_idx %arg8[%parallel_loop3A_288] : memref<8008xi32, #tpu.memory_space<vmem>>[vector<16xi32>], vector<16xi32>,
        %parallel_loop3A_291 = vector.bitcast %parallel_loop3A_290 : vector<16xi32> to vector<16xf32>
        %parallel_loop3A_292 = arith.constant 16 : i32
        %parallel_loop3A_293 = vector.broadcast %parallel_loop3A_292 : i32 to vector<16xi32>
        %parallel_loop3A_294 = arith.shli %parallel_loop3A_290, %parallel_loop3A_293 : vector<16xi32>
        %parallel_loop3A_295 = vector.bitcast %parallel_loop3A_294 : vector<16xi32> to vector<16xf32>
        %parallel_loop3A_296 = arith.mulf %parallel_loop3A_291, %parallel_loop3A_287 : vector<16xf32>
        %parallel_loop3A_297 = arith.addf %parallel_loop3A_289, %parallel_loop3A_296 : vector<16xf32>
        %parallel_loop3A_298 = arith.constant 5 : i32
        %parallel_loop3A_299 = arith.index_cast %parallel_loop3A_129 : i32 to index
        %parallel_loop3A_300 = arith.index_cast %parallel_loop3A_298 : i32 to index
        %parallel_loop3A_301 = arith.index_cast %parallel_loop3A_133 : i32 to index
        %parallel_loop3A_302 = tpu.vector_load %arg11[%parallel_loop3A_299, %parallel_loop3A_300, %parallel_loop3A_301] {strides = array<i32>} : memref<16x8x128xf32, #tpu.memory_space<vmem>>, vector<16xf32>,
        tpu.vector_store %arg11[%parallel_loop3A_299, %parallel_loop3A_300, %parallel_loop3A_301], %parallel_loop3A_297 {strides = array<i32>} : memref<16x8x128xf32, #tpu.memory_space<vmem>>, vector<16xf32>,
        %parallel_loop3A_303 = arith.addf %parallel_loop3A_275, %parallel_loop3A_295 : vector<16xf32>
        %parallel_loop3A_304 = arith.constant 6006 : i32
        %parallel_loop3A_305 = vector.broadcast %parallel_loop3A_304 : i32 to vector<16xi32>
        %parallel_loop3A_306 = arith.constant 6 : i32
        %parallel_loop3A_307 = arith.index_cast %parallel_loop3A_129 : i32 to index
        %parallel_loop3A_308 = arith.index_cast %parallel_loop3A_306 : i32 to index
        %parallel_loop3A_309 = arith.index_cast %parallel_loop3A_133 : i32 to index
        %parallel_loop3A_310 = tpu.vector_load %arg9[%parallel_loop3A_307, %parallel_loop3A_308, %parallel_loop3A_309] {strides = array<i32>} : memref<16x8x128xf32, #tpu.memory_space<vmem>>, vector<16xf32>,
        %parallel_loop3A_311 = vector.broadcast %scan3A_10 : f32 to vector<16xf32>
        %parallel_loop3A_312 = arith.mulf %parallel_loop3A_310, %parallel_loop3A_311 : vector<16xf32>
        %parallel_loop3A_313 = arith.fptosi %parallel_loop3A_312 : vector<16xf32> to vector<16xi32>
        %parallel_loop3A_314 = arith.sitofp %parallel_loop3A_313 : vector<16xi32> to vector<16xf32>
        %parallel_loop3A_315 = arith.subf %parallel_loop3A_312, %parallel_loop3A_314 : vector<16xf32>
        %parallel_loop3A_316 = arith.addi %parallel_loop3A_313, %parallel_loop3A_305 : vector<16xi32>
        %parallel_loop3A_317 = tpu.vector_load_idx %arg7[%parallel_loop3A_316] : memref<8008xf32, #tpu.memory_space<vmem>>[vector<16xi32>], vector<16xf32>,
        %parallel_loop3A_318 = tpu.vector_load_idx %arg8[%parallel_loop3A_316] : memref<8008xi32, #tpu.memory_space<vmem>>[vector<16xi32>], vector<16xi32>,
        %parallel_loop3A_319 = vector.bitcast %parallel_loop3A_318 : vector<16xi32> to vector<16xf32>
        %parallel_loop3A_320 = arith.constant 16 : i32
        %parallel_loop3A_321 = vector.broadcast %parallel_loop3A_320 : i32 to vector<16xi32>
        %parallel_loop3A_322 = arith.shli %parallel_loop3A_318, %parallel_loop3A_321 : vector<16xi32>
        %parallel_loop3A_323 = vector.bitcast %parallel_loop3A_322 : vector<16xi32> to vector<16xf32>
        %parallel_loop3A_324 = arith.mulf %parallel_loop3A_319, %parallel_loop3A_315 : vector<16xf32>
        %parallel_loop3A_325 = arith.addf %parallel_loop3A_317, %parallel_loop3A_324 : vector<16xf32>
        %parallel_loop3A_326 = arith.constant 6 : i32
        %parallel_loop3A_327 = arith.index_cast %parallel_loop3A_129 : i32 to index
        %parallel_loop3A_328 = arith.index_cast %parallel_loop3A_326 : i32 to index
        %parallel_loop3A_329 = arith.index_cast %parallel_loop3A_133 : i32 to index
        %parallel_loop3A_330 = tpu.vector_load %arg11[%parallel_loop3A_327, %parallel_loop3A_328, %parallel_loop3A_329] {strides = array<i32>} : memref<16x8x128xf32, #tpu.memory_space<vmem>>, vector<16xf32>,
        tpu.vector_store %arg11[%parallel_loop3A_327, %parallel_loop3A_328, %parallel_loop3A_329], %parallel_loop3A_325 {strides = array<i32>} : memref<16x8x128xf32, #tpu.memory_space<vmem>>, vector<16xf32>,
        %parallel_loop3A_331 = arith.addf %parallel_loop3A_303, %parallel_loop3A_323 : vector<16xf32>
        %parallel_loop3A_332 = arith.constant 7007 : i32
        %parallel_loop3A_333 = vector.broadcast %parallel_loop3A_332 : i32 to vector<16xi32>
        %parallel_loop3A_334 = arith.constant 7 : i32
        %parallel_loop3A_335 = arith.index_cast %parallel_loop3A_129 : i32 to index
        %parallel_loop3A_336 = arith.index_cast %parallel_loop3A_334 : i32 to index
        %parallel_loop3A_337 = arith.index_cast %parallel_loop3A_133 : i32 to index
        %parallel_loop3A_338 = tpu.vector_load %arg9[%parallel_loop3A_335, %parallel_loop3A_336, %parallel_loop3A_337] {strides = array<i32>} : memref<16x8x128xf32, #tpu.memory_space<vmem>>, vector<16xf32>,
        %parallel_loop3A_339 = vector.broadcast %scan3A_10 : f32 to vector<16xf32>
        %parallel_loop3A_340 = arith.mulf %parallel_loop3A_338, %parallel_loop3A_339 : vector<16xf32>
        %parallel_loop3A_341 = arith.fptosi %parallel_loop3A_340 : vector<16xf32> to vector<16xi32>
        %parallel_loop3A_342 = arith.sitofp %parallel_loop3A_341 : vector<16xi32> to vector<16xf32>
        %parallel_loop3A_343 = arith.subf %parallel_loop3A_340, %parallel_loop3A_342 : vector<16xf32>
        %parallel_loop3A_344 = arith.addi %parallel_loop3A_341, %parallel_loop3A_333 : vector<16xi32>
        %parallel_loop3A_345 = tpu.vector_load_idx %arg7[%parallel_loop3A_344] : memref<8008xf32, #tpu.memory_space<vmem>>[vector<16xi32>], vector<16xf32>,
        %parallel_loop3A_346 = tpu.vector_load_idx %arg8[%parallel_loop3A_344] : memref<8008xi32, #tpu.memory_space<vmem>>[vector<16xi32>], vector<16xi32>,
        %parallel_loop3A_347 = vector.bitcast %parallel_loop3A_346 : vector<16xi32> to vector<16xf32>
        %parallel_loop3A_348 = arith.constant 16 : i32
        %parallel_loop3A_349 = vector.broadcast %parallel_loop3A_348 : i32 to vector<16xi32>
        %parallel_loop3A_350 = arith.shli %parallel_loop3A_346, %parallel_loop3A_349 : vector<16xi32>
        %parallel_loop3A_351 = vector.bitcast %parallel_loop3A_350 : vector<16xi32> to vector<16xf32>
        %parallel_loop3A_352 = arith.mulf %parallel_loop3A_347, %parallel_loop3A_343 : vector<16xf32>
        %parallel_loop3A_353 = arith.addf %parallel_loop3A_345, %parallel_loop3A_352 : vector<16xf32>
        %parallel_loop3A_354 = arith.constant 7 : i32
        %parallel_loop3A_355 = arith.index_cast %parallel_loop3A_129 : i32 to index
        %parallel_loop3A_356 = arith.index_cast %parallel_loop3A_354 : i32 to index
        %parallel_loop3A_357 = arith.index_cast %parallel_loop3A_133 : i32 to index
        %parallel_loop3A_358 = tpu.vector_load %arg11[%parallel_loop3A_355, %parallel_loop3A_356, %parallel_loop3A_357] {strides = array<i32>} : memref<16x8x128xf32, #tpu.memory_space<vmem>>, vector<16xf32>,
        tpu.vector_store %arg11[%parallel_loop3A_355, %parallel_loop3A_356, %parallel_loop3A_357], %parallel_loop3A_353 {strides = array<i32>} : memref<16x8x128xf32, #tpu.memory_space<vmem>>, vector<16xf32>,
        %parallel_loop3A_359 = arith.addf %parallel_loop3A_331, %parallel_loop3A_351 : vector<16xf32>
        %parallel_loop3A_360 = arith.constant 7 : i32
        %parallel_loop3A_361 = arith.shli %parallel_loop3A_129, %parallel_loop3A_360 : i32
        %parallel_loop3A_362 = arith.addi %parallel_loop3A_361, %parallel_loop3A_133 : i32
        %parallel_loop3A_363 = arith.index_cast %parallel_loop3A_362 : i32 to index
        %parallel_loop3A_364 = tpu.vector_load %arg13[%parallel_loop3A_363] {strides = array<i32>} : memref<2048xf32, #tpu.memory_space<vmem>>, vector<16xf32>,
        tpu.vector_store %arg13[%parallel_loop3A_363], %parallel_loop3A_359 {strides = array<i32>} : memref<2048xf32, #tpu.memory_space<vmem>>, vector<16xf32>,
      } {sc.loop_unroll_factor = 4 : i64, sc.parallel_access}
      %mul3A_67 = arith.constant 16 : i32
      %mul3A_68 = arith.muli %add3A_47, %mul3A_67 : i32
      %add3A_69 = arith.addi %mul3A_2, %mul3A_68 : i32
      %dma_start3A_70 = arith.constant 0 : i32
      %dma_start3A_71 = arith.constant 0 : i32
      %dma_start3A_72 = tpu.memref_slice %arg5[%add3A_69, %dma_start3A_70, %dma_start3A_71] : memref<8192x8x128xf32, #tpu.memory_space<hbm>> -> memref<16x8x128xf32, #tpu.memory_space<hbm>>
      %dma_start3A_73 = arith.constant 0 : i32
      %dma_start3A_74 = arith.constant 0 : i32
      %dma_start3A_75 = tpu.memref_slice %arg5[%add3A_69, %dma_start3A_73, %dma_start3A_74] : memref<8192x8x128xf32, #tpu.memory_space<hbm>> -> memref<16x8x128xf32, #tpu.memory_space<hbm>>
      tpu.enqueue_dma source(%arg11 : memref<16x8x128xf32, #tpu.memory_space<vmem>>) target(%dma_start3A_75 : memref<16x8x128xf32, #tpu.memory_space<hbm>>) target_semaphore(%arg17 : memref<!tpu.dma_semaphore, #tpu.memory_space<semaphore_mem>>)
      %mul3A_76 = arith.constant 16 : i32
      %mul3A_77 = arith.muli %add3A_47, %mul3A_76 : i32
      %add3A_78 = arith.addi %mul3A_2, %mul3A_77 : i32
      %mul3A_79 = arith.constant 128 : i32
      %mul3A_80 = arith.muli %add3A_78, %mul3A_79 : i32
      %dma_start3A_81 = tpu.memref_slice %arg6[%mul3A_80] : memref<1048576xf32, #tpu.memory_space<hbm>> -> memref<2048xf32, #tpu.memory_space<hbm>>
      %dma_start3A_82 = tpu.memref_slice %arg6[%mul3A_80] : memref<1048576xf32, #tpu.memory_space<hbm>> -> memref<2048xf32, #tpu.memory_space<hbm>>
      tpu.enqueue_dma source(%arg13 : memref<2048xf32, #tpu.memory_space<vmem>>) target(%dma_start3A_82 : memref<2048xf32, #tpu.memory_space<hbm>>) target_semaphore(%arg19 : memref<!tpu.dma_semaphore, #tpu.memory_space<semaphore_mem>>)
      %mul3A_83 = arith.constant 2 : i32
      %mul3A_84 = arith.muli %mul3A_83, %scan3A_43 : i32
      %add3A_85 = arith.constant 1 : i32
      %add3A_86 = arith.addi %mul3A_84, %add3A_85 : i32
      %mul3A_87 = arith.constant 16 : i32
      %mul3A_88 = arith.muli %add3A_86, %mul3A_87 : i32
      %add3A_89 = arith.addi %mul3A_2, %mul3A_88 : i32
      %dma_wait3A_90 = arith.constant 0 : i32
      %dma_wait3A_91 = arith.constant 0 : i32
      %dma_wait3A_92 = tpu.memref_slice %arg2[%add3A_89, %dma_wait3A_90, %dma_wait3A_91] : memref<8192x8x128xf32, #tpu.memory_space<hbm>> -> memref<16x8x128xf32, #tpu.memory_space<hbm>>
      %dma_wait3A_93 = arith.constant 0 : i32
      %dma_wait3A_94 = arith.constant 0 : i32
      %dma_wait3A_95 = tpu.memref_slice %arg2[%add3A_89, %dma_wait3A_93, %dma_wait3A_94] : memref<8192x8x128xf32, #tpu.memory_space<hbm>> -> memref<16x8x128xf32, #tpu.memory_space<hbm>>
      tpu.wait_dma2 semaphore(%arg16 : memref<!tpu.dma_semaphore, #tpu.memory_space<semaphore_mem>>) src(%dma_wait3A_95 : memref<16x8x128xf32, #tpu.memory_space<hbm>>) dst(%arg10 : memref<16x8x128xf32, #tpu.memory_space<vmem>>)
      %add3A_96 = arith.constant 1 : i32
      %add3A_97 = arith.addi %add3A_86, %add3A_96 : i32
      %lt3A_98 = arith.constant 16 : i32
      %lt3A_99 = arith.cmpi slt, %add3A_97, %lt3A_98 : i32
      %convert_element_type3A_100 = arith.extui %lt3A_99 : i1 to i32
      %cond3A_101 = arith.constant 0 : i32
      %cond3A_102 = arith.cmpi ne, %convert_element_type3A_100, %cond3A_101 : i32
      scf.if %cond3A_102 {
        %mul3A_127 = arith.constant 16 : i32
        %mul3A_128 = arith.muli %add3A_97, %mul3A_127 : i32
        %add3A_129 = arith.addi %mul3A_2, %mul3A_128 : i32
        %dma_start3A_130 = arith.constant 0 : i32
        %dma_start3A_131 = arith.constant 0 : i32
        %dma_start3A_132 = tpu.memref_slice %arg2[%add3A_129, %dma_start3A_130, %dma_start3A_131] : memref<8192x8x128xf32, #tpu.memory_space<hbm>> -> memref<16x8x128xf32, #tpu.memory_space<hbm>>
        %dma_start3A_133 = arith.constant 0 : i32
        %dma_start3A_134 = arith.constant 0 : i32
        %dma_start3A_135 = tpu.memref_slice %arg2[%add3A_129, %dma_start3A_133, %dma_start3A_134] : memref<8192x8x128xf32, #tpu.memory_space<hbm>> -> memref<16x8x128xf32, #tpu.memory_space<hbm>>
        tpu.enqueue_dma source(%dma_start3A_135 : memref<16x8x128xf32, #tpu.memory_space<hbm>>) target(%arg9 : memref<16x8x128xf32, #tpu.memory_space<vmem>>) target_semaphore(%arg15 : memref<!tpu.dma_semaphore, #tpu.memory_space<semaphore_mem>>)
      } else {
      }
      %gt3A_103 = arith.constant 0 : i32
      %gt3A_104 = arith.cmpi sgt, %scan3A_43, %gt3A_103 : i32
      %convert_element_type3A_105 = arith.extui %gt3A_104 : i1 to i32
      %cond3A_106 = arith.constant 0 : i32
      %cond3A_107 = arith.cmpi ne, %convert_element_type3A_105, %cond3A_106 : i32
      scf.if %cond3A_107 {
        %sub3A = arith.constant 2 : i32
        %sub3A_127 = arith.subi %add3A_86, %sub3A : i32
        %mul3A_128 = arith.constant 16 : i32
        %mul3A_129 = arith.muli %sub3A_127, %mul3A_128 : i32
        %add3A_130 = arith.addi %mul3A_2, %mul3A_129 : i32
        %dma_wait3A_131 = arith.constant 0 : i32
        %dma_wait3A_132 = arith.constant 0 : i32
        %dma_wait3A_133 = tpu.memref_slice %arg5[%add3A_130, %dma_wait3A_131, %dma_wait3A_132] : memref<8192x8x128xf32, #tpu.memory_space<hbm>> -> memref<16x8x128xf32, #tpu.memory_space<hbm>>
        %dma_wait3A_134 = arith.constant 0 : i32
        %dma_wait3A_135 = arith.constant 0 : i32
        %dma_wait3A_136 = tpu.memref_slice %arg5[%add3A_130, %dma_wait3A_134, %dma_wait3A_135] : memref<8192x8x128xf32, #tpu.memory_space<hbm>> -> memref<16x8x128xf32, #tpu.memory_space<hbm>>
        tpu.wait_dma2 semaphore(%arg18 : memref<!tpu.dma_semaphore, #tpu.memory_space<semaphore_mem>>) src(%arg12 : memref<16x8x128xf32, #tpu.memory_space<vmem>>) dst(%dma_wait3A_136 : memref<16x8x128xf32, #tpu.memory_space<hbm>>)
        %sub3A_137 = arith.constant 2 : i32
        %sub3A_138 = arith.subi %add3A_86, %sub3A_137 : i32
        %mul3A_139 = arith.constant 16 : i32
        %mul3A_140 = arith.muli %sub3A_138, %mul3A_139 : i32
        %add3A_141 = arith.addi %mul3A_2, %mul3A_140 : i32
        %mul3A_142 = arith.constant 128 : i32
        %mul3A_143 = arith.muli %add3A_141, %mul3A_142 : i32
        %dma_wait3A_144 = tpu.memref_slice %arg6[%mul3A_143] : memref<1048576xf32, #tpu.memory_space<hbm>> -> memref<2048xf32, #tpu.memory_space<hbm>>
        %dma_wait3A_145 = tpu.memref_slice %arg6[%mul3A_143] : memref<1048576xf32, #tpu.memory_space<hbm>> -> memref<2048xf32, #tpu.memory_space<hbm>>
        tpu.wait_dma2 semaphore(%arg20 : memref<!tpu.dma_semaphore, #tpu.memory_space<semaphore_mem>>) src(%arg14 : memref<2048xf32, #tpu.memory_space<vmem>>) dst(%dma_wait3A_145 : memref<2048xf32, #tpu.memory_space<hbm>>)
      } else {
      }
      %parallel_loop3A_108 = arith.constant 0 : i32
      %parallel_loop3A_109 = arith.constant 128 : i32
      %parallel_loop3A_110 = arith.constant 1 : i32
      scf.for %parallel_loop3A_127 = %parallel_loop3A_108 to %parallel_loop3A_109 step %parallel_loop3A_110  : i32 {
        %parallel_loop3A_128 = arith.constant 3 : i32
        %parallel_loop3A_129 = arith.shrui %parallel_loop3A_127, %parallel_loop3A_128 : i32
        %parallel_loop3A_130 = arith.constant 7 : i32
        %parallel_loop3A_131 = arith.andi %parallel_loop3A_127, %parallel_loop3A_130 : i32
        %parallel_loop3A_132 = arith.constant 4 : i32
        %parallel_loop3A_133 = arith.shli %parallel_loop3A_131, %parallel_loop3A_132 : i32
        %parallel_loop3A_134 = arith.constant 0.000000e+00 : f32
        %parallel_loop3A_135 = vector.broadcast %parallel_loop3A_134 : f32 to vector<16xf32>
        %parallel_loop3A_136 = arith.constant 0 : i32
        %parallel_loop3A_137 = vector.broadcast %parallel_loop3A_136 : i32 to vector<16xi32>
        %parallel_loop3A_138 = arith.constant 0 : i32
        %parallel_loop3A_139 = arith.index_cast %parallel_loop3A_129 : i32 to index
        %parallel_loop3A_140 = arith.index_cast %parallel_loop3A_138 : i32 to index
        %parallel_loop3A_141 = arith.index_cast %parallel_loop3A_133 : i32 to index
        %parallel_loop3A_142 = tpu.vector_load %arg10[%parallel_loop3A_139, %parallel_loop3A_140, %parallel_loop3A_141] {strides = array<i32>} : memref<16x8x128xf32, #tpu.memory_space<vmem>>, vector<16xf32>,
        %parallel_loop3A_143 = vector.broadcast %scan3A_10 : f32 to vector<16xf32>
        %parallel_loop3A_144 = arith.mulf %parallel_loop3A_142, %parallel_loop3A_143 : vector<16xf32>
        %parallel_loop3A_145 = arith.fptosi %parallel_loop3A_144 : vector<16xf32> to vector<16xi32>
        %parallel_loop3A_146 = arith.sitofp %parallel_loop3A_145 : vector<16xi32> to vector<16xf32>
        %parallel_loop3A_147 = arith.subf %parallel_loop3A_144, %parallel_loop3A_146 : vector<16xf32>
        %parallel_loop3A_148 = arith.addi %parallel_loop3A_145, %parallel_loop3A_137 : vector<16xi32>
        %parallel_loop3A_149 = tpu.vector_load_idx %arg7[%parallel_loop3A_148] : memref<8008xf32, #tpu.memory_space<vmem>>[vector<16xi32>], vector<16xf32>,
        %parallel_loop3A_150 = tpu.vector_load_idx %arg8[%parallel_loop3A_148] : memref<8008xi32, #tpu.memory_space<vmem>>[vector<16xi32>], vector<16xi32>,
        %parallel_loop3A_151 = vector.bitcast %parallel_loop3A_150 : vector<16xi32> to vector<16xf32>
        %parallel_loop3A_152 = arith.constant 16 : i32
        %parallel_loop3A_153 = vector.broadcast %parallel_loop3A_152 : i32 to vector<16xi32>
        %parallel_loop3A_154 = arith.shli %parallel_loop3A_150, %parallel_loop3A_153 : vector<16xi32>
        %parallel_loop3A_155 = vector.bitcast %parallel_loop3A_154 : vector<16xi32> to vector<16xf32>
        %parallel_loop3A_156 = arith.mulf %parallel_loop3A_151, %parallel_loop3A_147 : vector<16xf32>
        %parallel_loop3A_157 = arith.addf %parallel_loop3A_149, %parallel_loop3A_156 : vector<16xf32>
        %parallel_loop3A_158 = arith.constant 0 : i32
        %parallel_loop3A_159 = arith.index_cast %parallel_loop3A_129 : i32 to index
        %parallel_loop3A_160 = arith.index_cast %parallel_loop3A_158 : i32 to index
        %parallel_loop3A_161 = arith.index_cast %parallel_loop3A_133 : i32 to index
        %parallel_loop3A_162 = tpu.vector_load %arg12[%parallel_loop3A_159, %parallel_loop3A_160, %parallel_loop3A_161] {strides = array<i32>} : memref<16x8x128xf32, #tpu.memory_space<vmem>>, vector<16xf32>,
        tpu.vector_store %arg12[%parallel_loop3A_159, %parallel_loop3A_160, %parallel_loop3A_161], %parallel_loop3A_157 {strides = array<i32>} : memref<16x8x128xf32, #tpu.memory_space<vmem>>, vector<16xf32>,
        %parallel_loop3A_163 = arith.addf %parallel_loop3A_135, %parallel_loop3A_155 : vector<16xf32>
        %parallel_loop3A_164 = arith.constant 1001 : i32
        %parallel_loop3A_165 = vector.broadcast %parallel_loop3A_164 : i32 to vector<16xi32>
        %parallel_loop3A_166 = arith.constant 1 : i32
        %parallel_loop3A_167 = arith.index_cast %parallel_loop3A_129 : i32 to index
        %parallel_loop3A_168 = arith.index_cast %parallel_loop3A_166 : i32 to index
        %parallel_loop3A_169 = arith.index_cast %parallel_loop3A_133 : i32 to index
        %parallel_loop3A_170 = tpu.vector_load %arg10[%parallel_loop3A_167, %parallel_loop3A_168, %parallel_loop3A_169] {strides = array<i32>} : memref<16x8x128xf32, #tpu.memory_space<vmem>>, vector<16xf32>,
        %parallel_loop3A_171 = vector.broadcast %scan3A_10 : f32 to vector<16xf32>
        %parallel_loop3A_172 = arith.mulf %parallel_loop3A_170, %parallel_loop3A_171 : vector<16xf32>
        %parallel_loop3A_173 = arith.fptosi %parallel_loop3A_172 : vector<16xf32> to vector<16xi32>
        %parallel_loop3A_174 = arith.sitofp %parallel_loop3A_173 : vector<16xi32> to vector<16xf32>
        %parallel_loop3A_175 = arith.subf %parallel_loop3A_172, %parallel_loop3A_174 : vector<16xf32>
        %parallel_loop3A_176 = arith.addi %parallel_loop3A_173, %parallel_loop3A_165 : vector<16xi32>
        %parallel_loop3A_177 = tpu.vector_load_idx %arg7[%parallel_loop3A_176] : memref<8008xf32, #tpu.memory_space<vmem>>[vector<16xi32>], vector<16xf32>,
        %parallel_loop3A_178 = tpu.vector_load_idx %arg8[%parallel_loop3A_176] : memref<8008xi32, #tpu.memory_space<vmem>>[vector<16xi32>], vector<16xi32>,
        %parallel_loop3A_179 = vector.bitcast %parallel_loop3A_178 : vector<16xi32> to vector<16xf32>
        %parallel_loop3A_180 = arith.constant 16 : i32
        %parallel_loop3A_181 = vector.broadcast %parallel_loop3A_180 : i32 to vector<16xi32>
        %parallel_loop3A_182 = arith.shli %parallel_loop3A_178, %parallel_loop3A_181 : vector<16xi32>
        %parallel_loop3A_183 = vector.bitcast %parallel_loop3A_182 : vector<16xi32> to vector<16xf32>
        %parallel_loop3A_184 = arith.mulf %parallel_loop3A_179, %parallel_loop3A_175 : vector<16xf32>
        %parallel_loop3A_185 = arith.addf %parallel_loop3A_177, %parallel_loop3A_184 : vector<16xf32>
        %parallel_loop3A_186 = arith.constant 1 : i32
        %parallel_loop3A_187 = arith.index_cast %parallel_loop3A_129 : i32 to index
        %parallel_loop3A_188 = arith.index_cast %parallel_loop3A_186 : i32 to index
        %parallel_loop3A_189 = arith.index_cast %parallel_loop3A_133 : i32 to index
        %parallel_loop3A_190 = tpu.vector_load %arg12[%parallel_loop3A_187, %parallel_loop3A_188, %parallel_loop3A_189] {strides = array<i32>} : memref<16x8x128xf32, #tpu.memory_space<vmem>>, vector<16xf32>,
        tpu.vector_store %arg12[%parallel_loop3A_187, %parallel_loop3A_188, %parallel_loop3A_189], %parallel_loop3A_185 {strides = array<i32>} : memref<16x8x128xf32, #tpu.memory_space<vmem>>, vector<16xf32>,
        %parallel_loop3A_191 = arith.addf %parallel_loop3A_163, %parallel_loop3A_183 : vector<16xf32>
        %parallel_loop3A_192 = arith.constant 2002 : i32
        %parallel_loop3A_193 = vector.broadcast %parallel_loop3A_192 : i32 to vector<16xi32>
        %parallel_loop3A_194 = arith.constant 2 : i32
        %parallel_loop3A_195 = arith.index_cast %parallel_loop3A_129 : i32 to index
        %parallel_loop3A_196 = arith.index_cast %parallel_loop3A_194 : i32 to index
        %parallel_loop3A_197 = arith.index_cast %parallel_loop3A_133 : i32 to index
        %parallel_loop3A_198 = tpu.vector_load %arg10[%parallel_loop3A_195, %parallel_loop3A_196, %parallel_loop3A_197] {strides = array<i32>} : memref<16x8x128xf32, #tpu.memory_space<vmem>>, vector<16xf32>,
        %parallel_loop3A_199 = vector.broadcast %scan3A_10 : f32 to vector<16xf32>
        %parallel_loop3A_200 = arith.mulf %parallel_loop3A_198, %parallel_loop3A_199 : vector<16xf32>
        %parallel_loop3A_201 = arith.fptosi %parallel_loop3A_200 : vector<16xf32> to vector<16xi32>
        %parallel_loop3A_202 = arith.sitofp %parallel_loop3A_201 : vector<16xi32> to vector<16xf32>
        %parallel_loop3A_203 = arith.subf %parallel_loop3A_200, %parallel_loop3A_202 : vector<16xf32>
        %parallel_loop3A_204 = arith.addi %parallel_loop3A_201, %parallel_loop3A_193 : vector<16xi32>
        %parallel_loop3A_205 = tpu.vector_load_idx %arg7[%parallel_loop3A_204] : memref<8008xf32, #tpu.memory_space<vmem>>[vector<16xi32>], vector<16xf32>,
        %parallel_loop3A_206 = tpu.vector_load_idx %arg8[%parallel_loop3A_204] : memref<8008xi32, #tpu.memory_space<vmem>>[vector<16xi32>], vector<16xi32>,
        %parallel_loop3A_207 = vector.bitcast %parallel_loop3A_206 : vector<16xi32> to vector<16xf32>
        %parallel_loop3A_208 = arith.constant 16 : i32
        %parallel_loop3A_209 = vector.broadcast %parallel_loop3A_208 : i32 to vector<16xi32>
        %parallel_loop3A_210 = arith.shli %parallel_loop3A_206, %parallel_loop3A_209 : vector<16xi32>
        %parallel_loop3A_211 = vector.bitcast %parallel_loop3A_210 : vector<16xi32> to vector<16xf32>
        %parallel_loop3A_212 = arith.mulf %parallel_loop3A_207, %parallel_loop3A_203 : vector<16xf32>
        %parallel_loop3A_213 = arith.addf %parallel_loop3A_205, %parallel_loop3A_212 : vector<16xf32>
        %parallel_loop3A_214 = arith.constant 2 : i32
        %parallel_loop3A_215 = arith.index_cast %parallel_loop3A_129 : i32 to index
        %parallel_loop3A_216 = arith.index_cast %parallel_loop3A_214 : i32 to index
        %parallel_loop3A_217 = arith.index_cast %parallel_loop3A_133 : i32 to index
        %parallel_loop3A_218 = tpu.vector_load %arg12[%parallel_loop3A_215, %parallel_loop3A_216, %parallel_loop3A_217] {strides = array<i32>} : memref<16x8x128xf32, #tpu.memory_space<vmem>>, vector<16xf32>,
        tpu.vector_store %arg12[%parallel_loop3A_215, %parallel_loop3A_216, %parallel_loop3A_217], %parallel_loop3A_213 {strides = array<i32>} : memref<16x8x128xf32, #tpu.memory_space<vmem>>, vector<16xf32>,
        %parallel_loop3A_219 = arith.addf %parallel_loop3A_191, %parallel_loop3A_211 : vector<16xf32>
        %parallel_loop3A_220 = arith.constant 3003 : i32
        %parallel_loop3A_221 = vector.broadcast %parallel_loop3A_220 : i32 to vector<16xi32>
        %parallel_loop3A_222 = arith.constant 3 : i32
        %parallel_loop3A_223 = arith.index_cast %parallel_loop3A_129 : i32 to index
        %parallel_loop3A_224 = arith.index_cast %parallel_loop3A_222 : i32 to index
        %parallel_loop3A_225 = arith.index_cast %parallel_loop3A_133 : i32 to index
        %parallel_loop3A_226 = tpu.vector_load %arg10[%parallel_loop3A_223, %parallel_loop3A_224, %parallel_loop3A_225] {strides = array<i32>} : memref<16x8x128xf32, #tpu.memory_space<vmem>>, vector<16xf32>,
        %parallel_loop3A_227 = vector.broadcast %scan3A_10 : f32 to vector<16xf32>
        %parallel_loop3A_228 = arith.mulf %parallel_loop3A_226, %parallel_loop3A_227 : vector<16xf32>
        %parallel_loop3A_229 = arith.fptosi %parallel_loop3A_228 : vector<16xf32> to vector<16xi32>
        %parallel_loop3A_230 = arith.sitofp %parallel_loop3A_229 : vector<16xi32> to vector<16xf32>
        %parallel_loop3A_231 = arith.subf %parallel_loop3A_228, %parallel_loop3A_230 : vector<16xf32>
        %parallel_loop3A_232 = arith.addi %parallel_loop3A_229, %parallel_loop3A_221 : vector<16xi32>
        %parallel_loop3A_233 = tpu.vector_load_idx %arg7[%parallel_loop3A_232] : memref<8008xf32, #tpu.memory_space<vmem>>[vector<16xi32>], vector<16xf32>,
        %parallel_loop3A_234 = tpu.vector_load_idx %arg8[%parallel_loop3A_232] : memref<8008xi32, #tpu.memory_space<vmem>>[vector<16xi32>], vector<16xi32>,
        %parallel_loop3A_235 = vector.bitcast %parallel_loop3A_234 : vector<16xi32> to vector<16xf32>
        %parallel_loop3A_236 = arith.constant 16 : i32
        %parallel_loop3A_237 = vector.broadcast %parallel_loop3A_236 : i32 to vector<16xi32>
        %parallel_loop3A_238 = arith.shli %parallel_loop3A_234, %parallel_loop3A_237 : vector<16xi32>
        %parallel_loop3A_239 = vector.bitcast %parallel_loop3A_238 : vector<16xi32> to vector<16xf32>
        %parallel_loop3A_240 = arith.mulf %parallel_loop3A_235, %parallel_loop3A_231 : vector<16xf32>
        %parallel_loop3A_241 = arith.addf %parallel_loop3A_233, %parallel_loop3A_240 : vector<16xf32>
        %parallel_loop3A_242 = arith.constant 3 : i32
        %parallel_loop3A_243 = arith.index_cast %parallel_loop3A_129 : i32 to index
        %parallel_loop3A_244 = arith.index_cast %parallel_loop3A_242 : i32 to index
        %parallel_loop3A_245 = arith.index_cast %parallel_loop3A_133 : i32 to index
        %parallel_loop3A_246 = tpu.vector_load %arg12[%parallel_loop3A_243, %parallel_loop3A_244, %parallel_loop3A_245] {strides = array<i32>} : memref<16x8x128xf32, #tpu.memory_space<vmem>>, vector<16xf32>,
        tpu.vector_store %arg12[%parallel_loop3A_243, %parallel_loop3A_244, %parallel_loop3A_245], %parallel_loop3A_241 {strides = array<i32>} : memref<16x8x128xf32, #tpu.memory_space<vmem>>, vector<16xf32>,
        %parallel_loop3A_247 = arith.addf %parallel_loop3A_219, %parallel_loop3A_239 : vector<16xf32>
        %parallel_loop3A_248 = arith.constant 4004 : i32
        %parallel_loop3A_249 = vector.broadcast %parallel_loop3A_248 : i32 to vector<16xi32>
        %parallel_loop3A_250 = arith.constant 4 : i32
        %parallel_loop3A_251 = arith.index_cast %parallel_loop3A_129 : i32 to index
        %parallel_loop3A_252 = arith.index_cast %parallel_loop3A_250 : i32 to index
        %parallel_loop3A_253 = arith.index_cast %parallel_loop3A_133 : i32 to index
        %parallel_loop3A_254 = tpu.vector_load %arg10[%parallel_loop3A_251, %parallel_loop3A_252, %parallel_loop3A_253] {strides = array<i32>} : memref<16x8x128xf32, #tpu.memory_space<vmem>>, vector<16xf32>,
        %parallel_loop3A_255 = vector.broadcast %scan3A_10 : f32 to vector<16xf32>
        %parallel_loop3A_256 = arith.mulf %parallel_loop3A_254, %parallel_loop3A_255 : vector<16xf32>
        %parallel_loop3A_257 = arith.fptosi %parallel_loop3A_256 : vector<16xf32> to vector<16xi32>
        %parallel_loop3A_258 = arith.sitofp %parallel_loop3A_257 : vector<16xi32> to vector<16xf32>
        %parallel_loop3A_259 = arith.subf %parallel_loop3A_256, %parallel_loop3A_258 : vector<16xf32>
        %parallel_loop3A_260 = arith.addi %parallel_loop3A_257, %parallel_loop3A_249 : vector<16xi32>
        %parallel_loop3A_261 = tpu.vector_load_idx %arg7[%parallel_loop3A_260] : memref<8008xf32, #tpu.memory_space<vmem>>[vector<16xi32>], vector<16xf32>,
        %parallel_loop3A_262 = tpu.vector_load_idx %arg8[%parallel_loop3A_260] : memref<8008xi32, #tpu.memory_space<vmem>>[vector<16xi32>], vector<16xi32>,
        %parallel_loop3A_263 = vector.bitcast %parallel_loop3A_262 : vector<16xi32> to vector<16xf32>
        %parallel_loop3A_264 = arith.constant 16 : i32
        %parallel_loop3A_265 = vector.broadcast %parallel_loop3A_264 : i32 to vector<16xi32>
        %parallel_loop3A_266 = arith.shli %parallel_loop3A_262, %parallel_loop3A_265 : vector<16xi32>
        %parallel_loop3A_267 = vector.bitcast %parallel_loop3A_266 : vector<16xi32> to vector<16xf32>
        %parallel_loop3A_268 = arith.mulf %parallel_loop3A_263, %parallel_loop3A_259 : vector<16xf32>
        %parallel_loop3A_269 = arith.addf %parallel_loop3A_261, %parallel_loop3A_268 : vector<16xf32>
        %parallel_loop3A_270 = arith.constant 4 : i32
        %parallel_loop3A_271 = arith.index_cast %parallel_loop3A_129 : i32 to index
        %parallel_loop3A_272 = arith.index_cast %parallel_loop3A_270 : i32 to index
        %parallel_loop3A_273 = arith.index_cast %parallel_loop3A_133 : i32 to index
        %parallel_loop3A_274 = tpu.vector_load %arg12[%parallel_loop3A_271, %parallel_loop3A_272, %parallel_loop3A_273] {strides = array<i32>} : memref<16x8x128xf32, #tpu.memory_space<vmem>>, vector<16xf32>,
        tpu.vector_store %arg12[%parallel_loop3A_271, %parallel_loop3A_272, %parallel_loop3A_273], %parallel_loop3A_269 {strides = array<i32>} : memref<16x8x128xf32, #tpu.memory_space<vmem>>, vector<16xf32>,
        %parallel_loop3A_275 = arith.addf %parallel_loop3A_247, %parallel_loop3A_267 : vector<16xf32>
        %parallel_loop3A_276 = arith.constant 5005 : i32
        %parallel_loop3A_277 = vector.broadcast %parallel_loop3A_276 : i32 to vector<16xi32>
        %parallel_loop3A_278 = arith.constant 5 : i32
        %parallel_loop3A_279 = arith.index_cast %parallel_loop3A_129 : i32 to index
        %parallel_loop3A_280 = arith.index_cast %parallel_loop3A_278 : i32 to index
        %parallel_loop3A_281 = arith.index_cast %parallel_loop3A_133 : i32 to index
        %parallel_loop3A_282 = tpu.vector_load %arg10[%parallel_loop3A_279, %parallel_loop3A_280, %parallel_loop3A_281] {strides = array<i32>} : memref<16x8x128xf32, #tpu.memory_space<vmem>>, vector<16xf32>,
        %parallel_loop3A_283 = vector.broadcast %scan3A_10 : f32 to vector<16xf32>
        %parallel_loop3A_284 = arith.mulf %parallel_loop3A_282, %parallel_loop3A_283 : vector<16xf32>
        %parallel_loop3A_285 = arith.fptosi %parallel_loop3A_284 : vector<16xf32> to vector<16xi32>
        %parallel_loop3A_286 = arith.sitofp %parallel_loop3A_285 : vector<16xi32> to vector<16xf32>
        %parallel_loop3A_287 = arith.subf %parallel_loop3A_284, %parallel_loop3A_286 : vector<16xf32>
        %parallel_loop3A_288 = arith.addi %parallel_loop3A_285, %parallel_loop3A_277 : vector<16xi32>
        %parallel_loop3A_289 = tpu.vector_load_idx %arg7[%parallel_loop3A_288] : memref<8008xf32, #tpu.memory_space<vmem>>[vector<16xi32>], vector<16xf32>,
        %parallel_loop3A_290 = tpu.vector_load_idx %arg8[%parallel_loop3A_288] : memref<8008xi32, #tpu.memory_space<vmem>>[vector<16xi32>], vector<16xi32>,
        %parallel_loop3A_291 = vector.bitcast %parallel_loop3A_290 : vector<16xi32> to vector<16xf32>
        %parallel_loop3A_292 = arith.constant 16 : i32
        %parallel_loop3A_293 = vector.broadcast %parallel_loop3A_292 : i32 to vector<16xi32>
        %parallel_loop3A_294 = arith.shli %parallel_loop3A_290, %parallel_loop3A_293 : vector<16xi32>
        %parallel_loop3A_295 = vector.bitcast %parallel_loop3A_294 : vector<16xi32> to vector<16xf32>
        %parallel_loop3A_296 = arith.mulf %parallel_loop3A_291, %parallel_loop3A_287 : vector<16xf32>
        %parallel_loop3A_297 = arith.addf %parallel_loop3A_289, %parallel_loop3A_296 : vector<16xf32>
        %parallel_loop3A_298 = arith.constant 5 : i32
        %parallel_loop3A_299 = arith.index_cast %parallel_loop3A_129 : i32 to index
        %parallel_loop3A_300 = arith.index_cast %parallel_loop3A_298 : i32 to index
        %parallel_loop3A_301 = arith.index_cast %parallel_loop3A_133 : i32 to index
        %parallel_loop3A_302 = tpu.vector_load %arg12[%parallel_loop3A_299, %parallel_loop3A_300, %parallel_loop3A_301] {strides = array<i32>} : memref<16x8x128xf32, #tpu.memory_space<vmem>>, vector<16xf32>,
        tpu.vector_store %arg12[%parallel_loop3A_299, %parallel_loop3A_300, %parallel_loop3A_301], %parallel_loop3A_297 {strides = array<i32>} : memref<16x8x128xf32, #tpu.memory_space<vmem>>, vector<16xf32>,
        %parallel_loop3A_303 = arith.addf %parallel_loop3A_275, %parallel_loop3A_295 : vector<16xf32>
        %parallel_loop3A_304 = arith.constant 6006 : i32
        %parallel_loop3A_305 = vector.broadcast %parallel_loop3A_304 : i32 to vector<16xi32>
        %parallel_loop3A_306 = arith.constant 6 : i32
        %parallel_loop3A_307 = arith.index_cast %parallel_loop3A_129 : i32 to index
        %parallel_loop3A_308 = arith.index_cast %parallel_loop3A_306 : i32 to index
        %parallel_loop3A_309 = arith.index_cast %parallel_loop3A_133 : i32 to index
        %parallel_loop3A_310 = tpu.vector_load %arg10[%parallel_loop3A_307, %parallel_loop3A_308, %parallel_loop3A_309] {strides = array<i32>} : memref<16x8x128xf32, #tpu.memory_space<vmem>>, vector<16xf32>,
        %parallel_loop3A_311 = vector.broadcast %scan3A_10 : f32 to vector<16xf32>
        %parallel_loop3A_312 = arith.mulf %parallel_loop3A_310, %parallel_loop3A_311 : vector<16xf32>
        %parallel_loop3A_313 = arith.fptosi %parallel_loop3A_312 : vector<16xf32> to vector<16xi32>
        %parallel_loop3A_314 = arith.sitofp %parallel_loop3A_313 : vector<16xi32> to vector<16xf32>
        %parallel_loop3A_315 = arith.subf %parallel_loop3A_312, %parallel_loop3A_314 : vector<16xf32>
        %parallel_loop3A_316 = arith.addi %parallel_loop3A_313, %parallel_loop3A_305 : vector<16xi32>
        %parallel_loop3A_317 = tpu.vector_load_idx %arg7[%parallel_loop3A_316] : memref<8008xf32, #tpu.memory_space<vmem>>[vector<16xi32>], vector<16xf32>,
        %parallel_loop3A_318 = tpu.vector_load_idx %arg8[%parallel_loop3A_316] : memref<8008xi32, #tpu.memory_space<vmem>>[vector<16xi32>], vector<16xi32>,
        %parallel_loop3A_319 = vector.bitcast %parallel_loop3A_318 : vector<16xi32> to vector<16xf32>
        %parallel_loop3A_320 = arith.constant 16 : i32
        %parallel_loop3A_321 = vector.broadcast %parallel_loop3A_320 : i32 to vector<16xi32>
        %parallel_loop3A_322 = arith.shli %parallel_loop3A_318, %parallel_loop3A_321 : vector<16xi32>
        %parallel_loop3A_323 = vector.bitcast %parallel_loop3A_322 : vector<16xi32> to vector<16xf32>
        %parallel_loop3A_324 = arith.mulf %parallel_loop3A_319, %parallel_loop3A_315 : vector<16xf32>
        %parallel_loop3A_325 = arith.addf %parallel_loop3A_317, %parallel_loop3A_324 : vector<16xf32>
        %parallel_loop3A_326 = arith.constant 6 : i32
        %parallel_loop3A_327 = arith.index_cast %parallel_loop3A_129 : i32 to index
        %parallel_loop3A_328 = arith.index_cast %parallel_loop3A_326 : i32 to index
        %parallel_loop3A_329 = arith.index_cast %parallel_loop3A_133 : i32 to index
        %parallel_loop3A_330 = tpu.vector_load %arg12[%parallel_loop3A_327, %parallel_loop3A_328, %parallel_loop3A_329] {strides = array<i32>} : memref<16x8x128xf32, #tpu.memory_space<vmem>>, vector<16xf32>,
        tpu.vector_store %arg12[%parallel_loop3A_327, %parallel_loop3A_328, %parallel_loop3A_329], %parallel_loop3A_325 {strides = array<i32>} : memref<16x8x128xf32, #tpu.memory_space<vmem>>, vector<16xf32>,
        %parallel_loop3A_331 = arith.addf %parallel_loop3A_303, %parallel_loop3A_323 : vector<16xf32>
        %parallel_loop3A_332 = arith.constant 7007 : i32
        %parallel_loop3A_333 = vector.broadcast %parallel_loop3A_332 : i32 to vector<16xi32>
        %parallel_loop3A_334 = arith.constant 7 : i32
        %parallel_loop3A_335 = arith.index_cast %parallel_loop3A_129 : i32 to index
        %parallel_loop3A_336 = arith.index_cast %parallel_loop3A_334 : i32 to index
        %parallel_loop3A_337 = arith.index_cast %parallel_loop3A_133 : i32 to index
        %parallel_loop3A_338 = tpu.vector_load %arg10[%parallel_loop3A_335, %parallel_loop3A_336, %parallel_loop3A_337] {strides = array<i32>} : memref<16x8x128xf32, #tpu.memory_space<vmem>>, vector<16xf32>,
        %parallel_loop3A_339 = vector.broadcast %scan3A_10 : f32 to vector<16xf32>
        %parallel_loop3A_340 = arith.mulf %parallel_loop3A_338, %parallel_loop3A_339 : vector<16xf32>
        %parallel_loop3A_341 = arith.fptosi %parallel_loop3A_340 : vector<16xf32> to vector<16xi32>
        %parallel_loop3A_342 = arith.sitofp %parallel_loop3A_341 : vector<16xi32> to vector<16xf32>
        %parallel_loop3A_343 = arith.subf %parallel_loop3A_340, %parallel_loop3A_342 : vector<16xf32>
        %parallel_loop3A_344 = arith.addi %parallel_loop3A_341, %parallel_loop3A_333 : vector<16xi32>
        %parallel_loop3A_345 = tpu.vector_load_idx %arg7[%parallel_loop3A_344] : memref<8008xf32, #tpu.memory_space<vmem>>[vector<16xi32>], vector<16xf32>,
        %parallel_loop3A_346 = tpu.vector_load_idx %arg8[%parallel_loop3A_344] : memref<8008xi32, #tpu.memory_space<vmem>>[vector<16xi32>], vector<16xi32>,
        %parallel_loop3A_347 = vector.bitcast %parallel_loop3A_346 : vector<16xi32> to vector<16xf32>
        %parallel_loop3A_348 = arith.constant 16 : i32
        %parallel_loop3A_349 = vector.broadcast %parallel_loop3A_348 : i32 to vector<16xi32>
        %parallel_loop3A_350 = arith.shli %parallel_loop3A_346, %parallel_loop3A_349 : vector<16xi32>
        %parallel_loop3A_351 = vector.bitcast %parallel_loop3A_350 : vector<16xi32> to vector<16xf32>
        %parallel_loop3A_352 = arith.mulf %parallel_loop3A_347, %parallel_loop3A_343 : vector<16xf32>
        %parallel_loop3A_353 = arith.addf %parallel_loop3A_345, %parallel_loop3A_352 : vector<16xf32>
        %parallel_loop3A_354 = arith.constant 7 : i32
        %parallel_loop3A_355 = arith.index_cast %parallel_loop3A_129 : i32 to index
        %parallel_loop3A_356 = arith.index_cast %parallel_loop3A_354 : i32 to index
        %parallel_loop3A_357 = arith.index_cast %parallel_loop3A_133 : i32 to index
        %parallel_loop3A_358 = tpu.vector_load %arg12[%parallel_loop3A_355, %parallel_loop3A_356, %parallel_loop3A_357] {strides = array<i32>} : memref<16x8x128xf32, #tpu.memory_space<vmem>>, vector<16xf32>,
        tpu.vector_store %arg12[%parallel_loop3A_355, %parallel_loop3A_356, %parallel_loop3A_357], %parallel_loop3A_353 {strides = array<i32>} : memref<16x8x128xf32, #tpu.memory_space<vmem>>, vector<16xf32>,
        %parallel_loop3A_359 = arith.addf %parallel_loop3A_331, %parallel_loop3A_351 : vector<16xf32>
        %parallel_loop3A_360 = arith.constant 7 : i32
        %parallel_loop3A_361 = arith.shli %parallel_loop3A_129, %parallel_loop3A_360 : i32
        %parallel_loop3A_362 = arith.addi %parallel_loop3A_361, %parallel_loop3A_133 : i32
        %parallel_loop3A_363 = arith.index_cast %parallel_loop3A_362 : i32 to index
        %parallel_loop3A_364 = tpu.vector_load %arg14[%parallel_loop3A_363] {strides = array<i32>} : memref<2048xf32, #tpu.memory_space<vmem>>, vector<16xf32>,
        tpu.vector_store %arg14[%parallel_loop3A_363], %parallel_loop3A_359 {strides = array<i32>} : memref<2048xf32, #tpu.memory_space<vmem>>, vector<16xf32>,
      } {sc.loop_unroll_factor = 4 : i64, sc.parallel_access}
      %mul3A_111 = arith.constant 16 : i32
      %mul3A_112 = arith.muli %add3A_86, %mul3A_111 : i32
      %add3A_113 = arith.addi %mul3A_2, %mul3A_112 : i32
      %dma_start3A_114 = arith.constant 0 : i32
      %dma_start3A_115 = arith.constant 0 : i32
      %dma_start3A_116 = tpu.memref_slice %arg5[%add3A_113, %dma_start3A_114, %dma_start3A_115] : memref<8192x8x128xf32, #tpu.memory_space<hbm>> -> memref<16x8x128xf32, #tpu.memory_space<hbm>>
      %dma_start3A_117 = arith.constant 0 : i32
      %dma_start3A_118 = arith.constant 0 : i32
      %dma_start3A_119 = tpu.memref_slice %arg5[%add3A_113, %dma_start3A_117, %dma_start3A_118] : memref<8192x8x128xf32, #tpu.memory_space<hbm>> -> memref<16x8x128xf32, #tpu.memory_space<hbm>>
      tpu.enqueue_dma source(%arg12 : memref<16x8x128xf32, #tpu.memory_space<vmem>>) target(%dma_start3A_119 : memref<16x8x128xf32, #tpu.memory_space<hbm>>) target_semaphore(%arg18 : memref<!tpu.dma_semaphore, #tpu.memory_space<semaphore_mem>>)
      %mul3A_120 = arith.constant 16 : i32
      %mul3A_121 = arith.muli %add3A_86, %mul3A_120 : i32
      %add3A_122 = arith.addi %mul3A_2, %mul3A_121 : i32
      %mul3A_123 = arith.constant 128 : i32
      %mul3A_124 = arith.muli %add3A_122, %mul3A_123 : i32
      %dma_start3A_125 = tpu.memref_slice %arg6[%mul3A_124] : memref<1048576xf32, #tpu.memory_space<hbm>> -> memref<2048xf32, #tpu.memory_space<hbm>>
      %dma_start3A_126 = tpu.memref_slice %arg6[%mul3A_124] : memref<1048576xf32, #tpu.memory_space<hbm>> -> memref<2048xf32, #tpu.memory_space<hbm>>
      tpu.enqueue_dma source(%arg14 : memref<2048xf32, #tpu.memory_space<vmem>>) target(%dma_start3A_126 : memref<2048xf32, #tpu.memory_space<hbm>>) target_semaphore(%arg20 : memref<!tpu.dma_semaphore, #tpu.memory_space<semaphore_mem>>)
    }
    %scan3A_15 = arith.constant 8 : i32
    %add3A_16 = arith.constant 224 : i32
    %add3A_17 = arith.addi %mul3A_2, %add3A_16 : i32
    %dma_wait3A = arith.constant 0 : i32
    %dma_wait3A_18 = arith.constant 0 : i32
    %dma_wait3A_19 = tpu.memref_slice %arg5[%add3A_17, %dma_wait3A, %dma_wait3A_18] : memref<8192x8x128xf32, #tpu.memory_space<hbm>> -> memref<16x8x128xf32, #tpu.memory_space<hbm>>
    %dma_wait3A_20 = arith.constant 0 : i32
    %dma_wait3A_21 = arith.constant 0 : i32
    %dma_wait3A_22 = tpu.memref_slice %arg5[%add3A_17, %dma_wait3A_20, %dma_wait3A_21] : memref<8192x8x128xf32, #tpu.memory_space<hbm>> -> memref<16x8x128xf32, #tpu.memory_space<hbm>>
    tpu.wait_dma2 semaphore(%arg17 : memref<!tpu.dma_semaphore, #tpu.memory_space<semaphore_mem>>) src(%arg11 : memref<16x8x128xf32, #tpu.memory_space<vmem>>) dst(%dma_wait3A_22 : memref<16x8x128xf32, #tpu.memory_space<hbm>>)
    %add3A_23 = arith.constant 224 : i32
    %add3A_24 = arith.addi %mul3A_2, %add3A_23 : i32
    %mul3A_25 = arith.constant 128 : i32
    %mul3A_26 = arith.muli %add3A_24, %mul3A_25 : i32
    %dma_wait3A_27 = tpu.memref_slice %arg6[%mul3A_26] : memref<1048576xf32, #tpu.memory_space<hbm>> -> memref<2048xf32, #tpu.memory_space<hbm>>
    %dma_wait3A_28 = tpu.memref_slice %arg6[%mul3A_26] : memref<1048576xf32, #tpu.memory_space<hbm>> -> memref<2048xf32, #tpu.memory_space<hbm>>
    tpu.wait_dma2 semaphore(%arg19 : memref<!tpu.dma_semaphore, #tpu.memory_space<semaphore_mem>>) src(%arg13 : memref<2048xf32, #tpu.memory_space<vmem>>) dst(%dma_wait3A_28 : memref<2048xf32, #tpu.memory_space<hbm>>)
    %add3A_29 = arith.constant 240 : i32
    %add3A_30 = arith.addi %mul3A_2, %add3A_29 : i32
    %dma_wait3A_31 = arith.constant 0 : i32
    %dma_wait3A_32 = arith.constant 0 : i32
    %dma_wait3A_33 = tpu.memref_slice %arg5[%add3A_30, %dma_wait3A_31, %dma_wait3A_32] : memref<8192x8x128xf32, #tpu.memory_space<hbm>> -> memref<16x8x128xf32, #tpu.memory_space<hbm>>
    %dma_wait3A_34 = arith.constant 0 : i32
    %dma_wait3A_35 = arith.constant 0 : i32
    %dma_wait3A_36 = tpu.memref_slice %arg5[%add3A_30, %dma_wait3A_34, %dma_wait3A_35] : memref<8192x8x128xf32, #tpu.memory_space<hbm>> -> memref<16x8x128xf32, #tpu.memory_space<hbm>>
    tpu.wait_dma2 semaphore(%arg18 : memref<!tpu.dma_semaphore, #tpu.memory_space<semaphore_mem>>) src(%arg12 : memref<16x8x128xf32, #tpu.memory_space<vmem>>) dst(%dma_wait3A_36 : memref<16x8x128xf32, #tpu.memory_space<hbm>>)
    %add3A_37 = arith.constant 240 : i32
    %add3A_38 = arith.addi %mul3A_2, %add3A_37 : i32
    %mul3A_39 = arith.constant 128 : i32
    %mul3A_40 = arith.muli %add3A_38, %mul3A_39 : i32
    %dma_wait3A_41 = tpu.memref_slice %arg6[%mul3A_40] : memref<1048576xf32, #tpu.memory_space<hbm>> -> memref<2048xf32, #tpu.memory_space<hbm>>
    %dma_wait3A_42 = tpu.memref_slice %arg6[%mul3A_40] : memref<1048576xf32, #tpu.memory_space<hbm>> -> memref<2048xf32, #tpu.memory_space<hbm>>
    tpu.wait_dma2 semaphore(%arg20 : memref<!tpu.dma_semaphore, #tpu.memory_space<semaphore_mem>>) src(%arg14 : memref<2048xf32, #tpu.memory_space<vmem>>) dst(%dma_wait3A_42 : memref<2048xf32, #tpu.memory_space<hbm>>)
    return
  }
}

</mosaic_0001>

<sc_bundles>
// kernel: kernel.3.cloned.1.call-start
scs
__scs_entry_jumppad:
0x0: {  	(pc) =	sbr.rel $0x88, $3  }
0x1: {  	(tag) =	ssettag $0x0;
	lr =	simm.s32 $0x1  }
0x2: {  	[smem:$0x3F9E] =	sst lr;
	_ =	strace $0xD0000000  }
0x3: {  	_ = 	snop  }
0x4: {  	_ = 	snop  }
0x5: {  	_ = 	snop  }
0x6: {  	_ = 	snop  }
0x7: {  	_ = 	snop  }
__scs_overlays_trampoline_lowered:
0x8: {  	[smem:$0x3FAD] =	sst s0  }
0x9: {  	[smem:$0x3FAE] =	sst s1  }
0xa: {  	[smem:$0x3FAF] =	sst s2  }
0xb: {  	[smem:$0x3FB0] =	sst s3  }
0xc: {  	[smem:$0x3FB1] =	sst s4  }
0xd: {  	[smem:$0x3FB2] =	sst s5  }
0xe: {  	[smem:$0x3FB3] =	sst s6  }
0xf: {  	[smem:$0x3FB4] =	sst s7  }
0x10: {  	[smem:$0x3FB5] =	sst s8  }
0x11: {  	[smem:$0x3FB6] =	sst s9;
	s0 =	simm.s32 @!p0 $0x0  }
0x12: {  	s1 =	sld [smem:$0x3F9C];
	s0 =	simm.s32 @p0 $0x1  }
0x13: {  	[smem:$0x3FB7] =	sst s0;
	s0 =	simm.s32 @!p1 $0x0  }
0x14: {  	s2 =	sld [smem:$0x3F9B];
	s0 =	simm.s32 @p1 $0x1  }
0x15: {  	[smem:$0x3FB8] =	sst s0;
	s0 =	simm.s32 @!p2 $0x0  }
0x16: {  	s3 =	sld [smem:$0x3FDB];
	s0 =	simm.s32 @p2 $0x1  }
0x17: {  	s4 =	simm.s32 $0x1BF5;
	[smem:$0x3FBA] =	sst s0  }
0x18: {  	s0 =	sld [smem:$0x3F9D];
	_ =	swait.ge [sflag:s4], $0x0  }
0x19: {  	s7 =	sld [smem:$0x3F9E]  }
0x1a: {  	s8 =	sadd.s32 $0xFFFFE003, lr  }
0x1b: {  	s9 =	sadd.s32 $0xFFFFFEF7, lr;
	s5 =	simm.s32 $0xFFFFFFFF;
	p2 =	slt.u32 s8, $0xFFFFF086  }
0x1c: {  	p1 =	slt.u32 s9, $0xF7A;
	s5 =	simm.s32 @!p2 $0x0  }
0x1d: {  	s5 =	simm.s32 @p1 $0x1;
	p0 =	seq.s32 s7, s2  }
0x1e: {  	s7 =	smul.u32 @!p0 $0xF7A, s2;
	p2 =	seq.s32 @!p0 s5, $0x0  }
0x1f: {  	s9 =	smul.u32 $0xF7A, s1;
	s8 =	simm.s32 @!p0 $0x1BF5;
	p2 =	por !p2, p0  }
0x20: {  	[sflag:s8] =	ssyncset.s32 @!p0 $0xFFFFF086;
	s6 =	sadd.s32 @!p0 s3, s7;
	s7 =	simm.s32 @!p0 $0x108  }
0x21: {  	s3 =	sadd.s32 s3, s9;
	s6 =	sadd.s32 @!p0 $0x88, s6;
	s7 =	simm.s32 @p2 $0x1082  }
0x22: {  	[simem:s7], [sflag:s8] =	dma.local @!p0 [hbm:s6], $0xF7A  }
0x23: {  	s9 =	sor.u32 $0xD0000000, s2;
	s6 =	simm.s32 $0x108;
	_ =	swait.ge @!p0 [sflag:s8], $0x0  }
0x24: {  	s3 =	sadd.s32 $0x88, s3;
	s6 =	simm.s32 @!p1 $0x1082;
	[sflag:s4] =	ssyncset.s32 $0xFFFFF086  }
0x25: {  	[simem:s6], [sflag:s4] =	dma.local [hbm:s3], $0xF7A  }
0x26: {  	[smem:$0x3F9E] =	sst s1;
	(tag) =	ssettag s2;
	_ =	strace s9  }
0x27: {  	s1 =	sld [smem:$0x3FAE]  }
0x28: {  	s2 =	sld [smem:$0x3FAF]  }
0x29: {  	s4 =	sld [smem:$0x3FB1]  }
0x2a: {  	p0 =	seq.s32 s5, $0x0;
	s5 =	sld [smem:$0x3FB2]  }
0x2b: {  	s6 =	sld [smem:$0x3FB3]  }
0x2c: {  	s7 =	sld [smem:$0x3FB4]  }
0x2d: {  	s3 =	simm.s32 $0x108;
	s8 =	sld [smem:$0x3FB5]  }
0x2e: {  	s3 =	simm.s32 @!p0 $0x1082;
	s9 =	sld [smem:$0x3FB6]  }
0x2f: {  	lr =	sadd.s32 s0, s3;
	s0 =	sld [smem:$0x3FAD]  }
0x30: {  	s3 =	sld [smem:$0x3FB0]  }
0x31: {  	[smem:$0x3FB9] =	sst s10  }
0x32: {  	s10 =	sld [smem:$0x3FB7];
	_ =	sdelay $0x3  }
0x33: {  	p0 =	seq.s32 s10, $0x1;
	s10 =	sld [smem:$0x3FB9];
	_ =	sdelay $0x3  }
0x34: {  	[smem:$0x3FB9] =	sst s10  }
0x35: {  	s10 =	sld [smem:$0x3FB8];
	_ =	sdelay $0x3  }
0x36: {  	p1 =	seq.s32 s10, $0x1;
	s10 =	sld [smem:$0x3FB9];
	_ =	sdelay $0x3  }
0x37: {  	[smem:$0x3FB9] =	sst s10  }
0x38: {  	s10 =	sld [smem:$0x3FBA]  }
0x39: {  	_ = 	snop;
	(pc) =	sbr.ind lr, $3  }
0x3a: {  	_ = 	snop  }
0x3b: {  	_ = 	snop  }
0x3c: {  	p2 =	seq.s32 s10, $0x1;
	s10 =	sld [smem:$0x3FB9]  }
0x3d: {  	_ =	shalt  }
0x3e: {  	_ =	shalt  }
0x3f: {  	_ =	shalt  }
0x40: {  	_ =	shalt  }
0x41: {  	_ =	shalt  }
0x42: {  	_ =	shalt  }
0x43: {  	_ =	shalt  }
0x44: {  	_ =	shalt  }
0x45: {  	_ =	shalt  }
0x46: {  	_ =	shalt  }
0x47: {  	_ =	shalt  }
0x48: {  	_ =	shalt  }
0x49: {  	_ =	shalt  }
0x4a: {  	_ =	shalt  }
0x4b: {  	_ =	shalt  }
0x4c: {  	_ =	shalt  }
0x4d: {  	_ =	shalt  }
0x4e: {  	_ =	shalt  }
0x4f: {  	_ =	shalt  }
0x50: {  	_ =	shalt  }
0x51: {  	_ =	shalt  }
0x52: {  	_ =	shalt  }
0x53: {  	_ =	shalt  }
0x54: {  	_ =	shalt  }
0x55: {  	_ =	shalt  }
0x56: {  	_ =	shalt  }
0x57: {  	_ =	shalt  }
0x58: {  	_ =	shalt  }
0x59: {  	_ =	shalt  }
0x5a: {  	_ =	shalt  }
0x5b: {  	_ =	shalt  }
0x5c: {  	_ =	shalt  }
0x5d: {  	_ =	shalt  }
0x5e: {  	_ =	shalt  }
0x5f: {  	_ =	shalt  }
0x60: {  	_ =	shalt  }
0x61: {  	_ =	shalt  }
0x62: {  	_ =	shalt  }
0x63: {  	_ =	shalt  }
0x64: {  	_ =	shalt  }
0x65: {  	_ =	shalt  }
0x66: {  	_ =	shalt  }
0x67: {  	_ =	shalt  }
0x68: {  	_ =	shalt  }
0x69: {  	_ =	shalt  }
0x6a: {  	_ =	shalt  }
0x6b: {  	_ =	shalt  }
0x6c: {  	_ =	shalt  }
0x6d: {  	_ =	shalt  }
0x6e: {  	_ =	shalt  }
0x6f: {  	_ =	shalt  }
0x70: {  	_ =	shalt  }
0x71: {  	_ =	shalt  }
0x72: {  	_ =	shalt  }
0x73: {  	_ =	shalt  }
0x74: {  	_ =	shalt  }
0x75: {  	_ =	shalt  }
0x76: {  	_ =	shalt  }
0x77: {  	_ =	shalt  }
0x78: {  	_ =	shalt  }
0x79: {  	_ =	shalt  }
0x7a: {  	_ =	shalt  }
0x7b: {  	_ =	shalt  }
0x7c: {  	_ =	shalt  }
0x7d: {  	_ =	shalt  }
0x7e: {  	_ =	shalt  }
0x7f: {  	_ =	shalt  }
0x80: {  	_ =	shalt  }
0x81: {  	_ =	shalt  }
0x82: {  	_ =	shalt  }
0x83: {  	_ =	shalt  }
0x84: {  	_ =	shalt  }
0x85: {  	_ =	shalt  }
0x86: {  	_ =	shalt  }
0x87: {  	_ =	shalt  }
.Lfunc_end0:
.L_simem_size_0:
called_computation_lowered:
.L_overlay_start_0:
0x88: {  	s2 =	sld [smem:$0x3FD9]  }
0x89: {  	s3 =	sld [smem:$0x3FFE];
	_ =	sdelay $0x1  }
0x8a: {  	s1 =	srdreg.scid  }
0x8b: {  	s0 =	sand.u32 $0x1, s1  }
0x8c: {  	s14 =	sshll.u32 s0, $0xA;
	s2 =	sadd.s32 s3, s2  }
0x8d: {  	s2 =	sadd.s32 s2, s14  }
0x8e: {  	[smem:$0x3FC5] =	sst s2  }
0x8f: {  	_ = 	snop  }
0x90: {  	s2 =	sld [smem:$0x3FD0];
	_ =	sdelay $0x2  }
0x91: {  	s4 =	simm.s32 $0xA;
	s5 =	simm.s32 $0x10;
	s15 =	sld [smem:$0x3FC9]  }
0x92: {  	[smem:s5], [sflag:s4] =	dma.local [hbm:s2], $0x1  }
0x93: {  	_ =	swait.eq [sflag:s4], $0x1  }
0x94: {  	[sflag:s4] =	ssyncset.done $0x0  }
0x95: {  	s16 =	sld [smem:$0x10];
	[sflag:s4] =	ssyncadd.s32 $0xFFFFFFFF  }
0x96: {  	s17 =	sld [smem:$0x11];
	(tm) =	ssettm $0x1  }
0x97: {  	s18 =	sld [smem:$0x3FFB];
	_ =	sdelay $0x3  }
0x98: {  	_ =	strace s18  }
0x99: {  	s5 =	sld [smem:$0x3FFC];
	_ =	sdelay $0x3  }
0x9a: {  	_ =	strace s5  }
0x9b: {  	s5 =	sld [smem:$0x3FFD];
	_ =	sdelay $0x3  }
0x9c: {  	_ =	strace s5  }
0x9d: {  	_ =	strace $0x8FFFFFFF  }
0x9e: {  	s19 =	sld [smem:$0x3FDB];
	_ =	sdelay $0x1  }
0x9f: {  	s6 =	simm.s32 $_scs_section_size  }
0xa0: {  	s7 =	simm.s32 $_size__tile_overlayer_lowered;
	s8 =	simm.s32 $_tile_overlayer_lowered  }
0xa1: {  	s22 =	simm.s32 $0x1BFF;
	s21 =	sshll.u32 s8, $0x1;
	s5 =	sadd.s32 s6, s19  }
0xa2: {  	s9 =	simm.s32 $0x0;
	s20 =	sshll.u32 s7, $0x1;
	s7 =	sadd.s32 s21, s5  }
0xa3: {  	[timem:s9], [sflag:s22] =	dma.local [hbm:s7], s20  }
0xa4: {  	_ =	swait.ge [sflag:s22], s20  }
0xa5: {  	s6 =	ssub.s32 $0x0, s20;
	[sflag:s22] =	ssyncset.done $0x0  }
0xa6: {  	[sflag:s22] =	ssyncadd.s32 s6;
	_ =	sdelay $0x1  }
0xa7: {  	s23 =	simm.s32 $0x1B8B  }
0xa8: {  	_ =	swait.ge [sflag:s23], $0x1  }
0xa9: {  	[sflag:s23] =	ssyncset.done $0x0  }
0xaa: {  	s25 =	simm.s32 $0x1B8E;
	s24 =	sld [smem:$0x3FFE];
	[sflag:s23] =	ssyncadd.s32 $0xFFFFFFFF  }
0xab: {  	s26 =	simm.s32 $execute0_lowered;
	[smem:$0x3FD2] =	sst s25  }
0xac: {  	s7 =	sshll.u32 s26, $0x1;
	_ =	strace $0x80000046;
	[dreg:$0x1] =	wrdreg $0xFFFFFFFF  }
0xad: {  	s28 =	simm.s32 $_size_execute0_lowered;
	s5 =	sadd.s32 s5, s7;
	[dreg:$0x0] =	wrdreg $0x0  }
0xae: {  	s7 =	sshll.u32 s28, $0x1;
	[dreg:$0x2] =	wrdreg s5  }
0xaf: {  	[dreg:$0x3] =	wrdreg s7  }
0xb0: {  	[dreg:$0x4] =	wrdreg $0xC0  }
0xb1: {  	_ =	task [dreg:s9], $0x5FFFF  }
0xb2: {  	[dreg:$0x1] =	wrdreg $0xFFFFFFFF  }
0xb3: {  	[dreg:$0x0] =	wrdreg $0x60  }
0xb4: {  	[dreg:$0x2] =	wrdreg s15  }
0xb5: {  	[dreg:$0x3] =	wrdreg s24  }
0xb6: {  	[dreg:$0x4] =	wrdreg s16  }
0xb7: {  	[dreg:$0x5] =	wrdreg s17  }
0xb8: {  	[dreg:$0x6] =	wrdreg $0x9  }
0xb9: {  	_ =	task.clear_ibuf [dreg:s9], $0x7FFFF;
	_ =	strace $0x90000046  }
0xba: {  	s29 =	simm.s32 $0x9;
	_ =	strace $0x80000048  }
0xbb: {  	_ =	swait.ge [sflag:s29], $0x1  }
0xbc: {  	[sflag:s29] =	ssyncadd.s32 $0xFFFFFFFF  }
0xbd: {  	_ =	strace $0x90000048  }
0xbe: {  	_ =	sfence  }
0xbf: {  	s30 =	sld [smem:$0x0];
	_ =	sdelay $0x2  }
0xc0: {  	s31 =	sshll.u32 s1, $0xD;
	s1 =	sshrl.u32 s1, $0x2  }
0xc1: {  	s3 =	sand.u32 $0x4000, s31;
	s1 =	sadd.s32 s1, s30  }
0xc2: {  	s0 =	sor.u32 s3, s0;
	s1 =	sshll.u32 s1, $0x11  }
0xc3: {  	s0 =	sor.u32 s1, s0  }
0xc4: {  	s0 =	sadd.s32 $0x8F2B, s0  }
0xc5: {  	[sflag:s0] =	ssyncadd.remote.s32 $0x1  }
0xc6: {  	_ =	sfence.sel $0xFFFF  }
0xc7: {  	[dreg:$0x0] =	wrdreg $0xFFFFFFFF;
	(pc) =	sbr.abs _section_cstart, $3  }
0xc8: {  	[dreg:$0x1] =	wrdreg $0xFFFFFFFF  }
0xc9: {  	_ =	task.clear_ibuf [dreg:s9], $0x2FFFF;
	_ =	strace $0x9FFFFFFF  }
0xca: {  	(tm) =	ssettm $0x7FFFFFFF  }
0xcb: {  	_ =	shalt  }
tec
execute0_lowered:
.L_overlay_start_1:
0x0: {  	(tag) =	ssettag $0x1  }
0x1: {  	s0 =	rddreg [dreg:$0x0]  }
0x2: {  	s1 =	rddreg [dreg:$0x1]  }
0x3: {  	s24 =	rddreg [dreg:$0x2]  }
0x4: {  	s14 =	rddreg [dreg:$0x3]  }
0x5: {  	s2 =	srdreg.scid;
	s3 =	stileid.u32;
	s4 =	simm.s32 $0x0  }
0x6: {  	s2 =	sand.u32 $0x1, s2;
	s3 =	sshll.u32 s3, $0x9;
	[smem:$0x7FF] =	sst s4  }
0x7: {  	s8 =	sadd.s32 $0xC00, s1;
	s1 =	sadd.s32 $0x800, s1;
	s5 =	sshll.u32 s2, $0x8  }
0x8: {  	s2 =	ssub.s32 $0x2, s2;
	_ =	strace $0x80000047;
	s5 =	sor.u32 s5, s3  }
0x9: {  	[dreg:$0x5] =	wrdreg s8;
	s30 =	sshrl.u32 s2, $0x1;
	s6 =	sshll.u32 s5, $0x7  }
0xa: {  	[dreg:$0x7] =	wrdreg s1;
	s2 =	ssub.s32 s2, s30;
	s0 =	sadd.s32 s0, s6  }
0xb: {  	s31 =	smax.u32 s2, $0x1;
	[dreg:$0x6] =	wrdreg s0  }
0xc: {  	s13 =	simm.s32 $0x1F48;
	s0 =	sadd.s32 $0x1000, s0;
	[dreg:$0x9] =	wrdreg s31  }
0xd: {  	s18 =	simm.s32 $0x2;
	s2 =	simm.s32 $0x0;
	[dreg:$0x8] =	wrdreg s0  }
.LBB2_1:
0xe: {  	[dreg:$0xa] =	wrdreg s2  }
0xf: {  	s0 =	rddreg [dreg:$0x6];
	s1 =	simm.s32 $0x3E90  }
0x10: {  	[tilespmem:s1], [sflag:$0x1] =	stream.linear.gather [hbm4b:s0+s4], $0x4000, $0x38;
	[tilespmem:$0x14E90] =	vst v63  }
0x11: {  	s29 =	rddreg [dreg:$0x5];
	s30 =	simm.s32 $0x7  }
0x12: {  	[tilespmem:s4], [sflag:$0x7] =	stream.linear.gather [hbm4b:s29+s4], $0x1F48, $0x38;
	[tilespmem:$0x14E90] =	vst v63  }
0x13: {  	_ =	swait.ge [sflag:s30], $0x1F48  }
0x14: {  	[sflag:s30] =	ssyncset.done $0x0  }
0x15: {  	s31 =	rddreg [dreg:$0x7];
	[sflag:s30] =	ssyncadd.s32 $0xFFFFE0B8  }
0x16: {  	[tilespmem:s13], [sflag:$0x7] =	stream.linear.gather [hbm4b:s31+s4], $0x1F48, $0x38;
	[tilespmem:$0x14E90] =	vst v63  }
0x17: {  	_ =	swait.ge [sflag:s30], $0x1F48  }
0x18: {  	[sflag:s30] =	ssyncset.done $0x0  }
0x19: {  	s26 =	simm.s32 $0x0;
	[sflag:s30] =	ssyncadd.s32 $0xFFFFE0B8  }
.LBB2_2:
0x1a: {  	s1 =	simm.s32 $0x1  }
0x1b: {  	s28 =	sshllo.u32 s26, $0x1;
	s16 =	simm.s32 $0x7E90;
	_ =	swait.ge [sflag:s1], $0x4000  }
0x1c: {  	s0 =	sshll.u32 s28, $0xB;
	[sflag:s1] =	ssyncset.done $0x0;
	s15 =	rddreg [dreg:$0x6]  }
0x1d: {  	p0 =	seq.s32 s26, $0x0;
	[sflag:s1] =	ssyncadd.s32 $0xFFFFC000;
	s0 =	sadd.s32 s0, s15  }
0x1e: {  	[tilespmem:s16], [sflag:$0x2] =	stream.linear.gather [hbm4b:s0+s4], $0x4000, $0x38;
	[tilespmem:$0x14E90] =	vst v63  }
0x1f: {  	s0 =	simm.s32 @!p0 $0x3  }
0x20: {  	_ =	swait.ge @!p0 [sflag:s0], $0x4000  }
0x21: {  	[sflag:s0] =	ssyncset.done @!p0 $0x0  }
0x22: {  	s17 =	simm.s32 $0x0;
	[sflag:s0] =	ssyncadd.s32 @!p0 $0xFFFFC000;
	s0 =	simm.s32 @!p0 $0x5  }
0x23: {  	s19 =	simm.s32 $0x0;
	s10 =	sand.u32 $0x40, s17;
	_ =	swait.ge @!p0 [sflag:s0], $0x800  }
0x24: {  	s12 =	sor.u32 $0x30, s10;
	s1 =	sand.u32 $0xFFFFFC00, s19;
	[sflag:s0] =	ssyncset.done @!p0 $0x0  }
0x25: {  	s25 =	sor.u32 s1, s12;
	[sflag:s0] =	ssyncadd.s32 @!p0 $0xFFFFF800  }
0x26: {  	s22 =	sor.u32 $0x10, s10;
	s31 =	sor.u32 s10, s1;
	v0 =	vld [tilespmem:s25+$0x3E90]  }
0x27: {  	s21 =	sor.u32 $0x20, s10;
	s30 =	sor.u32 s1, s22;
	v1 =	vld [tilespmem:s31+$0x3E90]  }
0x28: {  	s29 =	sor.u32 s1, s21;
	v2 =	vld [tilespmem:s30+$0x3E90]  }
0x29: {  	v3 =	vld [tilespmem:s29+$0x3E90]  }
0x2a: {  	v4 =	vld [tilespmem:s31+$0x3F10]  }
0x2b: {  	v6 =	vld [tilespmem:s29+$0x3F10]  }
0x2c: {  	v13 =	vld [tilespmem:s25+$0x3F10]  }
0x2d: {  	v8 =	vld [tilespmem:s31+$0x3F90]  }
0x2e: {  	v9 =	vld [tilespmem:s30+$0x3F90];
	v5 =	vmul.f32 $1.000000000e+03, v0;
	v1 =	vmul.f32 $1.000000000e+03, v1  }
0x2f: {  	v2 =	vmul.f32 $1.000000000e+03, v2;
	v3 =	vmul.f32 $1.000000000e+03, v3  }
0x30: {  	v4 =	vmul.f32 $1.000000000e+03, v4;
	v6 =	vmul.f32 $1.000000000e+03, v6  }
0x31: {  	v15 =	vld [tilespmem:s31+$0x4010];
	v13 =	vmul.f32 $1.000000000e+03, v13;
	v7 =	vtrunc.f32 v5  }
0x32: {  	v20 =	vld [tilespmem:s29+$0x4010];
	v8 =	vmul.f32 $1.000000000e+03, v8;
	v7 =	vcvt.f32.s32 v7  }
0x33: {  	v0 =	vld [tilespmem:s30+$0x3F10];
	v9 =	vmul.f32 $1.000000000e+03, v9;
	v10 =	vtrunc.f32 v1  }
0x34: {  	v11 =	vtrunc.f32 v2;
	v10 =	vcvt.f32.s32 v10  }
0x35: {  	v38 =	vld [tilespmem:s31+$0x4190];
	v12 =	vtrunc.f32 v3;
	v11 =	vcvt.f32.s32 v11  }
0x36: {  	v15 =	vmul.f32 $1.000000000e+03, v15;
	v12 =	vcvt.f32.s32 v12  }
0x37: {  	v14 =	vld [tilespmem:s29+$0x3F90];
	v20 =	vmul.f32 $1.000000000e+03, v20;
	v16 =	vcvt.s32.f32 v10  }
0x38: {  	v18 =	vcvt.s32.f32 v11;
	v21 =	vmul.f32 $1.000000000e+03, v0;
	v0 =	vld.idx.msk [tilespmem:v7+s13+$0x0], $0xffff  }
0x39: {  	v19 =	vcvt.s32.f32 v12;
	v1 =	vsub.f32 v1, v16;
	v16 =	vcvt.s32.f32 v7;
	v7 =	vld.idx.msk [tilespmem:v7+s4+$0x0], $0xffff  }
0x3a: {  	v38 =	vmul.f32 $1.000000000e+03, v38;
	v23 =	vtrunc.f32 v21;
	v2 =	vsub.f32 v2, v18;
	v18 =	vld.idx.msk [tilespmem:v10+s13+$0x0], $0xffff  }
0x3b: {  	v22 =	vtrunc.f32 v4;
	v3 =	vsub.f32 v3, v19;
	v19 =	vcvt.f32.s32 v23;
	v26 =	vld.idx.msk [tilespmem:v11+s13+$0x0], $0xffff  }
0x3c: {  	v24 =	vtrunc.f32 v13;
	v22 =	vcvt.f32.s32 v22;
	v23 =	vld.idx.msk [tilespmem:v12+s13+$0x0], $0xffff  }
0x3d: {  	v25 =	vtrunc.f32 v6;
	v10 =	vld.idx.msk [tilespmem:v10+s4+$0x0], $0xffff;
	v28 =	vadd.s32 $0x3E9, v19;
	v19 =	vcvt.s32.f32 v19  }
0x3e: {  	v27 =	vcvt.s32.f32 v22;
	v22 =	vadd.s32 $0x3E9, v22;
	v5 =	vsub.f32 v5, v16;
	v11 =	vld.idx.msk [tilespmem:v11+s4+$0x0], $0xffff  }
0x3f: {  	v16 =	vcvt.f32.s32 v24;
	v24 =	vcvt.f32.s32 v25;
	v19 =	vsub.f32 v21, v19;
	v21 =	vld [tilespmem:s30+$0x4090]  }
0x40: {  	v29 =	vld [tilespmem:s25+$0x3F90];
	v4 =	vsub.f32 v4, v27;
	v27 =	vtrunc.f32 v8;
	v5 =	vmul.f32 v0, v5  }
0x41: {  	v25 =	vadd.s32 $0x3E9, v16;
	v30 =	vadd.s32 $0x3E9, v24;
	v16 =	vcvt.s32.f32 v16  }
0x42: {  	v1 =	vmul.f32 v18, v1;
	v2 =	vmul.f32 v26, v2;
	v5 =	vadd.f32 v5, v7  }
0x43: {  	v3 =	vmul.f32 v23, v3;
	v26 =	vshll.u32 v26, $0x10;
	v7 =	vld.idx.msk [tilespmem:v12+s4+$0x0], $0xffff;
	v12 =	vcvt.s32.f32 v24  }
0x44: {  	v17 =	vld [tilespmem:s30+$0x4010];
	v2 =	vadd.f32 v2, v11;
	v21 =	vmul.f32 $1.000000000e+03, v21;
	[tilespmem:s25+$0xBE90] =	vst v5;
	v5 =	vadd.f32 v1, v10  }
0x45: {  	v24 =	vld [tilespmem:s31+$0x4090];
	v6 =	vsub.f32 v6, v12;
	v10 =	vmul.f32 $1.000000000e+03, v14;
	v12 =	vmul.f32 $1.000000000e+03, v29  }
0x46: {  	v14 =	vshll.u32 v18, $0x10;
	v18 =	vld [tilespmem:s29+$0x4090];
	v52 =	vtrunc.f32 v21;
	[tilespmem:s31+$0xBE90] =	vst v5;
	v5 =	vtrunc.f32 v9  }
0x47: {  	v23 =	vshll.u32 v23, $0x10;
	[tilespmem:s30+$0xBE90] =	vst v2;
	v1 =	vld.idx.msk [tilespmem:v25+s13+$0x0], $0xffff;
	v11 =	vtrunc.f32 v12;
	v2 =	vtrunc.f32 v10  }
0x48: {  	v25 =	vld.idx.msk [tilespmem:v25+s4+$0x0], $0xffff;
	v3 =	vadd.f32 v3, v7;
	v7 =	vsub.f32 v13, v16;
	v13 =	vcvt.f32.s32 v11  }
0x49: {  	v0 =	vshll.u32 v0, $0x10;
	v29 =	vld.idx.msk [tilespmem:v22+s13+$0x0], $0xffff;
	v11 =	vcvt.f32.s32 v27;
	v5 =	vcvt.f32.s32 v5  }
0x4a: {  	v0 =	vadd.f32 $0.0e+00, v0;
	v22 =	vld.idx.msk [tilespmem:v22+s4+$0x0], $0xffff;
	v2 =	vcvt.f32.s32 v2;
	v24 =	vmul.f32 $1.000000000e+03, v24  }
0x4b: {  	v16 =	vld.idx.msk [tilespmem:v28+s13+$0x0], $0xffff;
	v27 =	vadd.s32 $0x7D2, v13;
	v31 =	vcvt.s32.f32 v11;
	v32 =	vadd.s32 $0x7D2, v11  }
0x4c: {  	[tilespmem:s29+$0xBE90] =	vst v3;
	v3 =	vld [tilespmem:s25+$0x4010];
	v33 =	vcvt.s32.f32 v5;
	v34 =	vadd.s32 $0x7D2, v5;
	v13 =	vcvt.s32.f32 v13  }
0x4d: {  	v18 =	vmul.f32 $1.000000000e+03, v18;
	v7 =	vmul.f32 v1, v7;
	v11 =	vld.idx.msk [tilespmem:v30+s13+$0x0], $0xffff;
	v1 =	vshll.u32 v1, $0x10  }
0x4e: {  	v8 =	vsub.f32 v8, v31;
	v31 =	vld [tilespmem:s31+$0x4110];
	v33 =	vsub.f32 v9, v33;
	v4 =	vmul.f32 v29, v4  }
0x4f: {  	v9 =	vmul.f32 $1.000000000e+03, v17;
	v5 =	vadd.f32 v7, v25;
	v7 =	vld.idx.msk [tilespmem:v28+s4+$0x0], $0xffff;
	v25 =	vcvt.s32.f32 v2  }
0x50: {  	v55 =	vld [tilespmem:s25+$0x4110];
	v53 =	vtrunc.f32 v18;
	v0 =	vadd.f32 v1, v0;
	v4 =	vadd.f32 v4, v22  }
0x51: {  	v17 =	vld.idx.msk [tilespmem:v30+s4+$0x0], $0xffff;
	[tilespmem:s25+$0xBF10] =	vst v5;
	v25 =	vsub.f32 v10, v25;
	v10 =	vmul.f32 v16, v19;
	v19 =	vmul.f32 $1.000000000e+03, v3  }
0x52: {  	v39 =	vld [tilespmem:s29+$0x4190];
	v28 =	vadd.s32 $0x7D2, v2;
	v22 =	vtrunc.f32 v15;
	[tilespmem:s31+$0xBF10] =	vst v4;
	v4 =	vmul.f32 v11, v6  }
0x53: {  	v58 =	vshll.u32 v16, $0x10;
	v2 =	vld.idx.msk [tilespmem:v27+s13+$0x0], $0xffff;
	v6 =	vtrunc.f32 v19;
	v31 =	vmul.f32 $1.000000000e+03, v31  }
0x54: {  	v61 =	vld [tilespmem:s30+$0x4210];
	v7 =	vadd.f32 v10, v7;
	v10 =	vsub.f32 v12, v13;
	v13 =	vcvt.f32.s32 v6  }
0x55: {  	v5 =	vadd.f32 $0.0e+00, v14;
	v14 =	vld.idx.msk [tilespmem:v27+s4+$0x0], $0xffff;
	v6 =	vtrunc.f32 v9;
	v12 =	vtrunc.f32 v20  }
0x56: {  	v27 =	vld [tilespmem:s29+$0x4110];
	v4 =	vadd.f32 v4, v17;
	v17 =	vcvt.f32.s32 v22;
	v36 =	vcvt.f32.s32 v6  }
0x57: {  	v11 =	vshll.u32 v11, $0x10;
	v3 =	vld.idx.msk [tilespmem:v32+s13+$0x0], $0xffff;
	v12 =	vcvt.f32.s32 v12;
	v59 =	vtrunc.f32 v31  }
0x58: {  	v63 =	vld [tilespmem:s25+$0x4190];
	v35 =	vadd.s32 $0xBBB, v13;
	v48 =	vmul.f32 v2, v10;
	v10 =	vadd.f32 $0.0e+00, v26  }
0x59: {  	v22 =	vld.idx.msk [tilespmem:v32+s4+$0x0], $0xffff;
	v37 =	vcvt.s32.f32 v17;
	v17 =	vadd.s32 $0xBBB, v17;
	v49 =	vadd.s32 $0xBBB, v36  }
0x5a: {  	[tilespmem:s30+$0xBF10] =	vst v7;
	v26 =	vld [tilespmem:s25+$0x4090];
	v50 =	vadd.s32 $0xBBB, v12;
	v12 =	vcvt.s32.f32 v12;
	v2 =	vshll.u32 v2, $0x10  }
0x5b: {  	[tilespmem:s29+$0xBF10] =	vst v4;
	v6 =	vld.idx.msk [tilespmem:v34+s13+$0x0], $0xffff;
	v27 =	vmul.f32 $1.000000000e+03, v27;
	v0 =	vadd.f32 v2, v0;
	v4 =	vadd.f32 v48, v14  }
0x5c: {  	v42 =	vld [tilespmem:s31+$0x4210];
	v14 =	vcvt.s32.f32 v36;
	v8 =	vmul.f32 v3, v8;
	v15 =	vsub.f32 v15, v37  }
0x5d: {  	v34 =	vld.idx.msk [tilespmem:v34+s4+$0x0], $0xffff;
	v20 =	vsub.f32 v20, v12;
	v12 =	vadd.f32 $0.0e+00, v23;
	v60 =	vtrunc.f32 v27  }
0x5e: {  	v7 =	vld.idx.msk [tilespmem:v28+s13+$0x0], $0xffff;
	v36 =	vcvt.f32.s32 v59;
	v48 =	vmul.f32 $1.000000000e+03, v63;
	[tilespmem:s25+$0xBF90] =	vst v4;
	v51 =	vsub.f32 v9, v14  }
0x5f: {  	v4 =	vadd.f32 v8, v22;
	v14 =	vcvt.s32.f32 v13;
	v9 =	vld.idx.msk [tilespmem:v35+s13+$0x0], $0xffff;
	v22 =	vmul.f32 $1.000000000e+03, v26  }
0x60: {  	v3 =	vshll.u32 v3, $0x10;
	v8 =	vld.idx.msk [tilespmem:v28+s4+$0x0], $0xffff;
	v13 =	vshll.u32 v29, $0x10;
	v23 =	vmul.f32 v6, v33  }
0x61: {  	v11 =	vadd.f32 v11, v12;
	v26 =	vld.idx.msk [tilespmem:v35+s4+$0x0], $0xffff;
	[tilespmem:s31+$0xBF90] =	vst v4;
	v14 =	vsub.f32 v19, v14;
	v28 =	vtrunc.f32 v22  }
0x62: {  	s8 =	simm.s32 $0x40;
	s20 =	simm.s32 $0x200;
	v4 =	vld.idx.msk [tilespmem:v17+s13+$0x0], $0xffff;
	v23 =	vadd.f32 v23, v34;
	v19 =	vcvt.f32.s32 v28;
	v28 =	vtrunc.f32 v24  }
0x63: {  	s2 =	sand.u32 $0xFFFFFC00, s20;
	s15 =	sand.u32 $0x40, s8;
	v30 =	vld [tilespmem:s30+$0x4110];
	v5 =	vadd.f32 v13, v5;
	v25 =	vmul.f32 v7, v25;
	v28 =	vcvt.f32.s32 v28  }
0x64: {  	s0 =	sor.u32 s15, s2;
	v17 =	vld.idx.msk [tilespmem:v17+s4+$0x0], $0xffff;
	[tilespmem:s30+$0xBF90] =	vst v23;
	v23 =	vcvt.f32.s32 v52;
	v14 =	vmul.f32 v9, v14;
	v54 =	vadd.s32 $0xFA4, v19  }
0x65: {  	v63 =	vld [tilespmem:s0+$0x4010];
	v34 =	vcvt.f32.s32 v53;
	v3 =	vadd.f32 v3, v5;
	v25 =	vadd.f32 v25, v8  }
0x66: {  	v8 =	vld.idx.msk [tilespmem:v49+s13+$0x0], $0xffff;
	v40 =	vadd.s32 $0xFA4, v23;
	v14 =	vadd.f32 v14, v26;
	v26 =	vcvt.s32.f32 v28  }
0x67: {  	v32 =	vld.idx.msk [tilespmem:v49+s4+$0x0], $0xffff;
	[tilespmem:s29+$0xBF90] =	vst v25;
	v23 =	vcvt.s32.f32 v23;
	v28 =	vadd.s32 $0xFA4, v28;
	v41 =	vmul.f32 v4, v15  }
0x68: {  	v15 =	vld.idx.msk [tilespmem:v50+s13+$0x0], $0xffff;
	v24 =	vsub.f32 v24, v26;
	[tilespmem:s25+$0xC010] =	vst v14;
	v26 =	vmul.f32 $1.000000000e+03, v30;
	v30 =	vcvt.s32.f32 v34  }
0x69: {  	v7 =	vshll.u32 v7, $0x10;
	v21 =	vsub.f32 v21, v23;
	v17 =	vadd.f32 v41, v17;
	v14 =	vld.idx.msk [tilespmem:v54+s13+$0x0], $0xffff  }
0x6a: {  	v56 =	vld.idx.msk [tilespmem:v50+s4+$0x0], $0xffff;
	v23 =	vmul.f32 $1.000000000e+03, v55;
	v30 =	vsub.f32 v18, v30;
	v18 =	vcvt.s32.f32 v19  }
0x6b: {  	v9 =	vshll.u32 v9, $0x10;
	v25 =	vadd.s32 $0xFA4, v34;
	v57 =	vld.idx.msk [tilespmem:v54+s4+$0x0], $0xffff;
	v19 =	vmul.f32 v8, v51;
	[tilespmem:s31+$0xC010] =	vst v17  }
0x6c: {  	v0 =	vadd.f32 v9, v0;
	v17 =	vtrunc.f32 v23;
	v16 =	vld.idx.msk [tilespmem:v28+s13+$0x0], $0xffff;
	v18 =	vsub.f32 v22, v18  }
0x6d: {  	v29 =	vld [tilespmem:s30+$0x4190];
	v20 =	vmul.f32 v15, v20;
	v22 =	vcvt.f32.s32 v17;
	v19 =	vadd.f32 v19, v32  }
0x6e: {  	v28 =	vld.idx.msk [tilespmem:v28+s4+$0x0], $0xffff;
	v15 =	vshll.u32 v15, $0x10;
	v17 =	vtrunc.f32 v26;
	v18 =	vmul.f32 v14, v18  }
0x6f: {  	v53 =	vld [tilespmem:s29+$0x4210];
	v32 =	vcvt.f32.s32 v60;
	v20 =	vadd.f32 v20, v56;
	v62 =	vadd.s32 $0x138D, v22;
	[tilespmem:s30+$0xC010] =	vst v19  }
0x70: {  	v19 =	vcvt.f32.s32 v17;
	v17 =	vld.idx.msk [tilespmem:v40+s13+$0x0], $0xffff;
	v34 =	vadd.f32 v18, v57;
	v18 =	vcvt.s32.f32 v36  }
0x71: {  	v5 =	vshll.u32 v14, $0x10;
	v40 =	vld.idx.msk [tilespmem:v40+s4+$0x0], $0xffff;
	[tilespmem:s29+$0xC010] =	vst v20;
	v36 =	vadd.s32 $0x138D, v36;
	v24 =	vmul.f32 v16, v24  }
0x72: {  	v20 =	vcvt.s32.f32 v32;
	v0 =	vadd.f32 v5, v0;
	v31 =	vsub.f32 v31, v18;
	v18 =	vld.idx.msk [tilespmem:v25+s13+$0x0], $0xffff  }
0x73: {  	v5 =	vadd.f32 v7, v11;
	v43 =	vadd.s32 $0x138D, v19;
	[tilespmem:s25+$0xC090] =	vst v34;
	v24 =	vadd.f32 v24, v28;
	v25 =	vld.idx.msk [tilespmem:v25+s4+$0x0], $0xffff  }
0x74: {  	v19 =	vcvt.s32.f32 v19;
	v27 =	vsub.f32 v27, v20;
	v20 =	vcvt.s32.f32 v22;
	v28 =	vld.idx.msk [tilespmem:v62+s13+$0x0], $0xffff  }
0x75: {  	v44 =	vadd.s32 $0x138D, v32;
	v5 =	vadd.f32 v15, v5;
	v22 =	vld.idx.msk [tilespmem:v62+s4+$0x0], $0xffff;
	v21 =	vmul.f32 v17, v21;
	[tilespmem:s31+$0xC090] =	vst v24  }
0x76: {  	v26 =	vsub.f32 v26, v19;
	v20 =	vsub.f32 v23, v20;
	v24 =	vtrunc.f32 v48;
	v19 =	vld.idx.msk [tilespmem:v36+s13+$0x0], $0xffff  }
0x77: {  	v15 =	vld [tilespmem:s0+$0x3E90];
	v23 =	vcvt.f32.s32 v24;
	v21 =	vadd.f32 v21, v40;
	v30 =	vmul.f32 v18, v30  }
0x78: {  	v29 =	vmul.f32 $1.000000000e+03, v29;
	v50 =	vtrunc.f32 v38;
	v36 =	vld.idx.msk [tilespmem:v36+s4+$0x0], $0xffff  }
0x79: {  	v52 =	vadd.s32 $0x1776, v23;
	v51 =	vmul.f32 v28, v20;
	[tilespmem:s30+$0xC090] =	vst v21;
	v25 =	vadd.f32 v30, v25;
	v30 =	vld [tilespmem:s25+$0x4210]  }
0x7a: {  	v34 =	vcvt.f32.s32 v50;
	v24 =	vtrunc.f32 v29;
	v55 =	vld.idx.msk [tilespmem:v43+s13+$0x0], $0xffff  }
0x7b: {  	s6 =	sor.u32 $0x20, s15;
	v24 =	vcvt.f32.s32 v24;
	v43 =	vld.idx.msk [tilespmem:v43+s4+$0x0], $0xffff;
	v22 =	vadd.f32 v51, v22;
	v31 =	vmul.f32 v19, v31;
	[tilespmem:s29+$0xC090] =	vst v25  }
0x7c: {  	s11 =	sor.u32 s2, s6;
	v49 =	vmul.f32 $1.000000000e+03, v39;
	v54 =	vcvt.s32.f32 v34;
	v34 =	vadd.s32 $0x1776, v34;
	v46 =	vld.idx.msk [tilespmem:v44+s13+$0x0], $0xffff  }
0x7d: {  	v45 =	vadd.s32 $0x1776, v24;
	v24 =	vcvt.s32.f32 v24;
	[tilespmem:s25+$0xC110] =	vst v22;
	v31 =	vadd.f32 v31, v36;
	v36 =	vld [tilespmem:s11+$0x4010]  }
0x7e: {  	v10 =	vadd.f32 v58, v10;
	v39 =	vtrunc.f32 v49;
	v23 =	vcvt.s32.f32 v23;
	v56 =	vld.idx.msk [tilespmem:v52+s13+$0x0], $0xffff  }
0x7f: {  	v21 =	vcvt.f32.s32 v39;
	v24 =	vsub.f32 v29, v24;
	v29 =	vmul.f32 $1.000000000e+03, v30;
	v30 =	vld.idx.msk [tilespmem:v44+s4+$0x0], $0xffff  }
0x80: {  	v23 =	vsub.f32 v48, v23;
	v13 =	vld.idx.msk [tilespmem:v52+s4+$0x0], $0xffff;
	[tilespmem:s31+$0xC110] =	vst v31;
	v26 =	vmul.f32 v55, v26  }
0x81: {  	v25 =	vadd.s32 $0x1776, v21;
	v22 =	vsub.f32 v38, v54;
	v58 =	vld.idx.msk [tilespmem:v34+s13+$0x0], $0xffff;
	v31 =	vtrunc.f32 v29  }
0x82: {  	v38 =	vld [tilespmem:s11+$0x4090];
	v26 =	vadd.f32 v26, v43;
	v31 =	vcvt.f32.s32 v31;
	v27 =	vmul.f32 v46, v27  }
0x83: {  	v6 =	vshll.u32 v6, $0x10;
	v57 =	vmul.f32 $1.000000000e+03, v53;
	v59 =	vld.idx.msk [tilespmem:v34+s4+$0x0], $0xffff  }
0x84: {  	v44 =	vld [tilespmem:s0+$0x4090];
	v23 =	vmul.f32 v56, v23;
	[tilespmem:s30+$0xC110] =	vst v26;
	v60 =	vadd.s32 $0x1B5F, v31;
	v12 =	vadd.f32 v27, v30  }
0x85: {  	v37 =	vmul.f32 $1.000000000e+03, v61;
	v6 =	vadd.f32 v6, v10;
	v63 =	vmul.f32 $1.000000000e+03, v63;
	v26 =	vld.idx.msk [tilespmem:v45+s13+$0x0], $0xffff  }
0x86: {  	v2 =	vtrunc.f32 v57;
	v1 =	vadd.f32 v23, v13;
	v23 =	vld.idx.msk [tilespmem:v45+s4+$0x0], $0xffff;
	[tilespmem:s29+$0xC110] =	vst v12;
	v12 =	vmul.f32 v58, v22  }
0x87: {  	v4 =	vshll.u32 v4, $0x10;
	v2 =	vcvt.f32.s32 v2;
	v15 =	vmul.f32 $1.000000000e+03, v15;
	v27 =	vld.idx.msk [tilespmem:v25+s13+$0x0], $0xffff  }
0x88: {  	v7 =	vshll.u32 v28, $0x10;
	v21 =	vcvt.s32.f32 v21;
	[tilespmem:s25+$0xC190] =	vst v1;
	v13 =	vadd.f32 v12, v59;
	v12 =	vld.idx.msk [tilespmem:v25+s4+$0x0], $0xffff  }
0x89: {  	v20 =	vmul.f32 $1.000000000e+03, v42;
	v0 =	vadd.f32 v7, v0;
	v36 =	vmul.f32 $1.000000000e+03, v36;
	v30 =	vld.idx.msk [tilespmem:v60+s13+$0x0], $0xffff  }
0x8a: {  	v21 =	vsub.f32 v49, v21;
	v38 =	vmul.f32 $1.000000000e+03, v38;
	v9 =	vcvt.s32.f32 v31;
	v25 =	vld [tilespmem:s0+$0x3F90]  }
0x8b: {  	v7 =	vshll.u32 v56, $0x10;
	v43 =	vmul.f32 $1.000000000e+03, v44;
	v22 =	vtrunc.f32 v20;
	v10 =	vld.idx.msk [tilespmem:v60+s4+$0x0], $0xffff  }
0x8c: {  	v9 =	vsub.f32 v29, v9;
	v1 =	vtrunc.f32 v37;
	v14 =	vmul.f32 v26, v24  }
0x8d: {  	v0 =	vadd.f32 v7, v0;
	v22 =	vcvt.f32.s32 v22;
	v1 =	vcvt.f32.s32 v1  }
0x8e: {  	v14 =	vadd.f32 v14, v23;
	v11 =	vmul.f32 v27, v21;
	v9 =	vmul.f32 v30, v9  }
0x8f: {  	v23 =	vshll.u32 v58, $0x10;
	v21 =	vshll.u32 v46, $0x10;
	v25 =	vmul.f32 $1.000000000e+03, v25  }
0x90: {  	v12 =	vadd.f32 v11, v12;
	v7 =	vshll.u32 v30, $0x10;
	v11 =	vadd.f32 v9, v10  }
0x91: {  	s16 =	sor.u32 $0x30, s15;
	v10 =	vshll.u32 v8, $0x10;
	v9 =	vadd.f32 v7, v0;
	v0 =	vadd.f32 v4, v3  }
0x92: {  	s17 =	sor.u32 s2, s16;
	v8 =	vadd.s32 $0x1B5F, v22;
	v7 =	vadd.s32 $0x1B5F, v1;
	v1 =	vcvt.s32.f32 v1  }
0x93: {  	s19 =	sor.u32 $0x10, s15;
	v4 =	vld [tilespmem:s17+$0x3E90];
	v3 =	vadd.f32 v10, v6;
	v6 =	vadd.s32 $0x1B5F, v2;
	v10 =	vshll.u32 v16, $0x10  }
0x94: {  	s1 =	sor.u32 s2, s19;
	v16 =	vshll.u32 v17, $0x10;
	v17 =	vshll.u32 v18, $0x10;
	v18 =	vcvt.s32.f32 v22;
	v22 =	vld [tilespmem:s0+$0x3F10]  }
0x95: {  	v2 =	vcvt.s32.f32 v2;
	v0 =	vadd.f32 v10, v0;
	v10 =	vld [tilespmem:s1+$0x3E90];
	v5 =	vadd.f32 v17, v5  }
0x96: {  	v17 =	vshll.u32 v19, $0x10;
	v19 =	vshll.u32 v55, $0x10;
	v3 =	vadd.f32 v16, v3  }
0x97: {  	v16 =	vld [tilespmem:s11+$0x3E90];
	v17 =	vadd.f32 v17, v0;
	v0 =	vsub.f32 v20, v18;
	v20 =	vshll.u32 v26, $0x10  }
0x98: {  	v18 =	vld [tilespmem:s11+$0x3F10];
	v21 =	vadd.f32 v21, v5;
	v5 =	vtrunc.f32 v15;
	v3 =	vadd.f32 v19, v3  }
0x99: {  	v26 =	vld [tilespmem:s1+$0x3F90];
	v24 =	vmul.f32 $1.000000000e+03, v4;
	v29 =	vcvt.f32.s32 v5;
	v5 =	vsub.f32 v57, v2  }
0x9a: {  	v19 =	vld [tilespmem:s1+$0x3F10];
	v2 =	vadd.f32 v23, v17;
	v17 =	vmul.f32 $1.000000000e+03, v22;
	v10 =	vmul.f32 $1.000000000e+03, v10  }
0x9b: {  	v30 =	vld [tilespmem:s17+$0x3F10];
	v4 =	vtrunc.f32 v24;
	v45 =	vcvt.s32.f32 v29  }
0x9c: {  	v16 =	vmul.f32 $1.000000000e+03, v16;
	v28 =	vcvt.f32.s32 v4  }
0x9d: {  	v22 =	vld [tilespmem:s1+$0x4010];
	v4 =	vsub.f32 v37, v1;
	v1 =	vtrunc.f32 v10;
	v18 =	vmul.f32 $1.000000000e+03, v18  }
0x9e: {  	v26 =	vmul.f32 $1.000000000e+03, v26;
	v61 =	vtrunc.f32 v16  }
0x9f: {  	v27 =	vshll.u32 v27, $0x10;
	v62 =	vcvt.f32.s32 v1;
	v19 =	vmul.f32 $1.000000000e+03, v19  }
0xa0: {  	v1 =	vadd.f32 v27, v21;
	v27 =	vmul.f32 $1.000000000e+03, v30;
	v30 =	vtrunc.f32 v17  }
0xa1: {  	v46 =	vcvt.s32.f32 v28;
	v32 =	vcvt.f32.s32 v61  }
0xa2: {  	v15 =	vsub.f32 v15, v45;
	v45 =	vld [tilespmem:s1+$0x4110];
	v50 =	vtrunc.f32 v18;
	v22 =	vmul.f32 $1.000000000e+03, v22  }
0xa3: {  	v23 =	vcvt.s32.f32 v62;
	v47 =	vtrunc.f32 v19  }
0xa4: {  	v56 =	vld [tilespmem:s17+$0x3F90];
	v48 =	vtrunc.f32 v27;
	v52 =	vcvt.f32.s32 v50  }
0xa5: {  	v3 =	vadd.f32 v20, v3;
	v20 =	vcvt.s32.f32 v32;
	v51 =	vcvt.f32.s32 v48;
	v48 =	vld [tilespmem:s0+$0x4110]  }
0xa6: {  	v24 =	vsub.f32 v24, v46;
	v21 =	vld.idx.msk [tilespmem:v28+s13+$0x0], $0xffff;
	v10 =	vsub.f32 v10, v23;
	v57 =	vadd.s32 $0x3E9, v52  }
0xa7: {  	v23 =	vld.idx.msk [tilespmem:v29+s13+$0x0], $0xffff;
	v52 =	vcvt.s32.f32 v52;
	v39 =	vmul.f32 $1.000000000e+03, v45;
	v16 =	vsub.f32 v16, v20  }
0xa8: {  	v28 =	vld.idx.msk [tilespmem:v28+s4+$0x0], $0xffff;
	v20 =	vcvt.f32.s32 v30;
	v30 =	vcvt.f32.s32 v47;
	v53 =	vadd.s32 $0x3E9, v51  }
0xa9: {  	v29 =	vld.idx.msk [tilespmem:v29+s4+$0x0], $0xffff;
	v35 =	vcvt.s32.f32 v51;
	v34 =	vsub.f32 v18, v52;
	v18 =	vtrunc.f32 v25  }
0xaa: {  	v49 =	vld.idx.msk [tilespmem:v62+s13+$0x0], $0xffff;
	v54 =	vcvt.s32.f32 v20;
	v55 =	vadd.s32 $0x3E9, v30;
	v30 =	vcvt.s32.f32 v30  }
0xab: {  	v31 =	vld [tilespmem:s11+$0x3F90];
	v20 =	vadd.s32 $0x3E9, v20;
	v18 =	vcvt.f32.s32 v18;
	v48 =	vmul.f32 $1.000000000e+03, v48  }
0xac: {  	v37 =	vld.idx.msk [tilespmem:v32+s13+$0x0], $0xffff;
	v27 =	vsub.f32 v27, v35;
	v24 =	vmul.f32 v21, v24;
	v15 =	vmul.f32 v23, v15  }
0xad: {  	v44 =	vld [tilespmem:s1+$0x4190];
	v17 =	vsub.f32 v17, v54;
	v19 =	vsub.f32 v19, v30;
	v23 =	vshll.u32 v23, $0x10  }
0xae: {  	v60 =	vcvt.s32.f32 v18;
	v61 =	vadd.s32 $0x7D2, v18;
	v24 =	vadd.f32 v24, v28;
	v28 =	vld.idx.msk [tilespmem:v62+s4+$0x0], $0xffff  }
0xaf: {  	v32 =	vld.idx.msk [tilespmem:v32+s4+$0x0], $0xffff;
	v21 =	vshll.u32 v21, $0x10;
	v10 =	vmul.f32 v49, v10;
	v15 =	vadd.f32 v15, v29  }
0xb0: {  	v50 =	vld [tilespmem:s17+$0x4090];
	v21 =	vadd.f32 $0.0e+00, v21;
	v29 =	vmul.f32 $1.000000000e+03, v31;
	v31 =	vmul.f32 $1.000000000e+03, v56;
	[tilespmem:s17+$0xBE90] =	vst v24  }
0xb1: {  	v62 =	vsub.f32 v25, v60;
	v16 =	vmul.f32 v37, v16;
	[tilespmem:s0+$0xBE90] =	vst v15;
	v15 =	vtrunc.f32 v26;
	v24 =	vld.idx.msk [tilespmem:v53+s13+$0x0], $0xffff  }
0xb2: {  	v37 =	vshll.u32 v37, $0x10;
	v58 =	vtrunc.f32 v29;
	v40 =	vld.idx.msk [tilespmem:v53+s4+$0x0], $0xffff;
	v15 =	vcvt.f32.s32 v15  }
0xb3: {  	v41 =	vld.idx.msk [tilespmem:v20+s13+$0x0], $0xffff;
	v35 =	vcvt.f32.s32 v58;
	v10 =	vadd.f32 v10, v28;
	v28 =	vtrunc.f32 v31  }
0xb4: {  	v47 =	vld [tilespmem:s17+$0x4010];
	v16 =	vadd.f32 v16, v32;
	v58 =	vtrunc.f32 v22;
	v28 =	vcvt.f32.s32 v28  }
0xb5: {  	v20 =	vld.idx.msk [tilespmem:v20+s4+$0x0], $0xffff;
	v53 =	vshll.u32 v49, $0x10;
	v60 =	vcvt.f32.s32 v58;
	v58 =	vtrunc.f32 v43  }
0xb6: {  	v30 =	vld [tilespmem:s1+$0x4090];
	[tilespmem:s11+$0xBE90] =	vst v16;
	v16 =	vcvt.s32.f32 v15;
	v27 =	vmul.f32 v24, v27;
	v59 =	vadd.s32 $0x7D2, v28  }
0xb7: {  	v15 =	vadd.s32 $0x7D2, v15;
	v25 =	vcvt.s32.f32 v35;
	v35 =	vadd.s32 $0x7D2, v35;
	v18 =	vld.idx.msk [tilespmem:v57+s13+$0x0], $0xffff;
	[tilespmem:s1+$0xBE90] =	vst v10  }
0xb8: {  	v16 =	vsub.f32 v26, v16;
	v10 =	vld.idx.msk [tilespmem:v55+s13+$0x0], $0xffff;
	v17 =	vmul.f32 v41, v17;
	v27 =	vadd.f32 v27, v40  }
0xb9: {  	v54 =	vld.idx.msk [tilespmem:v57+s4+$0x0], $0xffff;
	v52 =	vadd.s32 $0xBBB, v60;
	v29 =	vsub.f32 v29, v25;
	v25 =	vadd.f32 $0.0e+00, v23  }
0xba: {  	v42 =	vld.idx.msk [tilespmem:v55+s4+$0x0], $0xffff;
	v26 =	vcvt.s32.f32 v28;
	v24 =	vshll.u32 v24, $0x10;
	v17 =	vadd.f32 v17, v20;
	[tilespmem:s17+$0xBF10] =	vst v27  }
0xbb: {  	v55 =	vtrunc.f32 v63;
	v21 =	vadd.f32 v24, v21;
	v20 =	vmul.f32 $1.000000000e+03, v47;
	v27 =	vld.idx.msk [tilespmem:v59+s13+$0x0], $0xffff  }
0xbc: {  	v31 =	vsub.f32 v31, v26;
	v47 =	vcvt.f32.s32 v55;
	v23 =	vmul.f32 v18, v34;
	[tilespmem:s0+$0xBF10] =	vst v17;
	v17 =	vld [tilespmem:s11+$0x4110]  }
0xbd: {  	v34 =	vadd.f32 $0.0e+00, v53;
	v56 =	vtrunc.f32 v20;
	v19 =	vmul.f32 v10, v19;
	v28 =	vld.idx.msk [tilespmem:v59+s4+$0x0], $0xffff  }
0xbe: {  	v57 =	vcvt.f32.s32 v56;
	v26 =	vld.idx.msk [tilespmem:v61+s13+$0x0], $0xffff;
	v23 =	vadd.f32 v23, v54;
	v59 =	vtrunc.f32 v36  }
0xbf: {  	v46 =	vld.idx.msk [tilespmem:v61+s4+$0x0], $0xffff;
	v45 =	vshll.u32 v10, $0x10;
	v61 =	vcvt.f32.s32 v59;
	v19 =	vadd.f32 v19, v42  }
0xc0: {  	v51 =	vld [tilespmem:s0+$0x4190];
	v59 =	vtrunc.f32 v38;
	v49 =	vadd.s32 $0xBBB, v57;
	[tilespmem:s11+$0xBF10] =	vst v23;
	v31 =	vmul.f32 v27, v31  }
0xc1: {  	v23 =	vcvt.s32.f32 v60;
	v53 =	vadd.s32 $0xBBB, v61;
	v33 =	vld.idx.msk [tilespmem:v35+s13+$0x0], $0xffff;
	v42 =	vcvt.s32.f32 v61;
	[tilespmem:s1+$0xBF10] =	vst v19  }
0xc2: {  	v19 =	vcvt.s32.f32 v47;
	v47 =	vadd.s32 $0xBBB, v47;
	v28 =	vadd.f32 v31, v28;
	v31 =	vld.idx.msk [tilespmem:v15+s13+$0x0], $0xffff  }
0xc3: {  	v22 =	vsub.f32 v22, v23;
	v23 =	vmul.f32 $1.000000000e+03, v30;
	v30 =	vld.idx.msk [tilespmem:v35+s4+$0x0], $0xffff;
	v40 =	vmul.f32 v26, v62  }
0xc4: {  	v35 =	vadd.f32 $0.0e+00, v37;
	v17 =	vmul.f32 $1.000000000e+03, v17;
	v62 =	vcvt.s32.f32 v57;
	v15 =	vld.idx.msk [tilespmem:v15+s4+$0x0], $0xffff;
	[tilespmem:s17+$0xBF90] =	vst v28  }
0xc5: {  	v28 =	vadd.f32 v40, v46;
	v40 =	vsub.f32 v36, v42;
	v42 =	vmul.f32 $1.000000000e+03, v50;
	v32 =	vld.idx.msk [tilespmem:v49+s13+$0x0], $0xffff  }
0xc6: {  	v54 =	vld [tilespmem:s11+$0x4190];
	v37 =	vshll.u32 v41, $0x10;
	v29 =	vmul.f32 v33, v29;
	v36 =	vcvt.f32.s32 v58  }
0xc7: {  	v19 =	vsub.f32 v63, v19;
	v63 =	vld.idx.msk [tilespmem:v49+s4+$0x0], $0xffff;
	v57 =	vtrunc.f32 v42;
	[tilespmem:s0+$0xBF90] =	vst v28;
	v16 =	vmul.f32 v31, v16  }
0xc8: {  	v20 =	vsub.f32 v20, v62;
	v58 =	vtrunc.f32 v48;
	v41 =	vcvt.f32.s32 v57;
	v28 =	vld.idx.msk [tilespmem:v47+s13+$0x0], $0xffff  }
0xc9: {  	v61 =	vld [tilespmem:s17+$0x4110];
	v30 =	vadd.f32 v29, v30;
	v62 =	vcvt.s32.f32 v36;
	v15 =	vadd.f32 v16, v15  }
0xca: {  	v46 =	vld.idx.msk [tilespmem:v47+s4+$0x0], $0xffff;
	v16 =	vtrunc.f32 v23;
	v60 =	vadd.s32 $0xFA4, v41;
	v20 =	vmul.f32 v32, v20  }
0xcb: {  	v34 =	vadd.f32 v45, v34;
	v49 =	vld [tilespmem:s1+$0x4210];
	v47 =	vmul.f32 $1.000000000e+03, v51;
	v16 =	vcvt.f32.s32 v16;
	[tilespmem:s1+$0xBF90] =	vst v15  }
0xcc: {  	[tilespmem:s11+$0xBF90] =	vst v30;
	v15 =	vcvt.f32.s32 v59;
	v59 =	vtrunc.f32 v39;
	v20 =	vadd.f32 v20, v63;
	v29 =	vld.idx.msk [tilespmem:v52+s13+$0x0], $0xffff  }
0xcd: {  	v30 =	vld.idx.msk [tilespmem:v53+s13+$0x0], $0xffff;
	v63 =	vadd.s32 $0xFA4, v36;
	v55 =	vadd.s32 $0xFA4, v16;
	v19 =	vmul.f32 v28, v19  }
0xce: {  	v52 =	vld.idx.msk [tilespmem:v52+s4+$0x0], $0xffff;
	v16 =	vcvt.s32.f32 v16;
	v56 =	vadd.s32 $0xFA4, v15;
	v15 =	vcvt.s32.f32 v15;
	[tilespmem:s17+$0xC010] =	vst v20  }
0xcf: {  	v20 =	vsub.f32 v43, v62;
	v19 =	vadd.f32 v19, v46;
	v43 =	vmul.f32 $1.000000000e+03, v61;
	v36 =	vld.idx.msk [tilespmem:v60+s13+$0x0], $0xffff  }
0xd0: {  	v23 =	vsub.f32 v23, v16;
	v16 =	vld.idx.msk [tilespmem:v53+s4+$0x0], $0xffff;
	v38 =	vsub.f32 v38, v15;
	v15 =	vcvt.s32.f32 v41  }
0xd1: {  	v37 =	vadd.f32 v37, v25;
	v57 =	vld.idx.msk [tilespmem:v60+s4+$0x0], $0xffff;
	[tilespmem:s0+$0xC010] =	vst v19;
	v19 =	vmul.f32 v29, v22;
	v22 =	vtrunc.f32 v43  }
0xd2: {  	v40 =	vmul.f32 v30, v40;
	v10 =	vld.idx.msk [tilespmem:v63+s13+$0x0], $0xffff;
	v15 =	vsub.f32 v42, v15;
	v22 =	vcvt.f32.s32 v22  }
0xd3: {  	v46 =	vcvt.f32.s32 v58;
	v62 =	vld [tilespmem:s17+$0x4190];
	v60 =	vtrunc.f32 v17;
	v19 =	vadd.f32 v19, v52  }
0xd4: {  	v50 =	vcvt.f32.s32 v60;
	v42 =	vld.idx.msk [tilespmem:v63+s4+$0x0], $0xffff;
	v61 =	vmul.f32 v36, v15;
	v53 =	vadd.s32 $0x138D, v22  }
0xd5: {  	v51 =	vld [tilespmem:s0+$0x4210];
	v63 =	vcvt.s32.f32 v46;
	v46 =	vadd.s32 $0x138D, v46;
	v16 =	vadd.f32 v40, v16;
	[tilespmem:s1+$0xC010] =	vst v19  }
0xd6: {  	v60 =	vcvt.s32.f32 v50;
	v19 =	vcvt.f32.s32 v59;
	v15 =	vld.idx.msk [tilespmem:v55+s13+$0x0], $0xffff;
	v41 =	vadd.f32 v61, v57  }
0xd7: {  	v58 =	vadd.s32 $0x138D, v50;
	v50 =	vmul.f32 $1.000000000e+03, v54;
	[tilespmem:s11+$0xC010] =	vst v16;
	v20 =	vmul.f32 v10, v20;
	v55 =	vld.idx.msk [tilespmem:v55+s4+$0x0], $0xffff  }
0xd8: {  	v40 =	vmul.f32 $1.000000000e+03, v62;
	v16 =	vld.idx.msk [tilespmem:v56+s13+$0x0], $0xffff;
	v57 =	vadd.s32 $0x138D, v19;
	v19 =	vcvt.s32.f32 v19;
	[tilespmem:s17+$0xC090] =	vst v41  }
0xd9: {  	v22 =	vcvt.s32.f32 v22;
	v20 =	vadd.f32 v20, v42;
	v42 =	vsub.f32 v48, v63;
	v48 =	vld.idx.msk [tilespmem:v53+s13+$0x0], $0xffff  }
0xda: {  	v54 =	vshll.u32 v18, $0x10;
	v52 =	vtrunc.f32 v50;
	v39 =	vsub.f32 v39, v19;
	v19 =	vld.idx.msk [tilespmem:v56+s4+$0x0], $0xffff  }
0xdb: {  	v22 =	vsub.f32 v43, v22;
	v53 =	vld.idx.msk [tilespmem:v53+s4+$0x0], $0xffff;
	[tilespmem:s0+$0xC090] =	vst v20;
	v20 =	vmul.f32 v15, v23;
	v23 =	vtrunc.f32 v40  }
0xdc: {  	v41 =	vmul.f32 $1.000000000e+03, v44;
	v44 =	vsub.f32 v17, v60;
	v17 =	vld.idx.msk [tilespmem:v46+s13+$0x0], $0xffff;
	v43 =	vcvt.f32.s32 v23  }
0xdd: {  	v61 =	vtrunc.f32 v47;
	v56 =	vld [tilespmem:s17+$0x4210];
	v18 =	vmul.f32 v16, v38;
	v20 =	vadd.f32 v20, v55  }
0xde: {  	v46 =	vld.idx.msk [tilespmem:v46+s4+$0x0], $0xffff;
	v38 =	vcvt.f32.s32 v61;
	v22 =	vmul.f32 v48, v22;
	v55 =	vadd.s32 $0x1776, v43  }
0xdf: {  	v52 =	vcvt.f32.s32 v52;
	v23 =	vtrunc.f32 v41;
	v18 =	vadd.f32 v18, v19;
	[tilespmem:s1+$0xC090] =	vst v20  }
0xe0: {  	[tilespmem:s31+$0xC190] =	vst v13;
	v23 =	vcvt.f32.s32 v23;
	v59 =	vcvt.s32.f32 v38;
	v22 =	vadd.f32 v22, v53;
	v19 =	vld.idx.msk [tilespmem:v57+s13+$0x0], $0xffff  }
0xe1: {  	v13 =	vshll.u32 v27, $0x10;
	v20 =	vmul.f32 v17, v42;
	[tilespmem:s11+$0xC090] =	vst v18;
	v18 =	vmul.f32 $1.000000000e+03, v51;
	v51 =	vld.idx.msk [tilespmem:v57+s4+$0x0], $0xffff  }
0xe2: {  	v38 =	vadd.s32 $0x1776, v38;
	v62 =	vcvt.s32.f32 v23;
	v57 =	vadd.s32 $0x1776, v23;
	v23 =	vld.idx.msk [tilespmem:v58+s13+$0x0], $0xffff;
	[tilespmem:s17+$0xC110] =	vst v22  }
0xe3: {  	v61 =	vmul.f32 $1.000000000e+03, v56;
	v46 =	vadd.f32 v20, v46;
	v20 =	vmul.f32 $1.000000000e+03, v49;
	v49 =	vld.idx.msk [tilespmem:v55+s13+$0x0], $0xffff  }
0xe4: {  	v63 =	vcvt.s32.f32 v52;
	v43 =	vcvt.s32.f32 v43;
	v41 =	vsub.f32 v41, v62;
	v62 =	vld.idx.msk [tilespmem:v58+s4+$0x0], $0xffff  }
0xe5: {  	v42 =	vsub.f32 v47, v59;
	v25 =	vtrunc.f32 v61;
	v55 =	vld.idx.msk [tilespmem:v55+s4+$0x0], $0xffff;
	v39 =	vmul.f32 v19, v39  }
0xe6: {  	v47 =	vsub.f32 v50, v63;
	v40 =	vsub.f32 v40, v43;
	v63 =	vcvt.f32.s32 v25  }
0xe7: {  	v60 =	vld [tilespmem:s11+$0x4210];
	v52 =	vadd.s32 $0x1776, v52;
	[tilespmem:s0+$0xC110] =	vst v46;
	v44 =	vmul.f32 v23, v44;
	v39 =	vadd.f32 v39, v51  }
0xe8: {  	[tilespmem:s30+$0xC190] =	vst v14;
	v31 =	vshll.u32 v31, $0x10;
	v25 =	vld.idx.msk [tilespmem:v38+s13+$0x0], $0xffff;
	v51 =	vadd.s32 $0x1B5F, v63;
	v40 =	vmul.f32 v49, v40  }
0xe9: {  	v31 =	vadd.f32 v31, v34;
	v29 =	vshll.u32 v29, $0x10;
	v38 =	vld.idx.msk [tilespmem:v38+s4+$0x0], $0xffff;
	v44 =	vadd.f32 v44, v62;
	[tilespmem:s1+$0xC110] =	vst v39  }
0xea: {  	[tilespmem:s29+$0xC190] =	vst v12;
	v35 =	vadd.f32 v54, v35;
	v53 =	vshll.u32 v26, $0x10;
	v24 =	vadd.f32 v40, v55;
	v26 =	vld.idx.msk [tilespmem:v57+s13+$0x0], $0xffff  }
0xeb: {  	v21 =	vadd.f32 v13, v21;
	v33 =	vshll.u32 v33, $0x10;
	v29 =	vadd.f32 v29, v31;
	v27 =	vld.idx.msk [tilespmem:v57+s4+$0x0], $0xffff;
	[tilespmem:s11+$0xC110] =	vst v44  }
0xec: {  	s23 =	simm.s32 $0x0;
	v12 =	vshll.u32 v36, $0x10;
	v35 =	vadd.f32 v33, v35;
	v13 =	vld.idx.msk [tilespmem:v52+s13+$0x0], $0xffff;
	[tilespmem:s17+$0xC190] =	vst v24;
	v24 =	vshll.u32 v32, $0x10  }
0xed: {  	s2 =	sand.u32 $0x3FFFFF80, s23;
	[tilespmem:s25+$0xC210] =	vst v11;
	v11 =	vshll.u32 v48, $0x10;
	v22 =	vmul.f32 $1.000000000e+03, v60;
	v14 =	vld.idx.msk [tilespmem:v51+s13+$0x0], $0xffff;
	v21 =	vadd.f32 v24, v21  }
0xee: {  	s2 =	sadd.s32 $0x13E90, s2;
	v37 =	vadd.f32 v53, v37;
	v56 =	vtrunc.f32 v20;
	v58 =	vld.idx.msk [tilespmem:v52+s4+$0x0], $0xffff;
	v24 =	vcvt.s32.f32 v63  }
0xef: {  	s3 =	sadd.s32 s12, s2;
	v33 =	vcvt.f32.s32 v56;
	v54 =	vmul.f32 v25, v42;
	v59 =	vld.idx.msk [tilespmem:v51+s4+$0x0], $0xffff;
	v21 =	vadd.f32 v12, v21  }
0xf0: {  	[tilespmem:s3+$0x0] =	vst v9;
	v55 =	vtrunc.f32 v18;
	v60 =	vmul.f32 v26, v41;
	v61 =	vsub.f32 v61, v24  }
0xf1: {  	v9 =	vld.idx.msk [tilespmem:v6+s13+$0x0], $0xffff;
	v38 =	vadd.f32 v54, v38;
	v62 =	vmul.f32 v13, v47;
	v11 =	vadd.f32 v11, v21  }
0xf2: {  	s9 =	sshll.u32 s26, $0x5;
	v12 =	vld.idx.msk [tilespmem:v8+s13+$0x0], $0xffff;
	v27 =	vadd.f32 v60, v27;
	v21 =	vshll.u32 v49, $0x10;
	v39 =	vmul.f32 v14, v61  }
0xf3: {  	s7 =	smov.u32 s24;
	s24 =	simm.s32 $0x40;
	s12 =	sadd.s32 s5, s9;
	v57 =	vtrunc.f32 v22;
	[tilespmem:s0+$0xC190] =	vst v38;
	v24 =	vld.idx.msk [tilespmem:v7+s13+$0x0], $0xffff;
	v63 =	vadd.f32 v62, v58;
	v21 =	vadd.f32 v21, v11  }
0xf4: {  	s21 =	sor.u32 s21, s2;
	s25 =	sor.u32 s10, s2;
	s3 =	sand.u32 $0x3FFFFF80, s24;
	v32 =	vcvt.f32.s32 v55;
	v11 =	vld.idx.msk [tilespmem:v8+s4+$0x0], $0xffff;
	[tilespmem:s1+$0xC190] =	vst v27;
	v27 =	vshll.u32 v14, $0x10;
	v36 =	vadd.f32 v39, v59  }
0xf5: {  	s10 =	sadd.s32 s22, s2;
	s22 =	simm.s32 $0x4;
	s24 =	sadd.s32 $0x13E90, s3;
	v34 =	vcvt.f32.s32 v57;
	v8 =	vshll.u32 v28, $0x10;
	v14 =	vld.idx.msk [tilespmem:v7+s4+$0x0], $0xffff;
	[tilespmem:s11+$0xC190] =	vst v63;
	v21 =	vadd.f32 v27, v21  }
0xf6: {  	s23 =	sor.u32 s15, s24;
	s20 =	sadd.s32 s19, s24;
	s2 =	sadd.s32 s16, s24;
	v7 =	vshll.u32 v30, $0x10;
	v28 =	vld.idx.msk [tilespmem:v6+s4+$0x0], $0xffff;
	v6 =	vadd.s32 $0x1B5F, v32;
	v27 =	vadd.f32 v8, v37;
	[tilespmem:s17+$0xC210] =	vst v36  }
.LBB2_3:
0xf7: {  	s22 =	sadd.s32 $0x4, s22;
	v8 =	vadd.s32 $0x1B5F, v33;
	v30 =	vadd.f32 v7, v35;
	v7 =	vadd.s32 $0x1B5F, v34;
	s24 =	sor.u32 s6, s24;
	[tilespmem:s2+$0x0] =	vst v21;
	s8 =	sadd.s32 $0x40, s8  }
0xf8: {  	v10 =	vshll.u32 v10, $0x10;
	v15 =	vshll.u32 v15, $0x10;
	v16 =	vshll.u32 v16, $0x10;
	s15 =	sand.u32 $0x40, s8;
	s2 =	sshll.u32 s22, $0x7;
	p0 =	slt.u32 s22, $0x7C  }
0xf9: {  	v21 =	vcvt.s32.f32 v32;
	v10 =	vadd.f32 v10, v27;
	v15 =	vadd.f32 v15, v29;
	s2 =	sand.u32 $0xFFFFFC00, s2;
	s17 =	sor.u32 $0x10, s15;
	s16 =	sor.u32 $0x30, s15  }
0xfa: {  	v27 =	vcvt.s32.f32 v33;
	v29 =	vcvt.s32.f32 v34;
	s6 =	sor.u32 $0x20, s15;
	v16 =	vadd.f32 v16, v30;
	s9 =	sor.u32 s15, s2;
	s19 =	sor.u32 s2, s16  }
0xfb: {  	v17 =	vshll.u32 v17, $0x10;
	v19 =	vshll.u32 v19, $0x10;
	v23 =	vshll.u32 v23, $0x10;
	s3 =	sor.u32 s2, s17;
	s2 =	sor.u32 s2, s6;
	v30 =	vld [tilespmem:s19+$0x3E90]  }
0xfc: {  	v10 =	vadd.f32 v17, v10;
	v17 =	vshll.u32 v25, $0x10;
	v15 =	vadd.f32 v19, v15;
	v31 =	vld [tilespmem:s9+$0x3E90]  }
0xfd: {  	v18 =	vsub.f32 v18, v21;
	v21 =	vshll.u32 v26, $0x10;
	v16 =	vadd.f32 v23, v16;
	v19 =	vld [tilespmem:s3+$0x3E90]  }
0xfe: {  	v13 =	vshll.u32 v13, $0x10;
	v20 =	vsub.f32 v20, v27;
	v22 =	vsub.f32 v22, v29;
	v23 =	vld [tilespmem:s2+$0x3E90]  }
0xff: {  	v26 =	vmul.f32 v24, v4;
	v10 =	vadd.f32 v17, v10;
	v17 =	vmul.f32 v12, v0;
	v0 =	vmovc v18;
	v25 =	vld [tilespmem:s9+$0x3F10]  }
0x100: {  	v15 =	vadd.f32 v21, v15;
	v21 =	vmul.f32 v9, v5;
	v4 =	vmovc v20;
	v5 =	vmovc v22;
	v18 =	vld [tilespmem:s3+$0x3F10];
	v27 =	vmul.f32 $1.000000000e+03, v30  }
0x101: {  	v12 =	vshll.u32 v12, $0x10;
	v16 =	vadd.f32 v13, v16;
	v20 =	vmul.f32 $1.000000000e+03, v31;
	v22 =	vld [tilespmem:s2+$0x3F10]  }
0x102: {  	v24 =	vshll.u32 v24, $0x10;
	v29 =	vld [tilespmem:s9+$0x3F90];
	v19 =	vmul.f32 $1.000000000e+03, v19;
	v13 =	vtrunc.f32 v27  }
0x103: {  	v32 =	vshll.u32 v9, $0x10;
	v30 =	vld [tilespmem:s3+$0x3F90];
	v23 =	vmul.f32 $1.000000000e+03, v23;
	v31 =	vcvt.f32.s32 v13  }
0x104: {  	v11 =	vadd.f32 v17, v11;
	v9 =	vtrunc.f32 v20;
	v33 =	vtrunc.f32 v19;
	v34 =	vld [tilespmem:s2+$0x3F90]  }
0x105: {  	v17 =	vadd.f32 v26, v14;
	v35 =	vcvt.f32.s32 v9;
	v9 =	vtrunc.f32 v23;
	v36 =	vld [tilespmem:s19+$0x3F10]  }
0x106: {  	v26 =	vcvt.f32.s32 v33;
	v13 =	vld [tilespmem:s9+$0x4010];
	v33 =	vcvt.f32.s32 v9;
	[tilespmem:s31+$0xC210] =	vst v11;
	v9 =	vadd.f32 v21, v28;
	s31 =	smov.u32 s0;
	s0 =	smov.u32 s9  }
0x107: {  	v12 =	vadd.f32 v12, v2;
	v2 =	vmovc v10;
	v11 =	vcvt.s32.f32 v35;
	v21 =	vmul.f32 $1.000000000e+03, v25;
	v14 =	vld [tilespmem:s3+$0x4010];
	[tilespmem:s30+$0xC210] =	vst v17;
	s30 =	smov.u32 s1;
	s1 =	smov.u32 s3  }
0x108: {  	v24 =	vadd.f32 v24, v3;
	v3 =	vmovc v15;
	v25 =	vcvt.s32.f32 v26;
	v28 =	vcvt.s32.f32 v33;
	v17 =	vld [tilespmem:s2+$0x4010];
	[tilespmem:s29+$0xC210] =	vst v9;
	s29 =	smov.u32 s11;
	s11 =	smov.u32 s2  }
0x109: {  	v15 =	vmul.f32 $1.000000000e+03, v18;
	v18 =	vmul.f32 $1.000000000e+03, v22;
	v11 =	vsub.f32 v20, v11;
	v9 =	vld.idx.msk [tilespmem:v31+s13+$0x0], $0xffff;
	[tilespmem:s25+$0x0] =	vst v12;
	s25 =	smov.u32 s23  }
0x10a: {  	v12 =	vsub.f32 v19, v25;
	v10 =	vld [tilespmem:s0+$0x4090];
	v19 =	vsub.f32 v23, v28;
	v20 =	vmul.f32 $1.000000000e+03, v36;
	[tilespmem:s10+$0x0] =	vst v24;
	s10 =	smov.u32 s20  }
0x10b: {  	v22 =	vtrunc.f32 v21;
	v25 =	vadd.f32 v32, v1;
	v1 =	vmovc v16;
	v23 =	vcvt.s32.f32 v31;
	v24 =	vld.idx.msk [tilespmem:v31+s4+$0x0], $0xffff  }
0x10c: {  	v28 =	vtrunc.f32 v15;
	v16 =	vld.idx.msk [tilespmem:v35+s13+$0x0], $0xffff;
	v31 =	vtrunc.f32 v20  }
0x10d: {  	v36 =	vtrunc.f32 v18;
	v23 =	vsub.f32 v27, v23;
	v32 =	vld.idx.msk [tilespmem:v26+s13+$0x0], $0xffff;
	v27 =	vcvt.f32.s32 v31;
	[tilespmem:s21+$0x0] =	vst v25;
	s21 =	smov.u32 s24  }
0x10e: {  	v22 =	vcvt.f32.s32 v22;
	v25 =	vcvt.f32.s32 v28;
	v28 =	vld.idx.msk [tilespmem:v33+s13+$0x0], $0xffff  }
0x10f: {  	v23 =	vmul.f32 v9, v23;
	v31 =	vld.idx.msk [tilespmem:v35+s4+$0x0], $0xffff;
	v35 =	vcvt.f32.s32 v36;
	v36 =	vadd.s32 $0x3E9, v27  }
0x110: {  	v37 =	vcvt.s32.f32 v22;
	v22 =	vadd.s32 $0x3E9, v22;
	v38 =	vadd.s32 $0x3E9, v25;
	v39 =	vld [tilespmem:s19+$0x3F90]  }
0x111: {  	v25 =	vcvt.s32.f32 v25;
	v23 =	vadd.f32 v23, v24;
	v26 =	vld.idx.msk [tilespmem:v26+s4+$0x0], $0xffff;
	v40 =	vadd.s32 $0x3E9, v35  }
0x112: {  	v21 =	vsub.f32 v21, v37;
	v24 =	vmul.f32 v16, v11;
	v11 =	vcvt.s32.f32 v35;
	v33 =	vld.idx.msk [tilespmem:v33+s4+$0x0], $0xffff  }
0x113: {  	v29 =	vmul.f32 $1.000000000e+03, v29;
	v25 =	vsub.f32 v15, v25;
	v12 =	vmul.f32 v32, v12;
	v35 =	vld [tilespmem:s1+$0x4090];
	[tilespmem:s19+$0xBE90] =	vst v23  }
0x114: {  	v23 =	vmul.f32 $1.000000000e+03, v30;
	v15 =	vmul.f32 v28, v19;
	v18 =	vsub.f32 v18, v11;
	v11 =	vld.idx.msk [tilespmem:v36+s13+$0x0], $0xffff  }
0x115: {  	v19 =	vadd.f32 v24, v31;
	v24 =	vmul.f32 $1.000000000e+03, v34;
	v31 =	vld [tilespmem:s11+$0x4090];
	v30 =	vmul.f32 $1.000000000e+03, v39  }
0x116: {  	v37 =	vtrunc.f32 v29;
	v27 =	vcvt.s32.f32 v27;
	v34 =	vshll.u32 v16, $0x10;
	v36 =	vld.idx.msk [tilespmem:v36+s4+$0x0], $0xffff  }
0x117: {  	v12 =	vadd.f32 v12, v26;
	[tilespmem:s0+$0xBE90] =	vst v19;
	v16 =	vld [tilespmem:s0+$0x4110];
	v19 =	vtrunc.f32 v23;
	v26 =	vtrunc.f32 v30  }
0x118: {  	v20 =	vsub.f32 v20, v27;
	v33 =	vadd.f32 v15, v33;
	v39 =	vld.idx.msk [tilespmem:v22+s13+$0x0], $0xffff;
	v26 =	vcvt.f32.s32 v26  }
0x119: {  	v27 =	vcvt.f32.s32 v37;
	v32 =	vshll.u32 v32, $0x10;
	v22 =	vld.idx.msk [tilespmem:v22+s4+$0x0], $0xffff;
	[tilespmem:s1+$0xBE90] =	vst v12;
	v12 =	vtrunc.f32 v24  }
0x11a: {  	v19 =	vcvt.f32.s32 v19;
	v20 =	vmul.f32 v11, v20;
	v15 =	vld.idx.msk [tilespmem:v38+s13+$0x0], $0xffff;
	[tilespmem:s11+$0xBE90] =	vst v33;
	v33 =	vadd.s32 $0x7D2, v26  }
0x11b: {  	v37 =	vcvt.s32.f32 v27;
	v27 =	vadd.s32 $0x7D2, v27;
	v41 =	vcvt.f32.s32 v12;
	v42 =	vld [tilespmem:s19+$0x4010]  }
0x11c: {  	v43 =	vcvt.s32.f32 v19;
	v19 =	vadd.s32 $0x7D2, v19;
	v20 =	vadd.f32 v20, v36;
	v12 =	vld.idx.msk [tilespmem:v40+s13+$0x0], $0xffff  }
0x11d: {  	v36 =	vsub.f32 v29, v37;
	v37 =	vcvt.s32.f32 v41;
	v29 =	vld.idx.msk [tilespmem:v38+s4+$0x0], $0xffff;
	v38 =	vadd.s32 $0x7D2, v41  }
0x11e: {  	v23 =	vsub.f32 v23, v43;
	v21 =	vmul.f32 v39, v21;
	v41 =	vmul.f32 $1.000000000e+03, v13;
	v40 =	vld.idx.msk [tilespmem:v40+s4+$0x0], $0xffff;
	[tilespmem:s19+$0xBF10] =	vst v20  }
0x11f: {  	v17 =	vmul.f32 $1.000000000e+03, v17;
	v20 =	vmul.f32 $1.000000000e+03, v14;
	v37 =	vsub.f32 v24, v37;
	v13 =	vld.idx.msk [tilespmem:v33+s13+$0x0], $0xffff  }
0x120: {  	v14 =	vadd.f32 v21, v22;
	v21 =	vmul.f32 v15, v25;
	v22 =	vld [tilespmem:s1+$0x4110];
	v42 =	vmul.f32 $1.000000000e+03, v42  }
0x121: {  	v26 =	vcvt.s32.f32 v26;
	v43 =	vshll.u32 v28, $0x10;
	v25 =	vtrunc.f32 v41;
	v33 =	vld.idx.msk [tilespmem:v33+s4+$0x0], $0xffff  }
0x122: {  	v24 =	vadd.f32 $0.0e+00, v34;
	v18 =	vmul.f32 v12, v18;
	[tilespmem:s0+$0xBF10] =	vst v14;
	v34 =	vld [tilespmem:s11+$0x4110];
	v28 =	vtrunc.f32 v42  }
0x123: {  	v26 =	vsub.f32 v30, v26;
	v21 =	vadd.f32 v21, v29;
	v14 =	vld.idx.msk [tilespmem:v27+s13+$0x0], $0xffff;
	v44 =	vcvt.f32.s32 v28  }
0x124: {  	v29 =	vtrunc.f32 v17;
	v28 =	vtrunc.f32 v20;
	v18 =	vadd.f32 v18, v40;
	v27 =	vld.idx.msk [tilespmem:v27+s4+$0x0], $0xffff  }
0x125: {  	v25 =	vcvt.f32.s32 v25;
	v40 =	vld [tilespmem:s0+$0x4190];
	[tilespmem:s1+$0xBF10] =	vst v21;
	v21 =	vmul.f32 v13, v26;
	v45 =	vadd.s32 $0xBBB, v44  }
0x126: {  	v30 =	vcvt.f32.s32 v28;
	v26 =	vadd.f32 $0.0e+00, v32;
	[tilespmem:s11+$0xBF10] =	vst v18;
	v18 =	vcvt.f32.s32 v29;
	v32 =	vld [tilespmem:s19+$0x4090]  }
0x127: {  	v46 =	vcvt.s32.f32 v25;
	v47 =	vadd.s32 $0xBBB, v25;
	v28 =	vld.idx.msk [tilespmem:v19+s13+$0x0], $0xffff;
	v21 =	vadd.f32 v21, v33  }
0x128: {  	v25 =	vcvt.s32.f32 v30;
	v33 =	vadd.s32 $0xBBB, v30;
	v29 =	vld.idx.msk [tilespmem:v38+s13+$0x0], $0xffff;
	v48 =	vadd.s32 $0xBBB, v18  }
0x129: {  	v41 =	vsub.f32 v41, v46;
	v36 =	vmul.f32 v14, v36;
	v18 =	vcvt.s32.f32 v18;
	v19 =	vld.idx.msk [tilespmem:v19+s4+$0x0], $0xffff;
	[tilespmem:s19+$0xBF90] =	vst v21  }
0x12a: {  	v10 =	vmul.f32 $1.000000000e+03, v10;
	v35 =	vmul.f32 $1.000000000e+03, v35;
	v20 =	vsub.f32 v20, v25;
	v30 =	vld.idx.msk [tilespmem:v45+s13+$0x0], $0xffff  }
0x12b: {  	v21 =	vadd.f32 v36, v27;
	v17 =	vsub.f32 v17, v18;
	v27 =	vld.idx.msk [tilespmem:v38+s4+$0x0], $0xffff;
	v18 =	vmul.f32 $1.000000000e+03, v32  }
0x12c: {  	v36 =	vmul.f32 $1.000000000e+03, v31;
	v31 =	vcvt.s32.f32 v44;
	v32 =	vadd.f32 $0.0e+00, v43;
	v38 =	vld.idx.msk [tilespmem:v45+s4+$0x0], $0xffff  }
0x12d: {  	v25 =	vshll.u32 v39, $0x10;
	v23 =	vmul.f32 v28, v23;
	[tilespmem:s0+$0xBF90] =	vst v21;
	v39 =	vld [tilespmem:s1+$0x4190];
	v43 =	vtrunc.f32 v18  }
0x12e: {  	v31 =	vsub.f32 v42, v31;
	v37 =	vmul.f32 v29, v37;
	v21 =	vld.idx.msk [tilespmem:v47+s13+$0x0], $0xffff;
	v42 =	vcvt.f32.s32 v43  }
0x12f: {  	v44 =	vtrunc.f32 v10;
	v19 =	vadd.f32 v23, v19;
	v23 =	vtrunc.f32 v35;
	v43 =	vld.idx.msk [tilespmem:v47+s4+$0x0], $0xffff  }
0x130: {  	v45 =	vtrunc.f32 v36;
	v31 =	vmul.f32 v30, v31;
	v46 =	vld [tilespmem:s11+$0x4190];
	v47 =	vadd.s32 $0xFA4, v42  }
0x131: {  	v44 =	vcvt.f32.s32 v44;
	[tilespmem:s1+$0xBF90] =	vst v19;
	v19 =	vcvt.f32.s32 v23;
	v23 =	vadd.f32 v37, v27;
	v37 =	vld [tilespmem:s19+$0x4110]  }
0x132: {  	v49 =	vmul.f32 $1.000000000e+03, v16;
	v16 =	vcvt.f32.s32 v45;
	v38 =	vadd.f32 v31, v38;
	v27 =	vld.idx.msk [tilespmem:v33+s13+$0x0], $0xffff  }
0x133: {  	v45 =	vcvt.s32.f32 v44;
	v44 =	vadd.s32 $0xFA4, v44;
	v50 =	vld.idx.msk [tilespmem:v33+s4+$0x0], $0xffff;
	v51 =	vadd.s32 $0xFA4, v19;
	[tilespmem:s11+$0xBF90] =	vst v23  }
0x134: {  	v23 =	vmul.f32 v21, v41;
	v19 =	vcvt.s32.f32 v19;
	v41 =	vadd.s32 $0xFA4, v16;
	v31 =	vld.idx.msk [tilespmem:v48+s13+$0x0], $0xffff;
	[tilespmem:s19+$0xC010] =	vst v38  }
0x135: {  	v22 =	vmul.f32 $1.000000000e+03, v22;
	v38 =	vsub.f32 v10, v45;
	v10 =	vcvt.s32.f32 v16;
	v33 =	vld.idx.msk [tilespmem:v47+s13+$0x0], $0xffff  }
0x136: {  	v16 =	vadd.f32 v23, v43;
	v19 =	vsub.f32 v35, v19;
	v23 =	vld.idx.msk [tilespmem:v48+s4+$0x0], $0xffff;
	v35 =	vmul.f32 $1.000000000e+03, v37  }
0x137: {  	v36 =	vsub.f32 v36, v10;
	v37 =	vmul.f32 $1.000000000e+03, v34;
	v34 =	vcvt.s32.f32 v42;
	v42 =	vld.idx.msk [tilespmem:v47+s4+$0x0], $0xffff  }
0x138: {  	v45 =	vshll.u32 v15, $0x10;
	v15 =	vmul.f32 v27, v20;
	[tilespmem:s0+$0xC010] =	vst v16;
	v43 =	vld [tilespmem:s0+$0x4210];
	v16 =	vtrunc.f32 v35  }
0x139: {  	v20 =	vtrunc.f32 v49;
	v18 =	vsub.f32 v18, v34;
	v10 =	vld.idx.msk [tilespmem:v44+s13+$0x0], $0xffff;
	v47 =	vcvt.f32.s32 v16  }
0x13a: {  	v15 =	vadd.f32 v15, v50;
	v16 =	vtrunc.f32 v22;
	v17 =	vmul.f32 v31, v17;
	v44 =	vld.idx.msk [tilespmem:v44+s4+$0x0], $0xffff  }
0x13b: {  	v34 =	vtrunc.f32 v37;
	v18 =	vmul.f32 v33, v18;
	v48 =	vld [tilespmem:s1+$0x4210];
	v50 =	vadd.s32 $0x138D, v47  }
0x13c: {  	v20 =	vcvt.f32.s32 v20;
	v16 =	vcvt.f32.s32 v16;
	v17 =	vadd.f32 v17, v23;
	[tilespmem:s1+$0xC010] =	vst v15;
	v23 =	vld [tilespmem:s19+$0x4190]  }
0x13d: {  	v40 =	vmul.f32 $1.000000000e+03, v40;
	v34 =	vcvt.f32.s32 v34;
	v18 =	vadd.f32 v18, v42;
	v15 =	vld.idx.msk [tilespmem:v51+s13+$0x0], $0xffff  }
0x13e: {  	v42 =	vcvt.s32.f32 v20;
	v20 =	vadd.s32 $0x138D, v20;
	v52 =	vadd.s32 $0x138D, v16;
	v51 =	vld.idx.msk [tilespmem:v51+s4+$0x0], $0xffff;
	[tilespmem:s11+$0xC010] =	vst v17  }
0x13f: {  	v53 =	vadd.s32 $0x138D, v34;
	v17 =	vmul.f32 v10, v38;
	v38 =	vcvt.s32.f32 v16;
	v16 =	vld.idx.msk [tilespmem:v41+s13+$0x0], $0xffff;
	[tilespmem:s19+$0xC090] =	vst v18  }
0x140: {  	v39 =	vmul.f32 $1.000000000e+03, v39;
	v42 =	vsub.f32 v49, v42;
	v18 =	vcvt.s32.f32 v34;
	v34 =	vld.idx.msk [tilespmem:v50+s13+$0x0], $0xffff  }
0x141: {  	v17 =	vadd.f32 v17, v44;
	v38 =	vsub.f32 v22, v38;
	v22 =	vld.idx.msk [tilespmem:v41+s4+$0x0], $0xffff;
	v41 =	vmul.f32 $1.000000000e+03, v23  }
0x142: {  	v44 =	vmul.f32 $1.000000000e+03, v46;
	v37 =	vsub.f32 v37, v18;
	v18 =	vcvt.s32.f32 v47;
	v23 =	vld.idx.msk [tilespmem:v50+s4+$0x0], $0xffff  }
0x143: {  	v46 =	vshll.u32 v12, $0x10;
	v19 =	vmul.f32 v15, v19;
	[tilespmem:s0+$0xC090] =	vst v17;
	v47 =	vld [tilespmem:s11+$0x4210];
	v12 =	vtrunc.f32 v41  }
0x144: {  	v49 =	vtrunc.f32 v40;
	v18 =	vsub.f32 v35, v18;
	v17 =	vld.idx.msk [tilespmem:v20+s13+$0x0], $0xffff;
	v35 =	vcvt.f32.s32 v12  }
0x145: {  	v19 =	vadd.f32 v19, v51;
	v36 =	vmul.f32 v16, v36;
	v50 =	vld.idx.msk [tilespmem:v20+s4+$0x0], $0xffff;
	v20 =	vtrunc.f32 v39  }
0x146: {  	v51 =	vtrunc.f32 v44;
	v54 =	vmul.f32 v34, v18;
	v55 =	vadd.s32 $0x1776, v35;
	v12 =	vld.idx.msk [tilespmem:v6+s13+$0x0], $0xffff  }
0x147: {  	v49 =	vcvt.f32.s32 v49;
	v20 =	vcvt.f32.s32 v20;
	v22 =	vadd.f32 v36, v22;
	[tilespmem:s1+$0xC090] =	vst v19;
	v36 =	vld [tilespmem:s19+$0x4210]  }
0x148: {  	v18 =	vmul.f32 $1.000000000e+03, v43;
	v43 =	vcvt.f32.s32 v51;
	v51 =	vadd.f32 v54, v23;
	v19 =	vld.idx.msk [tilespmem:v52+s13+$0x0], $0xffff  }
0x149: {  	v54 =	vcvt.s32.f32 v49;
	v49 =	vadd.s32 $0x1776, v49;
	v56 =	vadd.s32 $0x1776, v20;
	v52 =	vld.idx.msk [tilespmem:v52+s4+$0x0], $0xffff;
	[tilespmem:s11+$0xC090] =	vst v22  }
0x14a: {  	v57 =	vadd.s32 $0x1776, v43;
	v22 =	vmul.f32 v17, v42;
	v42 =	vcvt.s32.f32 v20;
	v23 =	vld.idx.msk [tilespmem:v53+s13+$0x0], $0xffff;
	[tilespmem:s19+$0xC110] =	vst v51  }
0x14b: {  	v43 =	vcvt.s32.f32 v43;
	v40 =	vsub.f32 v40, v54;
	v20 =	vmul.f32 $1.000000000e+03, v48;
	v48 =	vld.idx.msk [tilespmem:v55+s13+$0x0], $0xffff  }
0x14c: {  	v50 =	vadd.f32 v22, v50;
	v39 =	vsub.f32 v39, v42;
	v42 =	vld.idx.msk [tilespmem:v53+s4+$0x0], $0xffff;
	v36 =	vmul.f32 $1.000000000e+03, v36  }
0x14d: {  	v35 =	vcvt.s32.f32 v35;
	v43 =	vsub.f32 v44, v43;
	v22 =	vmul.f32 $1.000000000e+03, v47;
	v44 =	vld.idx.msk [tilespmem:v55+s4+$0x0], $0xffff  }
0x14e: {  	v47 =	vadd.f32 v25, v24;
	v38 =	vmul.f32 v19, v38;
	[tilespmem:s0+$0xC110] =	vst v50;
	v50 =	vtrunc.f32 v36;
	v24 =	vld.idx.msk [tilespmem:v8+s13+$0x0], $0xffff  }
0x14f: {  	v45 =	vadd.f32 v45, v26;
	v26 =	vsub.f32 v41, v35;
	v25 =	vld.idx.msk [tilespmem:v49+s13+$0x0], $0xffff;
	v35 =	vcvt.f32.s32 v50  }
0x150: {  	v9 =	vshll.u32 v9, $0x10;
	v38 =	vadd.f32 v38, v52;
	v37 =	vmul.f32 v23, v37;
	v41 =	vld.idx.msk [tilespmem:v49+s4+$0x0], $0xffff  }
0x151: {  	v49 =	vadd.f32 $0.0e+00, v9;
	v50 =	vmul.f32 v48, v26;
	v51 =	vadd.s32 $0x1B5F, v35;
	v9 =	vld.idx.msk [tilespmem:v7+s13+$0x0], $0xffff  }
0x152: {  	[tilespmem:s1+$0xC110] =	vst v38;
	v38 =	vadd.f32 v46, v32;
	v32 =	vadd.f32 v37, v42;
	v37 =	vshll.u32 v11, $0x10;
	v11 =	vld.idx.msk [tilespmem:v6+s4+$0x0], $0xffff  }
0x153: {  	v6 =	vshll.u32 v14, $0x10;
	v26 =	vld.idx.msk [tilespmem:v56+s13+$0x0], $0xffff;
	v14 =	vadd.f32 v37, v49;
	v37 =	vadd.f32 v50, v44  }
0x154: {  	v28 =	vshll.u32 v28, $0x10;
	v29 =	vshll.u32 v29, $0x10;
	v42 =	vld.idx.msk [tilespmem:v56+s4+$0x0], $0xffff;
	[tilespmem:s11+$0xC110] =	vst v32;
	v32 =	vshll.u32 v13, $0x10  }
0x155: {  	v44 =	vtrunc.f32 v18;
	v40 =	vmul.f32 v25, v40;
	v13 =	vld.idx.msk [tilespmem:v57+s13+$0x0], $0xffff;
	v14 =	vadd.f32 v32, v14;
	[tilespmem:s19+$0xC190] =	vst v37  }
0x156: {  	v30 =	vshll.u32 v30, $0x10;
	v46 =	vtrunc.f32 v22;
	v37 =	vtrunc.f32 v20;
	v49 =	vld.idx.msk [tilespmem:v51+s13+$0x0], $0xffff  }
0x157: {  	v32 =	vcvt.f32.s32 v44;
	v40 =	vadd.f32 v40, v41;
	v41 =	vld.idx.msk [tilespmem:v57+s4+$0x0], $0xffff;
	v14 =	vadd.f32 v30, v14  }
0x158: {  	v6 =	vadd.f32 v6, v47;
	v30 =	vshll.u32 v33, $0x10;
	v33 =	vcvt.s32.f32 v35;
	v44 =	vld.idx.msk [tilespmem:v51+s4+$0x0], $0xffff  }
0x159: {  	[tilespmem:s0+$0xC190] =	vst v40;
	v40 =	vadd.f32 v28, v45;
	v28 =	vmul.f32 v26, v39;
	v30 =	vadd.f32 v30, v14  }
0x15a: {  	v35 =	vadd.f32 v29, v38;
	v29 =	vshll.u32 v34, $0x10;
	v34 =	vsub.f32 v36, v33;
	v14 =	vld.idx.msk [tilespmem:v8+s4+$0x0], $0xffff  }
0x15b: {  	v36 =	vmul.f32 v13, v43;
	v8 =	vadd.f32 v28, v42;
	v29 =	vadd.f32 v29, v30;
	v28 =	vld.idx.msk [tilespmem:v7+s4+$0x0], $0xffff  }
.Ltmp0:
0x15c: {  	v33 =	vcvt.f32.s32 v37;
	v7 =	vshll.u32 v48, $0x10;
	v30 =	vmul.f32 v49, v34;
	(pc) =	sbr.rel @p0 .LBB2_3-.Ltmp0, $4  }
0x15d: {  	s2 =	sshll.u32 s22, $0x4;
	v34 =	vcvt.f32.s32 v46;
	[tilespmem:s1+$0xC190] =	vst v8;
	v8 =	vadd.f32 v36, v41;
	v29 =	vadd.f32 v7, v29  }
0x15e: {  	s2 =	sand.u32 $0x3FFFFF80, s2;
	v36 =	vshll.u32 v21, $0x10;
	v21 =	vshll.u32 v49, $0x10;
	v30 =	vadd.f32 v30, v44  }
0x15f: {  	s24 =	sadd.s32 $0x13E90, s2;
	v37 =	vshll.u32 v27, $0x10;
	v7 =	vshll.u32 v31, $0x10;
	[tilespmem:s11+$0xC190] =	vst v8;
	v21 =	vadd.f32 v21, v29  }
0x160: {  	s23 =	sor.u32 s15, s24;
	s20 =	sadd.s32 s17, s24;
	s2 =	sadd.s32 s16, s24;
	v27 =	vadd.f32 v36, v6;
	v6 =	vadd.s32 $0x1B5F, v32;
	v29 =	vadd.f32 v37, v40;
	[tilespmem:s19+$0xC210] =	vst v30  }
0x161: {  	v8 =	vadd.s32 $0x1B5F, v33;
	v7 =	vadd.f32 v7, v35;
	v30 =	vadd.s32 $0x1B5F, v34  }
0x162: {  	v10 =	vshll.u32 v10, $0x10;
	v15 =	vshll.u32 v15, $0x10;
	v16 =	vshll.u32 v16, $0x10  }
0x163: {  	v17 =	vshll.u32 v17, $0x10;
	v19 =	vshll.u32 v19, $0x10;
	v0 =	vmul.f32 v12, v0  }
0x164: {  	v23 =	vshll.u32 v23, $0x10;
	v4 =	vmul.f32 v24, v4;
	v5 =	vmul.f32 v9, v5  }
0x165: {  	v31 =	vld.idx.msk [tilespmem:v6+s13+$0x0], $0xffff;
	v12 =	vshll.u32 v12, $0x10;
	v9 =	vshll.u32 v9, $0x10;
	v10 =	vadd.f32 v10, v27  }
0x166: {  	v6 =	vld.idx.msk [tilespmem:v6+s4+$0x0], $0xffff;
	v27 =	vcvt.s32.f32 v32;
	v15 =	vadd.f32 v15, v29;
	v2 =	vadd.f32 v12, v2  }
0x167: {  	v29 =	vcvt.s32.f32 v33;
	v0 =	vadd.f32 v0, v11;
	v10 =	vadd.f32 v17, v10;
	v17 =	vld.idx.msk [tilespmem:v8+s13+$0x0], $0xffff  }
0x168: {  	[tilespmem:s2+$0x0] =	vst v21;
	v7 =	vadd.f32 v16, v7;
	v16 =	vcvt.s32.f32 v34;
	v4 =	vadd.f32 v4, v14;
	v11 =	vld.idx.msk [tilespmem:v30+s13+$0x0], $0xffff  }
0x169: {  	v12 =	vshll.u32 v26, $0x10;
	v18 =	vsub.f32 v18, v27;
	[tilespmem:s31+$0xC210] =	vst v0;
	v0 =	vadd.f32 v5, v28;
	v5 =	vld.idx.msk [tilespmem:v8+s4+$0x0], $0xffff  }
0x16a: {  	v14 =	vsub.f32 v20, v29;
	[tilespmem:s30+$0xC210] =	vst v4;
	v8 =	vsub.f32 v22, v16;
	v16 =	vshll.u32 v24, $0x10;
	v4 =	vld.idx.msk [tilespmem:v30+s4+$0x0], $0xffff  }
0x16b: {  	v1 =	vadd.f32 v9, v1;
	v3 =	vadd.f32 v16, v3;
	[tilespmem:s29+$0xC210] =	vst v0;
	v0 =	vmul.f32 v31, v18  }
0x16c: {  	v15 =	vadd.f32 v19, v15;
	v19 =	vshll.u32 v25, $0x10;
	[tilespmem:s25+$0x0] =	vst v2;
	v2 =	vmul.f32 v17, v14  }
0x16d: {  	v7 =	vadd.f32 v23, v7;
	[tilespmem:s10+$0x0] =	vst v3;
	v0 =	vadd.f32 v0, v6;
	v3 =	vmul.f32 v11, v8  }
0x16e: {  	[tilespmem:s21+$0x0] =	vst v1;
	v6 =	vshll.u32 v13, $0x10;
	v8 =	vadd.f32 v19, v10;
	v1 =	vadd.f32 v2, v5  }
0x16f: {  	[tilespmem:s0+$0xC210] =	vst v0;
	v2 =	vadd.f32 v12, v15;
	v5 =	vshll.u32 v31, $0x10;
	v0 =	vadd.f32 v3, v4  }
0x170: {  	v3 =	vadd.f32 v6, v7;
	v4 =	vshll.u32 v17, $0x10;
	v5 =	vadd.f32 v5, v8;
	[tilespmem:s1+$0xC210] =	vst v1  }
0x171: {  	v1 =	vshll.u32 v11, $0x10;
	v2 =	vadd.f32 v4, v2;
	[tilespmem:s11+$0xC210] =	vst v0  }
0x172: {  	[tilespmem:s23+$0x0] =	vst v5;
	v0 =	vadd.f32 v1, v3  }
0x173: {  	s10 =	sor.u32 s6, s24;
	s11 =	sshll.u32 s12, $0x7;
	[tilespmem:s20+$0x0] =	vst v2  }
0x174: {  	s16 =	simm.s32 $0xBE90;
	s17 =	sshll.u32 s12, $0x4;
	s15 =	sadd.s32 s7, s11;
	[tilespmem:s10+$0x0] =	vst v0  }
0x175: {  	[hbm4b:s15+s4] =	stream.linear.scatter [tilespmem:s16], [sflag:$0x3], $0x4000, $0x38;
	[tilespmem:$0x14E90] =	vst v63  }
0x176: {  	s19 =	simm.s32 $0x13E90;
	p0 =	seq.s32 s26, $0x7;
	s0 =	sadd.s32 s14, s17  }
0x177: {  	[hbm4b:s0+s4] =	stream.linear.scatter [tilespmem:s19], [sflag:$0x5], $0x800, $0x38;
	[tilespmem:$0x14E90] =	vst v63  }
0x178: {  	p1 =	seq.s32 @!p0 s26, $0x0;
	s2 =	simm.s32 @!p0 $0x3E90;
	_ =	swait.ge [sflag:s18], $0x4000  }
0x179: {  	s0 =	sshll.u32 @!p0 s26, $0xC;
	[sflag:s18] =	ssyncset.done $0x0;
	s1 =	rddreg [dreg:$0x8]  }
0x17a: {  	[sflag:s18] =	ssyncadd.s32 $0xFFFFC000;
	s0 =	sadd.s32 @!p0 s0, s1;
	s1 =	simm.s32 @!p0 $0x0  }
0x17b: {  	[tilespmem:s2], [sflag:$0x1] =	stream.linear.gather @!p0 [hbm4b:s0+s1], $0x4000, $0x38;
	[tilespmem:$0x14E90] =	vst v63  }
0x17c: {  	p0 =	por p0, !p1  }
0x17d: {  	s0 =	simm.s32 @p0 $0x4  }
0x17e: {  	_ =	swait.ge @p0 [sflag:s0], $0x4000  }
0x17f: {  	[sflag:s0] =	ssyncset.done @p0 $0x0  }
0x180: {  	[sflag:s0] =	ssyncadd.s32 @p0 $0xFFFFC000;
	s0 =	simm.s32 @p0 $0x6  }
0x181: {  	s20 =	simm.s32 $0x0;
	_ =	swait.ge @p0 [sflag:s0], $0x800  }
0x182: {  	s22 =	simm.s32 $0x0;
	s21 =	sand.u32 $0x40, s20;
	[sflag:s0] =	ssyncset.done @p0 $0x0  }
0x183: {  	s23 =	sor.u32 $0x30, s21;
	[sflag:s0] =	ssyncadd.s32 @p0 $0xFFFFF800;
	s0 =	sand.u32 $0xFFFFFC00, s22  }
0x184: {  	s3 =	sor.u32 s0, s23  }
0x185: {  	s22 =	sor.u32 $0x10, s21;
	s31 =	sor.u32 s21, s0;
	v0 =	vld [tilespmem:s3+$0x7E90]  }
0x186: {  	s24 =	smov.u32 s7;
	s7 =	sor.u32 $0x20, s21;
	s30 =	sor.u32 s0, s22;
	v1 =	vld [tilespmem:s31+$0x7E90]  }
0x187: {  	s29 =	sor.u32 s0, s7;
	v2 =	vld [tilespmem:s30+$0x7E90]  }
0x188: {  	v3 =	vld [tilespmem:s29+$0x7E90]  }
0x189: {  	v4 =	vld [tilespmem:s31+$0x7F10]  }
0x18a: {  	v6 =	vld [tilespmem:s29+$0x7F10]  }
0x18b: {  	v8 =	vld [tilespmem:s31+$0x7F90]  }
0x18c: {  	v9 =	vld [tilespmem:s30+$0x7F90]  }
0x18d: {  	v13 =	vld [tilespmem:s3+$0x7F10]  }
0x18e: {  	v16 =	vld [tilespmem:s31+$0x8010]  }
0x18f: {  	v20 =	vld [tilespmem:s29+$0x8010];
	v5 =	vmul.f32 $1.000000000e+03, v0  }
0x190: {  	v38 =	vld [tilespmem:s31+$0x8190];
	v1 =	vmul.f32 $1.000000000e+03, v1;
	v2 =	vmul.f32 $1.000000000e+03, v2  }
0x191: {  	v39 =	vld [tilespmem:s29+$0x8190];
	v3 =	vmul.f32 $1.000000000e+03, v3;
	v4 =	vmul.f32 $1.000000000e+03, v4  }
0x192: {  	v6 =	vmul.f32 $1.000000000e+03, v6;
	v13 =	vmul.f32 $1.000000000e+03, v13  }
0x193: {  	v8 =	vmul.f32 $1.000000000e+03, v8;
	v9 =	vmul.f32 $1.000000000e+03, v9  }
0x194: {  	v16 =	vmul.f32 $1.000000000e+03, v16;
	v20 =	vmul.f32 $1.000000000e+03, v20  }
0x195: {  	v0 =	vld [tilespmem:s30+$0x7F10];
	v38 =	vmul.f32 $1.000000000e+03, v38;
	v7 =	vtrunc.f32 v5  }
0x196: {  	v63 =	vmul.f32 $1.000000000e+03, v39;
	v7 =	vcvt.f32.s32 v7  }
0x197: {  	v10 =	vtrunc.f32 v1;
	v11 =	vtrunc.f32 v2  }
0x198: {  	v12 =	vtrunc.f32 v3;
	v10 =	vcvt.f32.s32 v10  }
0x199: {  	v11 =	vcvt.f32.s32 v11;
	v12 =	vcvt.f32.s32 v12  }
0x19a: {  	v14 =	vld [tilespmem:s29+$0x7F90];
	v15 =	vcvt.s32.f32 v10;
	v21 =	vmul.f32 $1.000000000e+03, v0  }
0x19b: {  	v29 =	vld [tilespmem:s3+$0x7F90];
	v22 =	vtrunc.f32 v4;
	v19 =	vcvt.s32.f32 v12  }
0x19c: {  	v18 =	vcvt.s32.f32 v11;
	v1 =	vsub.f32 v1, v15;
	v23 =	vtrunc.f32 v21;
	v0 =	vld.idx.msk [tilespmem:v7+s13+$0x0], $0xffff  }
0x19d: {  	v15 =	vcvt.s32.f32 v7;
	v3 =	vsub.f32 v3, v19;
	v19 =	vcvt.f32.s32 v23;
	v7 =	vld.idx.msk [tilespmem:v7+s4+$0x0], $0xffff  }
0x19e: {  	v24 =	vtrunc.f32 v13;
	v22 =	vcvt.f32.s32 v22;
	v2 =	vsub.f32 v2, v18;
	v18 =	vld.idx.msk [tilespmem:v10+s13+$0x0], $0xffff  }
0x19f: {  	v25 =	vtrunc.f32 v6;
	v26 =	vld.idx.msk [tilespmem:v11+s13+$0x0], $0xffff;
	v28 =	vadd.s32 $0x3E9, v19;
	v19 =	vcvt.s32.f32 v19  }
0x1a0: {  	v39 =	vtrunc.f32 v63;
	v27 =	vcvt.s32.f32 v22;
	v5 =	vsub.f32 v5, v15;
	v23 =	vld.idx.msk [tilespmem:v12+s13+$0x0], $0xffff  }
0x1a1: {  	v15 =	vcvt.f32.s32 v24;
	v24 =	vcvt.f32.s32 v25;
	v19 =	vsub.f32 v21, v19;
	v21 =	vld [tilespmem:s30+$0x8090]  }
0x1a2: {  	v22 =	vadd.s32 $0x3E9, v22;
	v4 =	vsub.f32 v4, v27;
	v10 =	vld.idx.msk [tilespmem:v10+s4+$0x0], $0xffff;
	v5 =	vmul.f32 v0, v5  }
0x1a3: {  	v11 =	vld.idx.msk [tilespmem:v11+s4+$0x0], $0xffff;
	v25 =	vadd.s32 $0x3E9, v15;
	v30 =	vadd.s32 $0x3E9, v24;
	v15 =	vcvt.s32.f32 v15  }
0x1a4: {  	v1 =	vmul.f32 v18, v1;
	v5 =	vadd.f32 v5, v7;
	v7 =	vld.idx.msk [tilespmem:v12+s4+$0x0], $0xffff;
	v12 =	vcvt.s32.f32 v24  }
0x1a5: {  	v2 =	vmul.f32 v26, v2;
	v3 =	vmul.f32 v23, v3;
	v18 =	vshll.u32 v18, $0x10  }
0x1a6: {  	v17 =	vld [tilespmem:s30+$0x8010];
	v23 =	vshll.u32 v23, $0x10;
	v21 =	vmul.f32 $1.000000000e+03, v21;
	v6 =	vsub.f32 v6, v12  }
0x1a7: {  	v24 =	vld [tilespmem:s31+$0x8090];
	[tilespmem:s3+$0xFE90] =	vst v5;
	v5 =	vadd.f32 v1, v10;
	v10 =	vmul.f32 $1.000000000e+03, v14;
	v12 =	vtrunc.f32 v8  }
0x1a8: {  	v2 =	vadd.f32 v2, v11;
	v14 =	vmul.f32 $1.000000000e+03, v29;
	v1 =	vld.idx.msk [tilespmem:v25+s13+$0x0], $0xffff;
	v12 =	vcvt.f32.s32 v12  }
0x1a9: {  	v0 =	vshll.u32 v0, $0x10;
	v11 =	vld.idx.msk [tilespmem:v25+s4+$0x0], $0xffff;
	v52 =	vtrunc.f32 v21;
	[tilespmem:s31+$0xFE90] =	vst v5;
	v5 =	vtrunc.f32 v9  }
0x1aa: {  	v0 =	vadd.f32 $0.0e+00, v0;
	[tilespmem:s30+$0xFE90] =	vst v2;
	v25 =	vtrunc.f32 v14;
	v2 =	vtrunc.f32 v10;
	v29 =	vld.idx.msk [tilespmem:v22+s13+$0x0], $0xffff  }
0x1ab: {  	v3 =	vadd.f32 v3, v7;
	v7 =	vsub.f32 v13, v15;
	v13 =	vcvt.f32.s32 v25;
	v22 =	vld.idx.msk [tilespmem:v22+s4+$0x0], $0xffff  }
0x1ac: {  	v25 =	vshll.u32 v26, $0x10;
	v5 =	vcvt.f32.s32 v5;
	v15 =	vld.idx.msk [tilespmem:v28+s13+$0x0], $0xffff;
	v31 =	vcvt.s32.f32 v12  }
0x1ad: {  	v44 =	vadd.s32 $0x7D2, v12;
	v2 =	vcvt.f32.s32 v2;
	v24 =	vmul.f32 $1.000000000e+03, v24;
	[tilespmem:s29+$0xFE90] =	vst v3;
	v3 =	vld [tilespmem:s3+$0x8010]  }
0x1ae: {  	v26 =	vadd.s32 $0x7D2, v13;
	v8 =	vsub.f32 v8, v31;
	v31 =	vld [tilespmem:s31+$0x8110];
	v7 =	vmul.f32 v1, v7  }
0x1af: {  	v45 =	vcvt.s32.f32 v5;
	v46 =	vadd.s32 $0x7D2, v5;
	v13 =	vcvt.s32.f32 v13;
	v12 =	vld.idx.msk [tilespmem:v30+s13+$0x0], $0xffff  }
0x1b0: {  	v5 =	vadd.f32 v7, v11;
	v11 =	vcvt.s32.f32 v2;
	v4 =	vmul.f32 v29, v4  }
0x1b1: {  	v1 =	vshll.u32 v1, $0x10;
	v33 =	vsub.f32 v9, v45;
	v9 =	vmul.f32 $1.000000000e+03, v17;
	v7 =	vld.idx.msk [tilespmem:v28+s4+$0x0], $0xffff  }
0x1b2: {  	v11 =	vsub.f32 v10, v11;
	v10 =	vmul.f32 v15, v19;
	v4 =	vadd.f32 v4, v22  }
0x1b3: {  	v17 =	vld.idx.msk [tilespmem:v30+s4+$0x0], $0xffff;
	v0 =	vadd.f32 v1, v0;
	v19 =	vmul.f32 $1.000000000e+03, v3;
	v31 =	vmul.f32 $1.000000000e+03, v31  }
0x1b4: {  	v28 =	vadd.s32 $0x7D2, v2;
	v22 =	vtrunc.f32 v16;
	[tilespmem:s31+$0xFF10] =	vst v4;
	v4 =	vmul.f32 v12, v6  }
0x1b5: {  	v55 =	vld [tilespmem:s3+$0x8110];
	v57 =	vshll.u32 v15, $0x10;
	[tilespmem:s3+$0xFF10] =	vst v5;
	v6 =	vtrunc.f32 v19;
	v58 =	vtrunc.f32 v31  }
0x1b6: {  	v2 =	vld.idx.msk [tilespmem:v26+s13+$0x0], $0xffff;
	v7 =	vadd.f32 v10, v7;
	v10 =	vsub.f32 v14, v13;
	v14 =	vcvt.f32.s32 v6  }
0x1b7: {  	v5 =	vadd.f32 $0.0e+00, v18;
	v18 =	vld.idx.msk [tilespmem:v26+s4+$0x0], $0xffff;
	v6 =	vtrunc.f32 v9;
	v13 =	vtrunc.f32 v20  }
0x1b8: {  	v26 =	vld [tilespmem:s29+$0x8110];
	v35 =	vcvt.f32.s32 v58;
	v4 =	vadd.f32 v4, v17;
	v17 =	vcvt.f32.s32 v22  }
0x1b9: {  	v60 =	vld [tilespmem:s30+$0x8210];
	v12 =	vshll.u32 v12, $0x10;
	v36 =	vcvt.f32.s32 v6;
	v13 =	vcvt.f32.s32 v13  }
0x1ba: {  	v3 =	vld.idx.msk [tilespmem:v44+s13+$0x0], $0xffff;
	v48 =	vadd.s32 $0xBBB, v14;
	v14 =	vcvt.s32.f32 v14;
	v62 =	vcvt.s32.f32 v35  }
0x1bb: {  	v22 =	vld.idx.msk [tilespmem:v44+s4+$0x0], $0xffff;
	v35 =	vadd.s32 $0x138D, v35;
	v47 =	vmul.f32 v2, v10;
	v10 =	vadd.f32 $0.0e+00, v25  }
0x1bc: {  	[tilespmem:s30+$0xFF10] =	vst v7;
	v25 =	vld [tilespmem:s3+$0x8090];
	v37 =	vcvt.s32.f32 v17;
	v17 =	vadd.s32 $0xBBB, v17;
	v49 =	vadd.s32 $0xBBB, v36  }
0x1bd: {  	v6 =	vld.idx.msk [tilespmem:v46+s13+$0x0], $0xffff;
	v50 =	vadd.s32 $0xBBB, v13;
	v13 =	vcvt.s32.f32 v13;
	v26 =	vmul.f32 $1.000000000e+03, v26  }
0x1be: {  	v27 =	vld [tilespmem:s29+$0x8090];
	[tilespmem:s29+$0xFF10] =	vst v4;
	v2 =	vshll.u32 v2, $0x10;
	v14 =	vsub.f32 v19, v14;
	v31 =	vsub.f32 v31, v62  }
0x1bf: {  	v34 =	vld.idx.msk [tilespmem:v46+s4+$0x0], $0xffff;
	v0 =	vadd.f32 v2, v0;
	v4 =	vadd.f32 v47, v18;
	v8 =	vmul.f32 v3, v8  }
0x1c0: {  	v7 =	vld.idx.msk [tilespmem:v28+s13+$0x0], $0xffff;
	v18 =	vcvt.s32.f32 v36;
	v16 =	vsub.f32 v16, v37;
	v20 =	vsub.f32 v20, v13  }
0x1c1: {  	v13 =	vadd.f32 $0.0e+00, v23;
	v59 =	vtrunc.f32 v26;
	[tilespmem:s3+$0xFF90] =	vst v4;
	v4 =	vadd.f32 v8, v22;
	v8 =	vld.idx.msk [tilespmem:v28+s4+$0x0], $0xffff  }
0x1c2: {  	v51 =	vsub.f32 v9, v18;
	v9 =	vld.idx.msk [tilespmem:v48+s13+$0x0], $0xffff;
	v22 =	vmul.f32 $1.000000000e+03, v25;
	v23 =	vmul.f32 v6, v33  }
0x1c3: {  	v47 =	vtrunc.f32 v38;
	v10 =	vadd.f32 v57, v10;
	v25 =	vmul.f32 $1.000000000e+03, v27;
	v27 =	vld.idx.msk [tilespmem:v48+s4+$0x0], $0xffff;
	[tilespmem:s31+$0xFF90] =	vst v4  }
0x1c4: {  	v37 =	vcvt.f32.s32 v47;
	v28 =	vtrunc.f32 v22;
	v4 =	vld.idx.msk [tilespmem:v17+s13+$0x0], $0xffff;
	v23 =	vadd.f32 v23, v34  }
0x1c5: {  	v42 =	vld [tilespmem:s31+$0x8210];
	v3 =	vshll.u32 v3, $0x10;
	v11 =	vmul.f32 v7, v11;
	v19 =	vcvt.f32.s32 v28  }
0x1c6: {  	v18 =	vshll.u32 v29, $0x10;
	v17 =	vld.idx.msk [tilespmem:v17+s4+$0x0], $0xffff;
	v28 =	vtrunc.f32 v24;
	[tilespmem:s30+$0xFF90] =	vst v23;
	v23 =	vcvt.f32.s32 v52  }
0x1c7: {  	v30 =	vld [tilespmem:s30+$0x8110];
	v11 =	vadd.f32 v11, v8;
	v14 =	vmul.f32 v9, v14;
	v54 =	vadd.s32 $0xFA4, v19  }
0x1c8: {  	v53 =	vtrunc.f32 v25;
	v28 =	vcvt.f32.s32 v28;
	v8 =	vld.idx.msk [tilespmem:v49+s13+$0x0], $0xffff;
	v40 =	vadd.s32 $0xFA4, v23  }
0x1c9: {  	v32 =	vld.idx.msk [tilespmem:v49+s4+$0x0], $0xffff;
	[tilespmem:s29+$0xFF90] =	vst v11;
	v23 =	vcvt.s32.f32 v23;
	v14 =	vadd.f32 v14, v27;
	v16 =	vmul.f32 v4, v16  }
0x1ca: {  	v34 =	vcvt.f32.s32 v53;
	v27 =	vcvt.s32.f32 v28;
	v28 =	vadd.s32 $0xFA4, v28;
	v11 =	vld.idx.msk [tilespmem:v50+s13+$0x0], $0xffff  }
0x1cb: {  	v21 =	vsub.f32 v21, v23;
	v23 =	vmul.f32 $1.000000000e+03, v55;
	[tilespmem:s3+$0x10010] =	vst v14;
	v16 =	vadd.f32 v16, v17;
	v17 =	vld.idx.msk [tilespmem:v50+s4+$0x0], $0xffff  }
0x1cc: {  	v24 =	vsub.f32 v24, v27;
	v27 =	vmul.f32 $1.000000000e+03, v30;
	v30 =	vcvt.s32.f32 v34;
	v14 =	vld.idx.msk [tilespmem:v54+s13+$0x0], $0xffff  }
0x1cd: {  	s8 =	simm.s32 $0x40;
	v29 =	vld [tilespmem:s30+$0x8190];
	v12 =	vadd.f32 v12, v13;
	v5 =	vadd.f32 v18, v5;
	v19 =	vcvt.s32.f32 v19  }
0x1ce: {  	s9 =	simm.s32 $0x200;
	s15 =	sand.u32 $0x40, s8;
	v56 =	vld.idx.msk [tilespmem:v54+s4+$0x0], $0xffff;
	v25 =	vsub.f32 v25, v30;
	v30 =	vmul.f32 v8, v51;
	[tilespmem:s31+$0x10010] =	vst v16;
	v16 =	vtrunc.f32 v23  }
0x1cf: {  	s11 =	sand.u32 $0xFFFFFC00, s9;
	s16 =	sor.u32 $0x30, s15;
	v19 =	vsub.f32 v22, v19;
	v15 =	vld.idx.msk [tilespmem:v28+s13+$0x0], $0xffff;
	v22 =	vcvt.f32.s32 v16;
	v20 =	vmul.f32 v11, v20  }
0x1d0: {  	s6 =	sor.u32 $0x20, s15;
	s17 =	sor.u32 s11, s16;
	s19 =	sor.u32 $0x10, s15;
	v41 =	vadd.s32 $0xFA4, v34;
	v16 =	vtrunc.f32 v27;
	v28 =	vld.idx.msk [tilespmem:v28+s4+$0x0], $0xffff;
	v30 =	vadd.f32 v30, v32  }
0x1d1: {  	s1 =	sor.u32 s11, s19;
	s0 =	sor.u32 s15, s11;
	s11 =	sor.u32 s11, s6;
	v61 =	vadd.s32 $0x138D, v22;
	v17 =	vadd.f32 v20, v17;
	v20 =	vld [tilespmem:s3+$0x8190];
	v19 =	vmul.f32 v14, v19  }
0x1d2: {  	v36 =	vld [tilespmem:s11+$0x8010];
	v7 =	vshll.u32 v7, $0x10;
	v3 =	vadd.f32 v3, v5;
	[tilespmem:s30+$0x10010] =	vst v30;
	v30 =	vcvt.f32.s32 v16  }
0x1d3: {  	v29 =	vmul.f32 $1.000000000e+03, v29;
	v9 =	vshll.u32 v9, $0x10;
	v16 =	vld.idx.msk [tilespmem:v40+s13+$0x0], $0xffff;
	v19 =	vadd.f32 v19, v56  }
0x1d4: {  	v40 =	vld.idx.msk [tilespmem:v40+s4+$0x0], $0xffff;
	[tilespmem:s29+$0x10010] =	vst v17;
	v43 =	vadd.s32 $0x138D, v30;
	v24 =	vmul.f32 v15, v24;
	v30 =	vcvt.s32.f32 v30  }
0x1d5: {  	v0 =	vadd.f32 v9, v0;
	v32 =	vcvt.f32.s32 v59;
	v22 =	vcvt.s32.f32 v22;
	v17 =	vld.idx.msk [tilespmem:v41+s13+$0x0], $0xffff;
	[tilespmem:s3+$0x10090] =	vst v19  }
0x1d6: {  	v24 =	vadd.f32 v24, v28;
	v27 =	vsub.f32 v27, v30;
	v30 =	vmul.f32 $1.000000000e+03, v20;
	v28 =	vld.idx.msk [tilespmem:v61+s13+$0x0], $0xffff  }
0x1d7: {  	v11 =	vshll.u32 v11, $0x10;
	v5 =	vshll.u32 v14, $0x10;
	v19 =	vcvt.s32.f32 v32;
	v20 =	vld.idx.msk [tilespmem:v41+s4+$0x0], $0xffff  }
0x1d8: {  	v22 =	vsub.f32 v23, v22;
	v0 =	vadd.f32 v5, v0;
	v46 =	vld.idx.msk [tilespmem:v61+s4+$0x0], $0xffff;
	[tilespmem:s31+$0x10090] =	vst v24;
	v24 =	vtrunc.f32 v30  }
0x1d9: {  	v26 =	vsub.f32 v26, v19;
	v21 =	vmul.f32 v16, v21;
	v19 =	vld.idx.msk [tilespmem:v35+s13+$0x0], $0xffff;
	v23 =	vcvt.f32.s32 v24  }
0x1da: {  	v49 =	vld [tilespmem:s3+$0x8210];
	v5 =	vadd.f32 v7, v12;
	v24 =	vtrunc.f32 v29;
	v25 =	vmul.f32 v17, v25  }
0x1db: {  	v35 =	vld.idx.msk [tilespmem:v35+s4+$0x0], $0xffff;
	v21 =	vadd.f32 v21, v40;
	v48 =	vadd.s32 $0x1776, v23;
	v22 =	vmul.f32 v28, v22  }
0x1dc: {  	v50 =	vld [tilespmem:s29+$0x8210];
	v44 =	vadd.s32 $0x138D, v32;
	v5 =	vadd.f32 v11, v5;
	v24 =	vcvt.f32.s32 v24  }
0x1dd: {  	v11 =	vshll.u32 v15, $0x10;
	v15 =	vld [tilespmem:s0+$0x7E90];
	v25 =	vadd.f32 v25, v20;
	[tilespmem:s30+$0x10090] =	vst v21;
	v22 =	vadd.f32 v22, v46  }
0x1de: {  	v45 =	vadd.s32 $0x1776, v24;
	v24 =	vcvt.s32.f32 v24;
	v52 =	vld.idx.msk [tilespmem:v43+s13+$0x0], $0xffff;
	v31 =	vmul.f32 v19, v31  }
0x1df: {  	v6 =	vshll.u32 v6, $0x10;
	v36 =	vmul.f32 $1.000000000e+03, v36;
	v53 =	vmul.f32 $1.000000000e+03, v60;
	v43 =	vld.idx.msk [tilespmem:v43+s4+$0x0], $0xffff;
	[tilespmem:s3+$0x10110] =	vst v22  }
0x1e0: {  	[tilespmem:s29+$0x10090] =	vst v25;
	v24 =	vsub.f32 v29, v24;
	v29 =	vmul.f32 $1.000000000e+03, v49;
	v31 =	vadd.f32 v31, v35;
	v54 =	vld.idx.msk [tilespmem:v48+s13+$0x0], $0xffff  }
0x1e1: {  	v6 =	vadd.f32 v6, v10;
	v51 =	vcvt.s32.f32 v37;
	v23 =	vcvt.s32.f32 v23;
	v46 =	vld.idx.msk [tilespmem:v44+s13+$0x0], $0xffff  }
0x1e2: {  	v37 =	vadd.s32 $0x1776, v37;
	v56 =	vmul.f32 $1.000000000e+03, v50;
	v18 =	vld.idx.msk [tilespmem:v48+s4+$0x0], $0xffff;
	[tilespmem:s31+$0x10110] =	vst v31;
	v31 =	vtrunc.f32 v29  }
0x1e3: {  	v23 =	vsub.f32 v30, v23;
	v55 =	vld.idx.msk [tilespmem:v44+s4+$0x0], $0xffff;
	v27 =	vmul.f32 v52, v27;
	v30 =	vcvt.f32.s32 v31  }
0x1e4: {  	v4 =	vshll.u32 v4, $0x10;
	v2 =	vtrunc.f32 v56;
	v41 =	vld [tilespmem:s11+$0x8090];
	v21 =	vcvt.f32.s32 v39  }
0x1e5: {  	v44 =	vld [tilespmem:s0+$0x8090];
	v27 =	vadd.f32 v27, v43;
	v58 =	vadd.s32 $0x1B5F, v30;
	v23 =	vmul.f32 v54, v23  }
0x1e6: {  	v25 =	vadd.s32 $0x1776, v21;
	v22 =	vsub.f32 v38, v51;
	v38 =	vld [tilespmem:s1+$0x8090];
	v26 =	vmul.f32 v46, v26  }
0x1e7: {  	v2 =	vcvt.f32.s32 v2;
	v17 =	vshll.u32 v17, $0x10;
	v57 =	vld.idx.msk [tilespmem:v37+s13+$0x0], $0xffff;
	[tilespmem:s30+$0x10110] =	vst v27;
	v1 =	vadd.f32 v23, v18  }
0x1e8: {  	v16 =	vshll.u32 v16, $0x10;
	v5 =	vadd.f32 v17, v5;
	v13 =	vadd.f32 v26, v55;
	v26 =	vld.idx.msk [tilespmem:v45+s13+$0x0], $0xffff  }
0x1e9: {  	v15 =	vmul.f32 $1.000000000e+03, v15;
	v7 =	vshll.u32 v28, $0x10;
	v21 =	vcvt.s32.f32 v21;
	v18 =	vld.idx.msk [tilespmem:v45+s4+$0x0], $0xffff;
	[tilespmem:s3+$0x10190] =	vst v1  }
0x1ea: {  	v20 =	vmul.f32 $1.000000000e+03, v42;
	v41 =	vmul.f32 $1.000000000e+03, v41;
	v0 =	vadd.f32 v7, v0;
	[tilespmem:s29+$0x10110] =	vst v13;
	v27 =	vld.idx.msk [tilespmem:v58+s13+$0x0], $0xffff  }
0x1eb: {  	v17 =	vshll.u32 v19, $0x10;
	v21 =	vsub.f32 v63, v21;
	v9 =	vcvt.s32.f32 v30;
	v23 =	vld.idx.msk [tilespmem:v25+s13+$0x0], $0xffff  }
0x1ec: {  	v19 =	vshll.u32 v52, $0x10;
	v43 =	vmul.f32 $1.000000000e+03, v44;
	v38 =	vmul.f32 $1.000000000e+03, v38;
	v10 =	vld.idx.msk [tilespmem:v58+s4+$0x0], $0xffff  }
0x1ed: {  	v7 =	vshll.u32 v54, $0x10;
	v9 =	vsub.f32 v29, v9;
	v14 =	vmul.f32 v26, v24  }
0x1ee: {  	v0 =	vadd.f32 v7, v0;
	v13 =	vmul.f32 v57, v22;
	v22 =	vtrunc.f32 v20;
	v25 =	vld.idx.msk [tilespmem:v25+s4+$0x0], $0xffff  }
0x1ef: {  	v1 =	vtrunc.f32 v53;
	v12 =	vadd.f32 v14, v18;
	v14 =	vmul.f32 v27, v9  }
0x1f0: {  	v22 =	vcvt.f32.s32 v22;
	v1 =	vcvt.f32.s32 v1;
	v24 =	vshll.u32 v57, $0x10  }
0x1f1: {  	v21 =	vmul.f32 v23, v21;
	v7 =	vshll.u32 v27, $0x10;
	v14 =	vadd.f32 v14, v10  }
0x1f2: {  	v18 =	vshll.u32 v8, $0x10;
	v10 =	vadd.f32 v7, v0;
	v0 =	vadd.f32 v4, v3  }
0x1f3: {  	v9 =	vadd.f32 v21, v25;
	v21 =	vshll.u32 v46, $0x10;
	v3 =	vadd.f32 v18, v6;
	v4 =	vld [tilespmem:s17+$0x7E90]  }
0x1f4: {  	v8 =	vadd.s32 $0x1B5F, v22;
	v21 =	vadd.f32 v21, v5;
	v0 =	vadd.f32 v11, v0;
	v11 =	vld [tilespmem:s1+$0x7E90]  }
0x1f5: {  	v5 =	vtrunc.f32 v15;
	v7 =	vadd.s32 $0x1B5F, v1;
	v3 =	vadd.f32 v16, v3;
	v16 =	vld [tilespmem:s11+$0x7E90]  }
0x1f6: {  	v6 =	vadd.s32 $0x1B5F, v2;
	v18 =	vcvt.s32.f32 v22;
	v22 =	vld [tilespmem:s0+$0x7F10];
	v29 =	vcvt.f32.s32 v5  }
0x1f7: {  	v1 =	vcvt.s32.f32 v1;
	v2 =	vcvt.s32.f32 v2;
	v3 =	vadd.f32 v19, v3;
	v19 =	vld [tilespmem:s1+$0x7F10]  }
0x1f8: {  	v17 =	vadd.f32 v17, v0;
	v0 =	vsub.f32 v20, v18;
	v18 =	vld [tilespmem:s11+$0x7F10];
	v25 =	vmul.f32 $1.000000000e+03, v4  }
0x1f9: {  	v61 =	vcvt.s32.f32 v29;
	v20 =	vshll.u32 v26, $0x10;
	v26 =	vld [tilespmem:s0+$0x7F90];
	v11 =	vmul.f32 $1.000000000e+03, v11  }
0x1fa: {  	v30 =	vld [tilespmem:s17+$0x7F10];
	v5 =	vsub.f32 v56, v2;
	v4 =	vtrunc.f32 v25;
	v16 =	vmul.f32 $1.000000000e+03, v16  }
0x1fb: {  	v31 =	vld.idx.msk [tilespmem:v37+s4+$0x0], $0xffff;
	v2 =	vadd.f32 v24, v17;
	v17 =	vmul.f32 $1.000000000e+03, v22;
	v28 =	vcvt.f32.s32 v4  }
0x1fc: {  	v63 =	vld.idx.msk [tilespmem:v29+s13+$0x0], $0xffff;
	v4 =	vsub.f32 v53, v1;
	v1 =	vtrunc.f32 v11;
	v59 =	vtrunc.f32 v16  }
0x1fd: {  	v23 =	vshll.u32 v23, $0x10;
	v22 =	vld [tilespmem:s1+$0x8010];
	v19 =	vmul.f32 $1.000000000e+03, v19;
	v18 =	vmul.f32 $1.000000000e+03, v18  }
0x1fe: {  	v15 =	vsub.f32 v15, v61;
	v26 =	vmul.f32 $1.000000000e+03, v26;
	v60 =	vcvt.f32.s32 v1  }
0x1ff: {  	v56 =	vld [tilespmem:s17+$0x7F90];
	v32 =	vcvt.f32.s32 v59;
	v1 =	vadd.f32 v23, v21;
	v23 =	vmul.f32 $1.000000000e+03, v30  }
0x200: {  	v29 =	vld.idx.msk [tilespmem:v29+s4+$0x0], $0xffff;
	v30 =	vtrunc.f32 v17;
	v62 =	vcvt.s32.f32 v28  }
0x201: {  	v50 =	vtrunc.f32 v18;
	v15 =	vmul.f32 v63, v15  }
0x202: {  	v13 =	vadd.f32 v13, v31;
	v22 =	vmul.f32 $1.000000000e+03, v22;
	v24 =	vcvt.s32.f32 v60  }
0x203: {  	v31 =	vld [tilespmem:s11+$0x7F90];
	v3 =	vadd.f32 v20, v3;
	v20 =	vcvt.s32.f32 v32;
	v48 =	vtrunc.f32 v23  }
0x204: {  	v25 =	vsub.f32 v25, v62;
	v52 =	vcvt.f32.s32 v50;
	v50 =	vld [tilespmem:s17+$0x8090];
	v51 =	vcvt.f32.s32 v48  }
0x205: {  	v15 =	vadd.f32 v15, v29;
	v29 =	vmul.f32 $1.000000000e+03, v56;
	v21 =	vld.idx.msk [tilespmem:v28+s13+$0x0], $0xffff;
	v11 =	vsub.f32 v11, v24  }
0x206: {  	v48 =	vld [tilespmem:s0+$0x8110];
	v24 =	vtrunc.f32 v19;
	v16 =	vsub.f32 v16, v20;
	v20 =	vcvt.f32.s32 v30  }
0x207: {  	v28 =	vld.idx.msk [tilespmem:v28+s4+$0x0], $0xffff;
	v57 =	vadd.s32 $0x3E9, v52;
	v62 =	vcvt.s32.f32 v52;
	v24 =	vcvt.f32.s32 v24  }
0x208: {  	v27 =	vld [tilespmem:s1+$0x7F90];
	v53 =	vadd.s32 $0x3E9, v51;
	v35 =	vcvt.s32.f32 v51;
	v54 =	vcvt.s32.f32 v20  }
0x209: {  	v30 =	vld.idx.msk [tilespmem:v32+s13+$0x0], $0xffff;
	v20 =	vadd.s32 $0x3E9, v20;
	v33 =	vsub.f32 v18, v62;
	v18 =	vtrunc.f32 v26  }
0x20a: {  	v49 =	vld.idx.msk [tilespmem:v60+s13+$0x0], $0xffff;
	v55 =	vadd.s32 $0x3E9, v24;
	v24 =	vcvt.s32.f32 v24;
	v25 =	vmul.f32 v21, v25  }
0x20b: {  	v32 =	vld.idx.msk [tilespmem:v32+s4+$0x0], $0xffff;
	v23 =	vsub.f32 v23, v35;
	v18 =	vcvt.f32.s32 v18;
	v44 =	vmul.f32 $1.000000000e+03, v50  }
0x20c: {  	v17 =	vsub.f32 v17, v54;
	v48 =	vmul.f32 $1.000000000e+03, v48;
	v25 =	vadd.f32 v25, v28;
	v28 =	vld.idx.msk [tilespmem:v60+s4+$0x0], $0xffff  }
0x20d: {  	v47 =	vld [tilespmem:s17+$0x8010];
	[tilespmem:s0+$0xFE90] =	vst v15;
	v19 =	vsub.f32 v19, v24;
	v61 =	vadd.s32 $0x7D2, v18;
	v21 =	vshll.u32 v21, $0x10  }
0x20e: {  	v21 =	vadd.f32 $0.0e+00, v21;
	v16 =	vmul.f32 v30, v16;
	v40 =	vld.idx.msk [tilespmem:v20+s13+$0x0], $0xffff;
	[tilespmem:s17+$0xFE90] =	vst v25;
	v25 =	vmul.f32 $1.000000000e+03, v27  }
0x20f: {  	v34 =	vld [tilespmem:s0+$0x8010];
	v11 =	vmul.f32 v49, v11;
	v52 =	vshll.u32 v49, $0x10;
	v27 =	vmul.f32 $1.000000000e+03, v31  }
0x210: {  	v60 =	vcvt.s32.f32 v18;
	v16 =	vadd.f32 v16, v32;
	v24 =	vld.idx.msk [tilespmem:v53+s13+$0x0], $0xffff;
	v15 =	vtrunc.f32 v25  }
0x211: {  	v20 =	vld.idx.msk [tilespmem:v20+s4+$0x0], $0xffff;
	v58 =	vtrunc.f32 v27;
	v11 =	vadd.f32 v11, v28;
	v28 =	vtrunc.f32 v29  }
0x212: {  	v31 =	vshll.u32 v63, $0x10;
	v63 =	vld.idx.msk [tilespmem:v53+s4+$0x0], $0xffff;
	[tilespmem:s11+$0xFE90] =	vst v16;
	v15 =	vcvt.f32.s32 v15;
	v35 =	vcvt.f32.s32 v58  }
0x213: {  	v30 =	vshll.u32 v30, $0x10;
	v18 =	vld.idx.msk [tilespmem:v57+s13+$0x0], $0xffff;
	v17 =	vmul.f32 v40, v17;
	v28 =	vcvt.f32.s32 v28  }
0x214: {  	v62 =	vsub.f32 v26, v60;
	v53 =	vld.idx.msk [tilespmem:v57+s4+$0x0], $0xffff;
	v57 =	vtrunc.f32 v22;
	v58 =	vtrunc.f32 v36  }
0x215: {  	v16 =	vcvt.s32.f32 v15;
	v23 =	vmul.f32 v24, v23;
	v59 =	vadd.s32 $0x7D2, v28  }
0x216: {  	v45 =	vld [tilespmem:s1+$0x8110];
	[tilespmem:s1+$0xFE90] =	vst v11;
	v15 =	vadd.s32 $0x7D2, v15;
	v26 =	vcvt.s32.f32 v35;
	v17 =	vadd.f32 v17, v20  }
0x217: {  	v35 =	vadd.s32 $0x7D2, v35;
	v20 =	vmul.f32 $1.000000000e+03, v47;
	v11 =	vld.idx.msk [tilespmem:v55+s13+$0x0], $0xffff;
	v23 =	vadd.f32 v23, v63  }
0x218: {  	v42 =	vld.idx.msk [tilespmem:v55+s4+$0x0], $0xffff;
	v24 =	vshll.u32 v24, $0x10;
	v16 =	vsub.f32 v25, v16;
	v25 =	vadd.f32 $0.0e+00, v31;
	[tilespmem:s0+$0xFF10] =	vst v17  }
0x219: {  	v55 =	vtrunc.f32 v20;
	v17 =	vld [tilespmem:s11+$0x8110];
	v21 =	vadd.f32 v24, v21;
	v63 =	vmul.f32 $1.000000000e+03, v34;
	[tilespmem:s17+$0xFF10] =	vst v23  }
0x21a: {  	v31 =	vmul.f32 v18, v33;
	v56 =	vcvt.f32.s32 v55;
	v23 =	vsub.f32 v27, v26;
	v27 =	vld.idx.msk [tilespmem:v59+s13+$0x0], $0xffff  }
0x21b: {  	v46 =	vld.idx.msk [tilespmem:v61+s4+$0x0], $0xffff;
	v34 =	vadd.f32 $0.0e+00, v52;
	v54 =	vtrunc.f32 v63;
	v26 =	vcvt.s32.f32 v28  }
0x21c: {  	v31 =	vadd.f32 v31, v53;
	v19 =	vmul.f32 v11, v19;
	v28 =	vld.idx.msk [tilespmem:v59+s4+$0x0], $0xffff;
	v47 =	vcvt.f32.s32 v54  }
0x21d: {  	v59 =	vcvt.f32.s32 v57;
	v29 =	vsub.f32 v29, v26;
	v26 =	vld.idx.msk [tilespmem:v61+s13+$0x0], $0xffff;
	v61 =	vtrunc.f32 v44  }
0x21e: {  	v51 =	vld [tilespmem:s0+$0x8190];
	v17 =	vmul.f32 $1.000000000e+03, v17;
	v19 =	vadd.f32 v19, v42;
	v42 =	vcvt.f32.s32 v58  }
0x21f: {  	v50 =	vld [tilespmem:s1+$0x8210];
	v49 =	vadd.s32 $0xBBB, v56;
	[tilespmem:s11+$0xFF10] =	vst v31;
	v39 =	vcvt.f32.s32 v61;
	v29 =	vmul.f32 v27, v29  }
0x220: {  	v52 =	vadd.s32 $0xBBB, v59;
	v33 =	vld.idx.msk [tilespmem:v35+s13+$0x0], $0xffff;
	v61 =	vtrunc.f32 v48;
	[tilespmem:s1+$0xFF10] =	vst v19;
	v19 =	vcvt.s32.f32 v47  }
0x221: {  	v47 =	vadd.s32 $0xBBB, v47;
	v53 =	vadd.s32 $0xBBB, v42;
	v31 =	vld.idx.msk [tilespmem:v15+s13+$0x0], $0xffff;
	v28 =	vadd.f32 v29, v28  }
0x222: {  	[tilespmem:s31+$0x10190] =	vst v13;
	v54 =	vld [tilespmem:s11+$0x8190];
	v42 =	vcvt.s32.f32 v42;
	v57 =	vadd.s32 $0xFA4, v39;
	v37 =	vmul.f32 v26, v62  }
0x223: {  	v15 =	vld.idx.msk [tilespmem:v15+s4+$0x0], $0xffff;
	v13 =	vshll.u32 v27, $0x10;
	v19 =	vsub.f32 v63, v19;
	v29 =	vcvt.s32.f32 v59;
	[tilespmem:s17+$0xFF90] =	vst v28  }
0x224: {  	v42 =	vsub.f32 v36, v42;
	v63 =	vtrunc.f32 v41;
	v28 =	vadd.f32 v37, v46;
	v32 =	vld.idx.msk [tilespmem:v49+s13+$0x0], $0xffff  }
0x225: {  	v22 =	vsub.f32 v22, v29;
	v29 =	vld.idx.msk [tilespmem:v35+s4+$0x0], $0xffff;
	v35 =	vadd.f32 $0.0e+00, v30;
	v30 =	vcvt.s32.f32 v56  }
0x226: {  	v23 =	vmul.f32 v33, v23;
	v33 =	vshll.u32 v33, $0x10;
	v60 =	vld.idx.msk [tilespmem:v49+s4+$0x0], $0xffff;
	v16 =	vmul.f32 v31, v16;
	[tilespmem:s0+$0xFF90] =	vst v28  }
0x227: {  	v49 =	vcvt.f32.s32 v61;
	v20 =	vsub.f32 v20, v30;
	v30 =	vtrunc.f32 v43;
	v28 =	vld.idx.msk [tilespmem:v47+s13+$0x0], $0xffff  }
0x228: {  	v58 =	vld [tilespmem:s17+$0x8110];
	v15 =	vadd.f32 v16, v15;
	v16 =	vtrunc.f32 v38;
	v30 =	vcvt.f32.s32 v30  }
0x229: {  	v37 =	vshll.u32 v40, $0x10;
	v62 =	vld.idx.msk [tilespmem:v47+s4+$0x0], $0xffff;
	v16 =	vcvt.f32.s32 v16;
	v20 =	vmul.f32 v32, v20  }
0x22a: {  	v61 =	vld [tilespmem:s17+$0x8190];
	v47 =	vmul.f32 $1.000000000e+03, v51;
	v23 =	vadd.f32 v23, v29;
	[tilespmem:s1+$0xFF90] =	vst v15;
	v15 =	vcvt.f32.s32 v63  }
0x22b: {  	v59 =	vcvt.s32.f32 v30;
	v29 =	vld.idx.msk [tilespmem:v52+s13+$0x0], $0xffff;
	v55 =	vadd.s32 $0xFA4, v16;
	v20 =	vadd.f32 v20, v60  }
0x22c: {  	v52 =	vld.idx.msk [tilespmem:v52+s4+$0x0], $0xffff;
	v16 =	vcvt.s32.f32 v16;
	[tilespmem:s11+$0xFF90] =	vst v23;
	v60 =	vadd.s32 $0xFA4, v30;
	v19 =	vmul.f32 v28, v19  }
0x22d: {  	v23 =	vadd.s32 $0xFA4, v15;
	v15 =	vcvt.s32.f32 v15;
	v30 =	vld.idx.msk [tilespmem:v53+s13+$0x0], $0xffff;
	[tilespmem:s17+$0x10010] =	vst v20;
	v20 =	vsub.f32 v43, v59  }
0x22e: {  	v43 =	vmul.f32 $1.000000000e+03, v45;
	v19 =	vadd.f32 v19, v62;
	v45 =	vmul.f32 $1.000000000e+03, v58;
	v36 =	vld.idx.msk [tilespmem:v57+s13+$0x0], $0xffff  }
0x22f: {  	v38 =	vsub.f32 v38, v16;
	v16 =	vld.idx.msk [tilespmem:v53+s4+$0x0], $0xffff;
	v41 =	vsub.f32 v41, v15;
	v15 =	vcvt.s32.f32 v39  }
0x230: {  	v46 =	vshll.u32 v11, $0x10;
	v39 =	vld.idx.msk [tilespmem:v57+s4+$0x0], $0xffff;
	[tilespmem:s0+$0x10010] =	vst v19;
	v19 =	vmul.f32 v29, v22;
	v22 =	vtrunc.f32 v45  }
0x231: {  	v51 =	vmul.f32 $1.000000000e+03, v54;
	v15 =	vsub.f32 v44, v15;
	v11 =	vld.idx.msk [tilespmem:v60+s13+$0x0], $0xffff;
	v22 =	vcvt.f32.s32 v22  }
0x232: {  	v40 =	vld [tilespmem:s1+$0x8190];
	v54 =	vshll.u32 v18, $0x10;
	v42 =	vmul.f32 v30, v42;
	v19 =	vadd.f32 v19, v52  }
0x233: {  	v63 =	vtrunc.f32 v17;
	v44 =	vld.idx.msk [tilespmem:v60+s4+$0x0], $0xffff;
	v56 =	vadd.s32 $0x138D, v22;
	v60 =	vmul.f32 v36, v15  }
0x234: {  	v62 =	vtrunc.f32 v43;
	v52 =	vld [tilespmem:s0+$0x8210];
	v16 =	vadd.f32 v42, v16;
	v42 =	vmul.f32 $1.000000000e+03, v61;
	[tilespmem:s1+$0x10010] =	vst v19  }
0x235: {  	v19 =	vcvt.f32.s32 v62;
	v62 =	vcvt.f32.s32 v63;
	v15 =	vld.idx.msk [tilespmem:v55+s13+$0x0], $0xffff;
	v39 =	vadd.f32 v60, v39  }
0x236: {  	v63 =	vcvt.s32.f32 v49;
	v49 =	vadd.s32 $0x138D, v49;
	v55 =	vld.idx.msk [tilespmem:v55+s4+$0x0], $0xffff;
	[tilespmem:s11+$0x10010] =	vst v16;
	v20 =	vmul.f32 v11, v20  }
0x237: {  	v22 =	vcvt.s32.f32 v22;
	v57 =	vadd.s32 $0x138D, v19;
	v19 =	vcvt.s32.f32 v19;
	v16 =	vld.idx.msk [tilespmem:v23+s13+$0x0], $0xffff;
	[tilespmem:s17+$0x10090] =	vst v39  }
0x238: {  	v61 =	vtrunc.f32 v47;
	v20 =	vadd.f32 v20, v44;
	v44 =	vsub.f32 v48, v63;
	v48 =	vld.idx.msk [tilespmem:v56+s13+$0x0], $0xffff  }
0x239: {  	v22 =	vsub.f32 v45, v22;
	v60 =	vcvt.s32.f32 v62;
	v43 =	vsub.f32 v43, v19;
	v19 =	vld.idx.msk [tilespmem:v23+s4+$0x0], $0xffff  }
0x23a: {  	v58 =	vadd.s32 $0x138D, v62;
	v23 =	vtrunc.f32 v42;
	v53 =	vld.idx.msk [tilespmem:v56+s4+$0x0], $0xffff;
	[tilespmem:s0+$0x10090] =	vst v20;
	v20 =	vmul.f32 v15, v38  }
0x23b: {  	v39 =	vmul.f32 $1.000000000e+03, v40;
	v45 =	vcvt.f32.s32 v23;
	v38 =	vsub.f32 v17, v60;
	v17 =	vld.idx.msk [tilespmem:v49+s13+$0x0], $0xffff  }
0x23c: {  	v40 =	vcvt.f32.s32 v61;
	v56 =	vld [tilespmem:s17+$0x8210];
	v18 =	vmul.f32 v16, v41;
	v20 =	vadd.f32 v20, v55  }
0x23d: {  	v23 =	vtrunc.f32 v39;
	v49 =	vld.idx.msk [tilespmem:v49+s4+$0x0], $0xffff;
	v55 =	vadd.s32 $0x1776, v45;
	v22 =	vmul.f32 v48, v22  }
0x23e: {  	v59 =	vcvt.s32.f32 v40;
	v41 =	vtrunc.f32 v51;
	v18 =	vadd.f32 v18, v19;
	[tilespmem:s1+$0x10090] =	vst v20  }
0x23f: {  	v23 =	vcvt.f32.s32 v23;
	v41 =	vcvt.f32.s32 v41;
	v19 =	vld.idx.msk [tilespmem:v57+s13+$0x0], $0xffff;
	v22 =	vadd.f32 v22, v53  }
0x240: {  	v40 =	vadd.s32 $0x1776, v40;
	[tilespmem:s11+$0x10090] =	vst v18;
	v18 =	vmul.f32 $1.000000000e+03, v52;
	v52 =	vld.idx.msk [tilespmem:v57+s4+$0x0], $0xffff;
	v20 =	vmul.f32 v17, v44  }
0x241: {  	v45 =	vcvt.s32.f32 v45;
	v62 =	vcvt.s32.f32 v23;
	v57 =	vadd.s32 $0x1776, v23;
	v23 =	vld.idx.msk [tilespmem:v58+s13+$0x0], $0xffff;
	[tilespmem:s17+$0x10110] =	vst v22  }
0x242: {  	v61 =	vmul.f32 $1.000000000e+03, v56;
	v49 =	vadd.f32 v20, v49;
	v20 =	vmul.f32 $1.000000000e+03, v50;
	v50 =	vld.idx.msk [tilespmem:v55+s13+$0x0], $0xffff  }
0x243: {  	v37 =	vadd.f32 v37, v25;
	v63 =	vcvt.s32.f32 v41;
	v39 =	vsub.f32 v39, v62;
	v62 =	vld.idx.msk [tilespmem:v58+s4+$0x0], $0xffff  }
0x244: {  	v42 =	vsub.f32 v42, v45;
	v25 =	vtrunc.f32 v61;
	v55 =	vld.idx.msk [tilespmem:v55+s4+$0x0], $0xffff;
	v43 =	vmul.f32 v19, v43  }
0x245: {  	v44 =	vsub.f32 v47, v59;
	v47 =	vsub.f32 v51, v63;
	v63 =	vcvt.f32.s32 v25  }
0x246: {  	v60 =	vld [tilespmem:s11+$0x8210];
	v41 =	vadd.s32 $0x1776, v41;
	[tilespmem:s0+$0x10110] =	vst v49;
	v38 =	vmul.f32 v23, v38;
	v43 =	vadd.f32 v43, v52  }
0x247: {  	[tilespmem:s30+$0x10190] =	vst v12;
	v34 =	vadd.f32 v46, v34;
	v25 =	vld.idx.msk [tilespmem:v40+s13+$0x0], $0xffff;
	v52 =	vadd.s32 $0x1B5F, v63;
	v42 =	vmul.f32 v50, v42  }
0x248: {  	v31 =	vshll.u32 v31, $0x10;
	v35 =	vadd.f32 v54, v35;
	v40 =	vld.idx.msk [tilespmem:v40+s4+$0x0], $0xffff;
	v38 =	vadd.f32 v38, v62;
	[tilespmem:s1+$0x10110] =	vst v43  }
0x249: {  	[tilespmem:s29+$0x10190] =	vst v9;
	v31 =	vadd.f32 v31, v34;
	v53 =	vshll.u32 v26, $0x10;
	v26 =	vld.idx.msk [tilespmem:v57+s13+$0x0], $0xffff;
	v24 =	vadd.f32 v42, v55  }
0x24a: {  	v21 =	vadd.f32 v13, v21;
	v35 =	vadd.f32 v33, v35;
	v29 =	vshll.u32 v29, $0x10;
	v27 =	vld.idx.msk [tilespmem:v57+s4+$0x0], $0xffff;
	[tilespmem:s11+$0x10110] =	vst v38  }
0x24b: {  	s20 =	simm.s32 $0x0;
	v29 =	vadd.f32 v29, v31;
	v12 =	vshll.u32 v36, $0x10;
	v13 =	vld.idx.msk [tilespmem:v41+s13+$0x0], $0xffff;
	[tilespmem:s17+$0x10190] =	vst v24;
	v24 =	vshll.u32 v32, $0x10  }
0x24c: {  	s2 =	sand.u32 $0x3FFFFF80, s20;
	[tilespmem:s3+$0x10210] =	vst v14;
	v9 =	vshll.u32 v48, $0x10;
	v22 =	vmul.f32 $1.000000000e+03, v60;
	v14 =	vld.idx.msk [tilespmem:v52+s13+$0x0], $0xffff;
	v21 =	vadd.f32 v24, v21  }
0x24d: {  	s2 =	sadd.s32 $0x14690, s2;
	v37 =	vadd.f32 v53, v37;
	v56 =	vtrunc.f32 v20;
	v58 =	vld.idx.msk [tilespmem:v41+s4+$0x0], $0xffff;
	v24 =	vcvt.s32.f32 v63  }
0x24e: {  	s3 =	sadd.s32 s23, s2;
	v33 =	vcvt.f32.s32 v56;
	v54 =	vmul.f32 v25, v44;
	v59 =	vld.idx.msk [tilespmem:v52+s4+$0x0], $0xffff;
	v21 =	vadd.f32 v12, v21  }
0x24f: {  	[tilespmem:s3+$0x0] =	vst v10;
	v10 =	vshll.u32 v50, $0x10;
	v60 =	vmul.f32 v26, v39;
	v61 =	vsub.f32 v61, v24  }
0x250: {  	v38 =	vadd.f32 v54, v40;
	v12 =	vld.idx.msk [tilespmem:v8+s13+$0x0], $0xffff;
	v62 =	vmul.f32 v13, v47;
	v21 =	vadd.f32 v9, v21  }
0x251: {  	s9 =	sshll.u32 s28, $0x4;
	v57 =	vtrunc.f32 v22;
	v24 =	vld.idx.msk [tilespmem:v7+s13+$0x0], $0xffff;
	v27 =	vadd.f32 v60, v27;
	v39 =	vmul.f32 v14, v61  }
0x252: {  	s12 =	sadd.s32 s5, s9;
	s23 =	simm.s32 $0x40;
	v55 =	vtrunc.f32 v18;
	[tilespmem:s0+$0x10190] =	vst v38;
	v9 =	vld.idx.msk [tilespmem:v6+s13+$0x0], $0xffff;
	v63 =	vadd.f32 v62, v58;
	v21 =	vadd.f32 v10, v21  }
0x253: {  	s25 =	sor.u32 s21, s2;
	s10 =	sadd.s32 s22, s2;
	s3 =	sand.u32 $0x3FFFFF80, s23;
	v32 =	vcvt.f32.s32 v55;
	[tilespmem:s1+$0x10190] =	vst v27;
	v27 =	vshll.u32 v14, $0x10;
	v14 =	vld.idx.msk [tilespmem:v7+s4+$0x0], $0xffff;
	v36 =	vadd.f32 v39, v59  }
0x254: {  	s21 =	sor.u32 s7, s2;
	s22 =	simm.s32 $0x4;
	s23 =	sadd.s32 $0x14690, s3;
	v34 =	vcvt.f32.s32 v57;
	v10 =	vld.idx.msk [tilespmem:v8+s4+$0x0], $0xffff;
	v8 =	vshll.u32 v28, $0x10;
	[tilespmem:s11+$0x10190] =	vst v63;
	v21 =	vadd.f32 v27, v21  }
0x255: {  	s20 =	sor.u32 s15, s23;
	s28 =	sadd.s32 s19, s23;
	s2 =	sadd.s32 s16, s23;
	v7 =	vshll.u32 v30, $0x10;
	v28 =	vld.idx.msk [tilespmem:v6+s4+$0x0], $0xffff;
	v6 =	vadd.s32 $0x1B5F, v32;
	v27 =	vadd.f32 v8, v37;
	[tilespmem:s17+$0x10210] =	vst v36  }
.LBB2_5:
0x256: {  	s22 =	sadd.s32 $0x4, s22;
	v8 =	vadd.s32 $0x1B5F, v33;
	v30 =	vadd.f32 v7, v35;
	v7 =	vadd.s32 $0x1B5F, v34;
	s23 =	sor.u32 s6, s23;
	[tilespmem:s2+$0x0] =	vst v21;
	s8 =	sadd.s32 $0x40, s8  }
0x257: {  	v11 =	vshll.u32 v11, $0x10;
	v15 =	vshll.u32 v15, $0x10;
	v16 =	vshll.u32 v16, $0x10;
	s15 =	sand.u32 $0x40, s8;
	s2 =	sshll.u32 s22, $0x7;
	p0 =	slt.u32 s22, $0x7C  }
0x258: {  	v21 =	vcvt.s32.f32 v32;
	v11 =	vadd.f32 v11, v27;
	v15 =	vadd.f32 v15, v29;
	s2 =	sand.u32 $0xFFFFFC00, s2;
	s17 =	sor.u32 $0x10, s15;
	s16 =	sor.u32 $0x30, s15  }
0x259: {  	v27 =	vcvt.s32.f32 v33;
	v29 =	vcvt.s32.f32 v34;
	s6 =	sor.u32 $0x20, s15;
	v16 =	vadd.f32 v16, v30;
	s9 =	sor.u32 s15, s2;
	s19 =	sor.u32 s2, s16  }
0x25a: {  	v17 =	vshll.u32 v17, $0x10;
	v19 =	vshll.u32 v19, $0x10;
	v23 =	vshll.u32 v23, $0x10;
	s3 =	sor.u32 s2, s17;
	s2 =	sor.u32 s2, s6;
	v30 =	vld [tilespmem:s19+$0x7E90]  }
0x25b: {  	v11 =	vadd.f32 v17, v11;
	v17 =	vshll.u32 v25, $0x10;
	v15 =	vadd.f32 v19, v15;
	v31 =	vld [tilespmem:s9+$0x7E90]  }
0x25c: {  	v18 =	vsub.f32 v18, v21;
	v21 =	vshll.u32 v26, $0x10;
	v16 =	vadd.f32 v23, v16;
	v19 =	vld [tilespmem:s3+$0x7E90]  }
0x25d: {  	v13 =	vshll.u32 v13, $0x10;
	v20 =	vsub.f32 v20, v27;
	v22 =	vsub.f32 v22, v29;
	v23 =	vld [tilespmem:s2+$0x7E90]  }
0x25e: {  	v26 =	vmul.f32 v24, v4;
	v11 =	vadd.f32 v17, v11;
	v17 =	vmul.f32 v12, v0;
	v0 =	vmovc v18;
	v25 =	vld [tilespmem:s9+$0x7F10]  }
0x25f: {  	v15 =	vadd.f32 v21, v15;
	v21 =	vmul.f32 v9, v5;
	v4 =	vmovc v20;
	v5 =	vmovc v22;
	v18 =	vld [tilespmem:s3+$0x7F10];
	v27 =	vmul.f32 $1.000000000e+03, v30  }
0x260: {  	v12 =	vshll.u32 v12, $0x10;
	v16 =	vadd.f32 v13, v16;
	v20 =	vmul.f32 $1.000000000e+03, v31;
	v22 =	vld [tilespmem:s2+$0x7F10]  }
0x261: {  	v24 =	vshll.u32 v24, $0x10;
	v29 =	vld [tilespmem:s9+$0x7F90];
	v19 =	vmul.f32 $1.000000000e+03, v19;
	v13 =	vtrunc.f32 v27  }
0x262: {  	v32 =	vshll.u32 v9, $0x10;
	v30 =	vld [tilespmem:s3+$0x7F90];
	v23 =	vmul.f32 $1.000000000e+03, v23;
	v31 =	vcvt.f32.s32 v13  }
0x263: {  	v10 =	vadd.f32 v17, v10;
	v9 =	vtrunc.f32 v20;
	v33 =	vtrunc.f32 v19;
	v34 =	vld [tilespmem:s2+$0x7F90]  }
0x264: {  	v17 =	vadd.f32 v26, v14;
	v35 =	vcvt.f32.s32 v9;
	v9 =	vtrunc.f32 v23;
	v36 =	vld [tilespmem:s19+$0x7F10]  }
0x265: {  	v26 =	vcvt.f32.s32 v33;
	v13 =	vld [tilespmem:s9+$0x8010];
	v33 =	vcvt.f32.s32 v9;
	[tilespmem:s31+$0x10210] =	vst v10;
	v9 =	vadd.f32 v21, v28;
	s31 =	smov.u32 s0;
	s0 =	smov.u32 s9  }
0x266: {  	v12 =	vadd.f32 v12, v2;
	v2 =	vmovc v11;
	v10 =	vcvt.s32.f32 v35;
	v21 =	vmul.f32 $1.000000000e+03, v25;
	v14 =	vld [tilespmem:s3+$0x8010];
	[tilespmem:s30+$0x10210] =	vst v17;
	s30 =	smov.u32 s1;
	s1 =	smov.u32 s3  }
0x267: {  	v24 =	vadd.f32 v24, v3;
	v3 =	vmovc v15;
	v25 =	vcvt.s32.f32 v26;
	v28 =	vcvt.s32.f32 v33;
	v17 =	vld [tilespmem:s2+$0x8010];
	[tilespmem:s29+$0x10210] =	vst v9;
	s29 =	smov.u32 s11;
	s11 =	smov.u32 s2  }
0x268: {  	v15 =	vmul.f32 $1.000000000e+03, v18;
	v18 =	vmul.f32 $1.000000000e+03, v22;
	v10 =	vsub.f32 v20, v10;
	v9 =	vld.idx.msk [tilespmem:v31+s13+$0x0], $0xffff;
	[tilespmem:s25+$0x0] =	vst v12;
	s25 =	smov.u32 s20  }
0x269: {  	v12 =	vsub.f32 v19, v25;
	v11 =	vld [tilespmem:s0+$0x8090];
	v19 =	vsub.f32 v23, v28;
	v20 =	vmul.f32 $1.000000000e+03, v36;
	[tilespmem:s10+$0x0] =	vst v24;
	s10 =	smov.u32 s28  }
0x26a: {  	v22 =	vtrunc.f32 v21;
	v25 =	vadd.f32 v32, v1;
	v1 =	vmovc v16;
	v23 =	vcvt.s32.f32 v31;
	v24 =	vld.idx.msk [tilespmem:v31+s4+$0x0], $0xffff  }
0x26b: {  	v28 =	vtrunc.f32 v15;
	v16 =	vld.idx.msk [tilespmem:v35+s13+$0x0], $0xffff;
	v31 =	vtrunc.f32 v20  }
0x26c: {  	v36 =	vtrunc.f32 v18;
	v23 =	vsub.f32 v27, v23;
	v32 =	vld.idx.msk [tilespmem:v26+s13+$0x0], $0xffff;
	v27 =	vcvt.f32.s32 v31;
	[tilespmem:s21+$0x0] =	vst v25;
	s21 =	smov.u32 s23  }
0x26d: {  	v22 =	vcvt.f32.s32 v22;
	v25 =	vcvt.f32.s32 v28;
	v28 =	vld.idx.msk [tilespmem:v33+s13+$0x0], $0xffff  }
0x26e: {  	v23 =	vmul.f32 v9, v23;
	v31 =	vld.idx.msk [tilespmem:v35+s4+$0x0], $0xffff;
	v35 =	vcvt.f32.s32 v36;
	v36 =	vadd.s32 $0x3E9, v27  }
0x26f: {  	v37 =	vcvt.s32.f32 v22;
	v22 =	vadd.s32 $0x3E9, v22;
	v38 =	vadd.s32 $0x3E9, v25;
	v39 =	vld [tilespmem:s19+$0x7F90]  }
0x270: {  	v25 =	vcvt.s32.f32 v25;
	v23 =	vadd.f32 v23, v24;
	v26 =	vld.idx.msk [tilespmem:v26+s4+$0x0], $0xffff;
	v40 =	vadd.s32 $0x3E9, v35  }
0x271: {  	v21 =	vsub.f32 v21, v37;
	v24 =	vmul.f32 v16, v10;
	v10 =	vcvt.s32.f32 v35;
	v33 =	vld.idx.msk [tilespmem:v33+s4+$0x0], $0xffff  }
0x272: {  	v29 =	vmul.f32 $1.000000000e+03, v29;
	v25 =	vsub.f32 v15, v25;
	v12 =	vmul.f32 v32, v12;
	v35 =	vld [tilespmem:s1+$0x8090];
	[tilespmem:s19+$0xFE90] =	vst v23  }
0x273: {  	v23 =	vmul.f32 $1.000000000e+03, v30;
	v15 =	vmul.f32 v28, v19;
	v18 =	vsub.f32 v18, v10;
	v10 =	vld.idx.msk [tilespmem:v36+s13+$0x0], $0xffff  }
0x274: {  	v19 =	vadd.f32 v24, v31;
	v24 =	vmul.f32 $1.000000000e+03, v34;
	v31 =	vld [tilespmem:s11+$0x8090];
	v30 =	vmul.f32 $1.000000000e+03, v39  }
0x275: {  	v37 =	vtrunc.f32 v29;
	v27 =	vcvt.s32.f32 v27;
	v34 =	vshll.u32 v16, $0x10;
	v36 =	vld.idx.msk [tilespmem:v36+s4+$0x0], $0xffff  }
0x276: {  	v12 =	vadd.f32 v12, v26;
	[tilespmem:s0+$0xFE90] =	vst v19;
	v16 =	vld [tilespmem:s0+$0x8110];
	v19 =	vtrunc.f32 v23;
	v26 =	vtrunc.f32 v30  }
0x277: {  	v20 =	vsub.f32 v20, v27;
	v33 =	vadd.f32 v15, v33;
	v39 =	vld.idx.msk [tilespmem:v22+s13+$0x0], $0xffff;
	v26 =	vcvt.f32.s32 v26  }
0x278: {  	v27 =	vcvt.f32.s32 v37;
	v32 =	vshll.u32 v32, $0x10;
	v22 =	vld.idx.msk [tilespmem:v22+s4+$0x0], $0xffff;
	[tilespmem:s1+$0xFE90] =	vst v12;
	v12 =	vtrunc.f32 v24  }
0x279: {  	v19 =	vcvt.f32.s32 v19;
	v20 =	vmul.f32 v10, v20;
	v15 =	vld.idx.msk [tilespmem:v38+s13+$0x0], $0xffff;
	[tilespmem:s11+$0xFE90] =	vst v33;
	v33 =	vadd.s32 $0x7D2, v26  }
0x27a: {  	v37 =	vcvt.s32.f32 v27;
	v27 =	vadd.s32 $0x7D2, v27;
	v41 =	vcvt.f32.s32 v12;
	v42 =	vld [tilespmem:s19+$0x8010]  }
0x27b: {  	v43 =	vcvt.s32.f32 v19;
	v19 =	vadd.s32 $0x7D2, v19;
	v20 =	vadd.f32 v20, v36;
	v12 =	vld.idx.msk [tilespmem:v40+s13+$0x0], $0xffff  }
0x27c: {  	v36 =	vsub.f32 v29, v37;
	v37 =	vcvt.s32.f32 v41;
	v29 =	vld.idx.msk [tilespmem:v38+s4+$0x0], $0xffff;
	v38 =	vadd.s32 $0x7D2, v41  }
0x27d: {  	v23 =	vsub.f32 v23, v43;
	v21 =	vmul.f32 v39, v21;
	v41 =	vmul.f32 $1.000000000e+03, v13;
	v40 =	vld.idx.msk [tilespmem:v40+s4+$0x0], $0xffff;
	[tilespmem:s19+$0xFF10] =	vst v20  }
0x27e: {  	v17 =	vmul.f32 $1.000000000e+03, v17;
	v20 =	vmul.f32 $1.000000000e+03, v14;
	v37 =	vsub.f32 v24, v37;
	v13 =	vld.idx.msk [tilespmem:v33+s13+$0x0], $0xffff  }
0x27f: {  	v14 =	vadd.f32 v21, v22;
	v21 =	vmul.f32 v15, v25;
	v22 =	vld [tilespmem:s1+$0x8110];
	v42 =	vmul.f32 $1.000000000e+03, v42  }
0x280: {  	v26 =	vcvt.s32.f32 v26;
	v43 =	vshll.u32 v28, $0x10;
	v25 =	vtrunc.f32 v41;
	v33 =	vld.idx.msk [tilespmem:v33+s4+$0x0], $0xffff  }
0x281: {  	v24 =	vadd.f32 $0.0e+00, v34;
	v18 =	vmul.f32 v12, v18;
	[tilespmem:s0+$0xFF10] =	vst v14;
	v34 =	vld [tilespmem:s11+$0x8110];
	v28 =	vtrunc.f32 v42  }
0x282: {  	v26 =	vsub.f32 v30, v26;
	v21 =	vadd.f32 v21, v29;
	v14 =	vld.idx.msk [tilespmem:v27+s13+$0x0], $0xffff;
	v44 =	vcvt.f32.s32 v28  }
0x283: {  	v29 =	vtrunc.f32 v17;
	v28 =	vtrunc.f32 v20;
	v18 =	vadd.f32 v18, v40;
	v27 =	vld.idx.msk [tilespmem:v27+s4+$0x0], $0xffff  }
0x284: {  	v25 =	vcvt.f32.s32 v25;
	v40 =	vld [tilespmem:s0+$0x8190];
	[tilespmem:s1+$0xFF10] =	vst v21;
	v21 =	vmul.f32 v13, v26;
	v45 =	vadd.s32 $0xBBB, v44  }
0x285: {  	v30 =	vcvt.f32.s32 v28;
	v26 =	vadd.f32 $0.0e+00, v32;
	[tilespmem:s11+$0xFF10] =	vst v18;
	v18 =	vcvt.f32.s32 v29;
	v32 =	vld [tilespmem:s19+$0x8090]  }
0x286: {  	v46 =	vcvt.s32.f32 v25;
	v47 =	vadd.s32 $0xBBB, v25;
	v28 =	vld.idx.msk [tilespmem:v19+s13+$0x0], $0xffff;
	v21 =	vadd.f32 v21, v33  }
0x287: {  	v25 =	vcvt.s32.f32 v30;
	v33 =	vadd.s32 $0xBBB, v30;
	v29 =	vld.idx.msk [tilespmem:v38+s13+$0x0], $0xffff;
	v48 =	vadd.s32 $0xBBB, v18  }
0x288: {  	v41 =	vsub.f32 v41, v46;
	v36 =	vmul.f32 v14, v36;
	v18 =	vcvt.s32.f32 v18;
	v19 =	vld.idx.msk [tilespmem:v19+s4+$0x0], $0xffff;
	[tilespmem:s19+$0xFF90] =	vst v21  }
0x289: {  	v11 =	vmul.f32 $1.000000000e+03, v11;
	v35 =	vmul.f32 $1.000000000e+03, v35;
	v20 =	vsub.f32 v20, v25;
	v30 =	vld.idx.msk [tilespmem:v45+s13+$0x0], $0xffff  }
0x28a: {  	v21 =	vadd.f32 v36, v27;
	v17 =	vsub.f32 v17, v18;
	v27 =	vld.idx.msk [tilespmem:v38+s4+$0x0], $0xffff;
	v18 =	vmul.f32 $1.000000000e+03, v32  }
0x28b: {  	v36 =	vmul.f32 $1.000000000e+03, v31;
	v31 =	vcvt.s32.f32 v44;
	v32 =	vadd.f32 $0.0e+00, v43;
	v38 =	vld.idx.msk [tilespmem:v45+s4+$0x0], $0xffff  }
0x28c: {  	v25 =	vshll.u32 v39, $0x10;
	v23 =	vmul.f32 v28, v23;
	[tilespmem:s0+$0xFF90] =	vst v21;
	v39 =	vld [tilespmem:s1+$0x8190];
	v43 =	vtrunc.f32 v18  }
0x28d: {  	v31 =	vsub.f32 v42, v31;
	v37 =	vmul.f32 v29, v37;
	v21 =	vld.idx.msk [tilespmem:v47+s13+$0x0], $0xffff;
	v42 =	vcvt.f32.s32 v43  }
0x28e: {  	v44 =	vtrunc.f32 v11;
	v19 =	vadd.f32 v23, v19;
	v23 =	vtrunc.f32 v35;
	v43 =	vld.idx.msk [tilespmem:v47+s4+$0x0], $0xffff  }
0x28f: {  	v45 =	vtrunc.f32 v36;
	v31 =	vmul.f32 v30, v31;
	v46 =	vld [tilespmem:s11+$0x8190];
	v47 =	vadd.s32 $0xFA4, v42  }
0x290: {  	v44 =	vcvt.f32.s32 v44;
	[tilespmem:s1+$0xFF90] =	vst v19;
	v19 =	vcvt.f32.s32 v23;
	v23 =	vadd.f32 v37, v27;
	v37 =	vld [tilespmem:s19+$0x8110]  }
0x291: {  	v49 =	vmul.f32 $1.000000000e+03, v16;
	v16 =	vcvt.f32.s32 v45;
	v38 =	vadd.f32 v31, v38;
	v27 =	vld.idx.msk [tilespmem:v33+s13+$0x0], $0xffff  }
0x292: {  	v45 =	vcvt.s32.f32 v44;
	v44 =	vadd.s32 $0xFA4, v44;
	v50 =	vld.idx.msk [tilespmem:v33+s4+$0x0], $0xffff;
	v51 =	vadd.s32 $0xFA4, v19;
	[tilespmem:s11+$0xFF90] =	vst v23  }
0x293: {  	v23 =	vmul.f32 v21, v41;
	v19 =	vcvt.s32.f32 v19;
	v41 =	vadd.s32 $0xFA4, v16;
	v31 =	vld.idx.msk [tilespmem:v48+s13+$0x0], $0xffff;
	[tilespmem:s19+$0x10010] =	vst v38  }
0x294: {  	v22 =	vmul.f32 $1.000000000e+03, v22;
	v38 =	vsub.f32 v11, v45;
	v11 =	vcvt.s32.f32 v16;
	v33 =	vld.idx.msk [tilespmem:v47+s13+$0x0], $0xffff  }
0x295: {  	v16 =	vadd.f32 v23, v43;
	v19 =	vsub.f32 v35, v19;
	v23 =	vld.idx.msk [tilespmem:v48+s4+$0x0], $0xffff;
	v35 =	vmul.f32 $1.000000000e+03, v37  }
0x296: {  	v36 =	vsub.f32 v36, v11;
	v37 =	vmul.f32 $1.000000000e+03, v34;
	v34 =	vcvt.s32.f32 v42;
	v42 =	vld.idx.msk [tilespmem:v47+s4+$0x0], $0xffff  }
0x297: {  	v45 =	vshll.u32 v15, $0x10;
	v15 =	vmul.f32 v27, v20;
	[tilespmem:s0+$0x10010] =	vst v16;
	v43 =	vld [tilespmem:s0+$0x8210];
	v16 =	vtrunc.f32 v35  }
0x298: {  	v20 =	vtrunc.f32 v49;
	v18 =	vsub.f32 v18, v34;
	v11 =	vld.idx.msk [tilespmem:v44+s13+$0x0], $0xffff;
	v47 =	vcvt.f32.s32 v16  }
0x299: {  	v15 =	vadd.f32 v15, v50;
	v16 =	vtrunc.f32 v22;
	v17 =	vmul.f32 v31, v17;
	v44 =	vld.idx.msk [tilespmem:v44+s4+$0x0], $0xffff  }
0x29a: {  	v34 =	vtrunc.f32 v37;
	v18 =	vmul.f32 v33, v18;
	v48 =	vld [tilespmem:s1+$0x8210];
	v50 =	vadd.s32 $0x138D, v47  }
0x29b: {  	v20 =	vcvt.f32.s32 v20;
	v16 =	vcvt.f32.s32 v16;
	v17 =	vadd.f32 v17, v23;
	[tilespmem:s1+$0x10010] =	vst v15;
	v23 =	vld [tilespmem:s19+$0x8190]  }
0x29c: {  	v40 =	vmul.f32 $1.000000000e+03, v40;
	v34 =	vcvt.f32.s32 v34;
	v18 =	vadd.f32 v18, v42;
	v15 =	vld.idx.msk [tilespmem:v51+s13+$0x0], $0xffff  }
0x29d: {  	v42 =	vcvt.s32.f32 v20;
	v20 =	vadd.s32 $0x138D, v20;
	v52 =	vadd.s32 $0x138D, v16;
	v51 =	vld.idx.msk [tilespmem:v51+s4+$0x0], $0xffff;
	[tilespmem:s11+$0x10010] =	vst v17  }
0x29e: {  	v53 =	vadd.s32 $0x138D, v34;
	v17 =	vmul.f32 v11, v38;
	v38 =	vcvt.s32.f32 v16;
	v16 =	vld.idx.msk [tilespmem:v41+s13+$0x0], $0xffff;
	[tilespmem:s19+$0x10090] =	vst v18  }
0x29f: {  	v39 =	vmul.f32 $1.000000000e+03, v39;
	v42 =	vsub.f32 v49, v42;
	v18 =	vcvt.s32.f32 v34;
	v34 =	vld.idx.msk [tilespmem:v50+s13+$0x0], $0xffff  }
0x2a0: {  	v17 =	vadd.f32 v17, v44;
	v38 =	vsub.f32 v22, v38;
	v22 =	vld.idx.msk [tilespmem:v41+s4+$0x0], $0xffff;
	v41 =	vmul.f32 $1.000000000e+03, v23  }
0x2a1: {  	v44 =	vmul.f32 $1.000000000e+03, v46;
	v37 =	vsub.f32 v37, v18;
	v18 =	vcvt.s32.f32 v47;
	v23 =	vld.idx.msk [tilespmem:v50+s4+$0x0], $0xffff  }
0x2a2: {  	v46 =	vshll.u32 v12, $0x10;
	v19 =	vmul.f32 v15, v19;
	[tilespmem:s0+$0x10090] =	vst v17;
	v47 =	vld [tilespmem:s11+$0x8210];
	v12 =	vtrunc.f32 v41  }
0x2a3: {  	v49 =	vtrunc.f32 v40;
	v18 =	vsub.f32 v35, v18;
	v17 =	vld.idx.msk [tilespmem:v20+s13+$0x0], $0xffff;
	v35 =	vcvt.f32.s32 v12  }
0x2a4: {  	v19 =	vadd.f32 v19, v51;
	v36 =	vmul.f32 v16, v36;
	v50 =	vld.idx.msk [tilespmem:v20+s4+$0x0], $0xffff;
	v20 =	vtrunc.f32 v39  }
0x2a5: {  	v51 =	vtrunc.f32 v44;
	v54 =	vmul.f32 v34, v18;
	v55 =	vadd.s32 $0x1776, v35;
	v12 =	vld.idx.msk [tilespmem:v6+s13+$0x0], $0xffff  }
0x2a6: {  	v49 =	vcvt.f32.s32 v49;
	v20 =	vcvt.f32.s32 v20;
	v22 =	vadd.f32 v36, v22;
	[tilespmem:s1+$0x10090] =	vst v19;
	v36 =	vld [tilespmem:s19+$0x8210]  }
0x2a7: {  	v18 =	vmul.f32 $1.000000000e+03, v43;
	v43 =	vcvt.f32.s32 v51;
	v51 =	vadd.f32 v54, v23;
	v19 =	vld.idx.msk [tilespmem:v52+s13+$0x0], $0xffff  }
0x2a8: {  	v54 =	vcvt.s32.f32 v49;
	v49 =	vadd.s32 $0x1776, v49;
	v56 =	vadd.s32 $0x1776, v20;
	v52 =	vld.idx.msk [tilespmem:v52+s4+$0x0], $0xffff;
	[tilespmem:s11+$0x10090] =	vst v22  }
0x2a9: {  	v57 =	vadd.s32 $0x1776, v43;
	v22 =	vmul.f32 v17, v42;
	v42 =	vcvt.s32.f32 v20;
	v23 =	vld.idx.msk [tilespmem:v53+s13+$0x0], $0xffff;
	[tilespmem:s19+$0x10110] =	vst v51  }
0x2aa: {  	v43 =	vcvt.s32.f32 v43;
	v40 =	vsub.f32 v40, v54;
	v20 =	vmul.f32 $1.000000000e+03, v48;
	v48 =	vld.idx.msk [tilespmem:v55+s13+$0x0], $0xffff  }
0x2ab: {  	v50 =	vadd.f32 v22, v50;
	v39 =	vsub.f32 v39, v42;
	v42 =	vld.idx.msk [tilespmem:v53+s4+$0x0], $0xffff;
	v36 =	vmul.f32 $1.000000000e+03, v36  }
0x2ac: {  	v35 =	vcvt.s32.f32 v35;
	v43 =	vsub.f32 v44, v43;
	v22 =	vmul.f32 $1.000000000e+03, v47;
	v44 =	vld.idx.msk [tilespmem:v55+s4+$0x0], $0xffff  }
0x2ad: {  	v47 =	vadd.f32 v25, v24;
	v38 =	vmul.f32 v19, v38;
	[tilespmem:s0+$0x10110] =	vst v50;
	v50 =	vtrunc.f32 v36;
	v24 =	vld.idx.msk [tilespmem:v8+s13+$0x0], $0xffff  }
0x2ae: {  	v45 =	vadd.f32 v45, v26;
	v26 =	vsub.f32 v41, v35;
	v25 =	vld.idx.msk [tilespmem:v49+s13+$0x0], $0xffff;
	v35 =	vcvt.f32.s32 v50  }
0x2af: {  	v9 =	vshll.u32 v9, $0x10;
	v38 =	vadd.f32 v38, v52;
	v37 =	vmul.f32 v23, v37;
	v41 =	vld.idx.msk [tilespmem:v49+s4+$0x0], $0xffff  }
0x2b0: {  	v49 =	vadd.f32 $0.0e+00, v9;
	v50 =	vmul.f32 v48, v26;
	v51 =	vadd.s32 $0x1B5F, v35;
	v9 =	vld.idx.msk [tilespmem:v7+s13+$0x0], $0xffff  }
0x2b1: {  	[tilespmem:s1+$0x10110] =	vst v38;
	v38 =	vadd.f32 v46, v32;
	v32 =	vadd.f32 v37, v42;
	v37 =	vshll.u32 v10, $0x10;
	v10 =	vld.idx.msk [tilespmem:v6+s4+$0x0], $0xffff  }
0x2b2: {  	v6 =	vshll.u32 v14, $0x10;
	v26 =	vld.idx.msk [tilespmem:v56+s13+$0x0], $0xffff;
	v14 =	vadd.f32 v37, v49;
	v37 =	vadd.f32 v50, v44  }
0x2b3: {  	v28 =	vshll.u32 v28, $0x10;
	v29 =	vshll.u32 v29, $0x10;
	v42 =	vld.idx.msk [tilespmem:v56+s4+$0x0], $0xffff;
	[tilespmem:s11+$0x10110] =	vst v32;
	v32 =	vshll.u32 v13, $0x10  }
0x2b4: {  	v44 =	vtrunc.f32 v18;
	v40 =	vmul.f32 v25, v40;
	v13 =	vld.idx.msk [tilespmem:v57+s13+$0x0], $0xffff;
	v14 =	vadd.f32 v32, v14;
	[tilespmem:s19+$0x10190] =	vst v37  }
0x2b5: {  	v30 =	vshll.u32 v30, $0x10;
	v46 =	vtrunc.f32 v22;
	v37 =	vtrunc.f32 v20;
	v49 =	vld.idx.msk [tilespmem:v51+s13+$0x0], $0xffff  }
0x2b6: {  	v32 =	vcvt.f32.s32 v44;
	v40 =	vadd.f32 v40, v41;
	v41 =	vld.idx.msk [tilespmem:v57+s4+$0x0], $0xffff;
	v14 =	vadd.f32 v30, v14  }
0x2b7: {  	v6 =	vadd.f32 v6, v47;
	v30 =	vshll.u32 v33, $0x10;
	v33 =	vcvt.s32.f32 v35;
	v44 =	vld.idx.msk [tilespmem:v51+s4+$0x0], $0xffff  }
0x2b8: {  	[tilespmem:s0+$0x10190] =	vst v40;
	v40 =	vadd.f32 v28, v45;
	v28 =	vmul.f32 v26, v39;
	v30 =	vadd.f32 v30, v14  }
0x2b9: {  	v35 =	vadd.f32 v29, v38;
	v29 =	vshll.u32 v34, $0x10;
	v34 =	vsub.f32 v36, v33;
	v14 =	vld.idx.msk [tilespmem:v8+s4+$0x0], $0xffff  }
0x2ba: {  	v36 =	vmul.f32 v13, v43;
	v8 =	vadd.f32 v28, v42;
	v29 =	vadd.f32 v29, v30;
	v28 =	vld.idx.msk [tilespmem:v7+s4+$0x0], $0xffff  }
.Ltmp1:
0x2bb: {  	v33 =	vcvt.f32.s32 v37;
	v7 =	vshll.u32 v48, $0x10;
	v30 =	vmul.f32 v49, v34;
	(pc) =	sbr.rel @p0 .LBB2_5-.Ltmp1, $4  }
0x2bc: {  	s2 =	sshll.u32 s22, $0x4;
	v34 =	vcvt.f32.s32 v46;
	[tilespmem:s1+$0x10190] =	vst v8;
	v8 =	vadd.f32 v36, v41;
	v29 =	vadd.f32 v7, v29  }
0x2bd: {  	s2 =	sand.u32 $0x3FFFFF80, s2;
	v36 =	vshll.u32 v21, $0x10;
	v21 =	vshll.u32 v49, $0x10;
	v30 =	vadd.f32 v30, v44  }
0x2be: {  	s23 =	sadd.s32 $0x14690, s2;
	v37 =	vshll.u32 v27, $0x10;
	v7 =	vshll.u32 v31, $0x10;
	[tilespmem:s11+$0x10190] =	vst v8;
	v21 =	vadd.f32 v21, v29  }
0x2bf: {  	s20 =	sor.u32 s15, s23;
	s28 =	sadd.s32 s17, s23;
	s2 =	sadd.s32 s16, s23;
	v27 =	vadd.f32 v36, v6;
	v6 =	vadd.s32 $0x1B5F, v32;
	v29 =	vadd.f32 v37, v40;
	[tilespmem:s19+$0x10210] =	vst v30  }
0x2c0: {  	v8 =	vadd.s32 $0x1B5F, v33;
	v7 =	vadd.f32 v7, v35;
	v30 =	vadd.s32 $0x1B5F, v34  }
0x2c1: {  	v11 =	vshll.u32 v11, $0x10;
	v15 =	vshll.u32 v15, $0x10;
	v35 =	vcvt.s32.f32 v32  }
0x2c2: {  	v16 =	vshll.u32 v16, $0x10;
	v36 =	vcvt.s32.f32 v33;
	v37 =	vcvt.s32.f32 v34  }
0x2c3: {  	v0 =	vmul.f32 v12, v0;
	v4 =	vmul.f32 v24, v4;
	v43 =	vshll.u32 v12, $0x10  }
0x2c4: {  	v47 =	vshll.u32 v24, $0x10;
	v11 =	vadd.f32 v11, v27;
	v15 =	vadd.f32 v15, v29  }
0x2c5: {  	v31 =	vld.idx.msk [tilespmem:v6+s13+$0x0], $0xffff;
	v49 =	vshll.u32 v9, $0x10;
	v2 =	vadd.f32 v43, v2;
	v3 =	vadd.f32 v47, v3  }
0x2c6: {  	v5 =	vmul.f32 v9, v5;
	v41 =	vld.idx.msk [tilespmem:v6+s4+$0x0], $0xffff;
	v1 =	vadd.f32 v49, v1;
	v0 =	vadd.f32 v0, v10  }
0x2c7: {  	v17 =	vshll.u32 v17, $0x10;
	[tilespmem:s2+$0x0] =	vst v21;
	v7 =	vadd.f32 v16, v7;
	v4 =	vadd.f32 v4, v14;
	v38 =	vld.idx.msk [tilespmem:v8+s13+$0x0], $0xffff  }
0x2c8: {  	v19 =	vshll.u32 v19, $0x10;
	v18 =	vsub.f32 v18, v35;
	v44 =	vadd.f32 v5, v28;
	[tilespmem:s31+$0x10210] =	vst v0;
	v39 =	vld.idx.msk [tilespmem:v30+s13+$0x0], $0xffff  }
0x2c9: {  	v23 =	vshll.u32 v23, $0x10;
	v42 =	vsub.f32 v20, v36;
	v11 =	vadd.f32 v17, v11;
	[tilespmem:s30+$0x10210] =	vst v4;
	v45 =	vld.idx.msk [tilespmem:v8+s4+$0x0], $0xffff  }
0x2ca: {  	v40 =	vshll.u32 v25, $0x10;
	v46 =	vsub.f32 v22, v37;
	[tilespmem:s29+$0x10210] =	vst v44;
	v48 =	vld.idx.msk [tilespmem:v30+s4+$0x0], $0xffff;
	v50 =	vmul.f32 v31, v18  }
0x2cb: {  	v51 =	vshll.u32 v26, $0x10;
	v15 =	vadd.f32 v19, v15;
	[tilespmem:s25+$0x0] =	vst v2;
	v55 =	vadd.f32 v40, v11  }
0x2cc: {  	[tilespmem:s10+$0x0] =	vst v3;
	v58 =	vshll.u32 v31, $0x10;
	v0 =	vadd.f32 v50, v41;
	v52 =	vmul.f32 v38, v42  }
0x2cd: {  	v7 =	vadd.f32 v23, v7;
	[tilespmem:s21+$0x0] =	vst v1;
	v5 =	vadd.f32 v58, v55;
	v53 =	vmul.f32 v39, v46  }
0x2ce: {  	v54 =	vshll.u32 v13, $0x10;
	v57 =	vadd.f32 v51, v15;
	[tilespmem:s0+$0x10210] =	vst v0;
	v56 =	vadd.f32 v52, v45  }
0x2cf: {  	v60 =	vadd.f32 v54, v7;
	v61 =	vshll.u32 v38, $0x10;
	[tilespmem:s20+$0x0] =	vst v5;
	v59 =	vadd.f32 v53, v48  }
0x2d0: {  	s26 =	sadd.s32 $0x1, s26;
	v62 =	vshll.u32 v39, $0x10;
	v2 =	vadd.f32 v61, v57;
	[tilespmem:s1+$0x10210] =	vst v56  }
0x2d1: {  	s22 =	sshll.u32 s12, $0x7;
	p0 =	sne.s32 s26, $0x8;
	v63 =	vadd.f32 v62, v60;
	[tilespmem:s11+$0x10210] =	vst v59  }
0x2d2: {  	s29 =	simm.s32 $0xFE90;
	s25 =	sor.u32 s6, s23;
	s0 =	sand.u32 $0x1FFFF800, s22;
	[tilespmem:s28+$0x0] =	vst v2  }
.Ltmp2:
0x2d3: {  	s30 =	sshll.u32 s12, $0x4;
	s0 =	sadd.s32 s24, s0;
	[tilespmem:s25+$0x0] =	vst v63;
	(pc) =	sbr.rel @p0 .LBB2_2-.Ltmp2, $4  }
0x2d4: {  	[hbm4b:s0+s4] =	stream.linear.scatter [tilespmem:s29], [sflag:$0x4], $0x4000, $0x38;
	[tilespmem:$0x14E90] =	vst v63  }
0x2d5: {  	s0 =	sand.u32 $0x1FFFFF00, s30  }
0x2d6: {  	s31 =	simm.s32 $0x14690;
	s0 =	sadd.s32 s14, s0  }
0x2d7: {  	[hbm4b:s0+s4] =	stream.linear.scatter [tilespmem:s31], [sflag:$0x6], $0x800, $0x38;
	[tilespmem:$0x14E90] =	vst v63  }
0x2d8: {  	s0 =	simm.s32 $0x3  }
0x2d9: {  	_ =	swait.ge [sflag:s0], $0x4000  }
0x2da: {  	[sflag:s0] =	ssyncset.done $0x0  }
0x2db: {  	s29 =	simm.s32 $0x5;
	[sflag:s0] =	ssyncadd.s32 $0xFFFFC000  }
0x2dc: {  	_ =	swait.ge [sflag:s29], $0x800  }
0x2dd: {  	[sflag:s29] =	ssyncset.done $0x0  }
0x2de: {  	s30 =	simm.s32 $0x4;
	[sflag:s29] =	ssyncadd.s32 $0xFFFFF800  }
0x2df: {  	_ =	swait.ge [sflag:s30], $0x4000  }
0x2e0: {  	[sflag:s30] =	ssyncset.done $0x0  }
0x2e1: {  	s1 =	simm.s32 $0x6;
	[sflag:s30] =	ssyncadd.s32 $0xFFFFC000  }
0x2e2: {  	_ =	swait.ge [sflag:s1], $0x800  }
0x2e3: {  	s2 =	rddreg [dreg:$0xa]  }
0x2e4: {  	s31 =	rddreg [dreg:$0x9];
	s2 =	sadd.s32 $0x1, s2  }
0x2e5: {  	p0 =	sne.s32 s2, s31  }
.Ltmp3:
0x2e6: {  	_ = 	snop;
	(pc) =	sbr.rel @p0 .LBB2_1-.Ltmp3, $3  }
0x2e7: {  	_ =	sdelay $0x1  }
0x2e8: {  	[sflag:s1] =	ssyncset.done $0x0  }
0x2e9: {  	[sflag:s1] =	ssyncadd.s32 $0xFFFFF800  }
0x2ea: {  	_ =	sfence.sel $0x180000  }
0x2eb: {  	[bflag:$0x0] =	sbarrier.arrive $0xFFFF  }
0x2ec: {  	_ =	strace $0x90000047  }
0x2ed: {  	s0 =	stileid.u32;
	[bflag:$0x2] =	sbarrier.arrive $0xFFFF  }
0x2ee: {  	p0 =	sne.s32 s0, $0x0;
	s0 =	rddreg [dreg:$0x4]  }
0x2ef: {  	s0 =	sadd.s32 @!p0 $0x100000, s0  }
0x2f0: {  	[sflag:s0] =	ssyncadd.tile.s32 @!p0 $0x1;
	_ =	shalt  }
.Lfunc_end2:
_tile_overlayer_lowered:
.L_overlay_start_2:
0x2f1: {  	(tag) =	ssettag $0x2  }
0x2f2: {  	s0 =	rddreg [dreg:$0x0];
	s2 =	stileid.u32  }
0x2f3: {  	s1 =	rddreg [dreg:$0x1];
	p0 =	sne.s32 s2, $0x0  }
0x2f4: {  	s3 =	rddreg [dreg:$0x2];
	[bflag:$0x3] =	sbarrier.arrive $0xFFFF;
	s2 =	simm.s32 @!p0 $0x1C07  }
0x2f5: {  	[timem:s3], [sflag:s2] =	dma.local @!p0 [hbm:s0], s1  }
0x2f6: {  	s0 =	simm.s32 @!p0 $0x7  }
0x2f7: {  	_ =	swait.ge @!p0 [sflag:s0], s1  }
0x2f8: {  	s1 =	ssub.s32 @!p0 $0x0, s1;
	[sflag:s0] =	ssyncset.done @!p0 $0x0  }
0x2f9: {  	[sflag:s0] =	ssyncadd.s32 @!p0 s1  }
0x2fa: {  	[bflag:$0x3] =	sbarrier.arrive $0xFFFF  }
0x2fb: {  	_ =	shalt  }

</sc_bundles>
